<compile_context>
chip_gen: v7x
topology: tpu7x:2x2x1
jax: 0.10.2.dev20260603
libtpu: 0.0.44.dev20260713+nightly
codegen_flags: <defaults>
</compile_context>

<pallas_src>
import functools

import jax
import jax.numpy as jnp
from jax import lax
from jax.experimental import pallas as pl
from jax.experimental.pallas import tpu as pltpu
from jax.experimental.pallas import tpu_sc as plsc

N = 10000
E = 320000
NW = 32
NT = 16
EPW = 10240
E_PAD = NW * EPW
N_ACC = 10240
ROWS_PER_TILE = N_ACC // NT
DEG_W = 8
S = 1024


def _mesh():
    return plsc.VectorSubcoreMesh(core_axis_name="c", subcore_axis_name="s")


@functools.cache
def _prop_kernel(d):

    stage = d <= 16
    scratch = [
        pltpu.VMEM((EPW,), jnp.int32),
        pltpu.VMEM((EPW,), jnp.int32),
        pltpu.VMEM((S, d), jnp.float32),
        pltpu.VMEM_SHARED((N_ACC, d), jnp.float32),
    ]
    if stage:
        scratch.append(pltpu.VMEM_SHARED((N, d), jnp.float32))
    scratch.append(pltpu.SemaphoreType.DMA)

    @functools.partial(
        pl.kernel,
        out_type=pltpu.HBM((2, N_ACC, d), jnp.float32),
        mesh=_mesh(),
        scratch_types=scratch,
        compiler_params=pltpu.CompilerParams(use_tc_tiling_on_sc=False),
    )
    def prop(hs, srcp, dstp, ztile, out, src_v, dst_v, rows, *rest):
        if stage:
            acc, hsp, sem = rest
        else:
            acc, sem = rest
            hsp = None
        c = lax.axis_index("c")
        t = lax.axis_index("s")
        wid = c * NT + t
        pltpu.sync_copy(ztile, acc.at[pl.ds(t * ROWS_PER_TILE, ROWS_PER_TILE)])
        if stage:
            pltpu.sync_copy(hs.at[pl.ds(t * (N // NT), N // NT)],
                            hsp.at[pl.ds(t * (N // NT), N // NT)])
        plsc.subcore_barrier()
        pltpu.sync_copy(srcp.at[wid], src_v)
        pltpu.sync_copy(dstp.at[wid], dst_v)

        gsrc = hsp if stage else hs

        def body(g, carry):
            j = S * g
            pltpu.async_copy(gsrc.at[src_v.at[pl.ds(j, S)]], rows, sem).wait()
            pltpu.sync_copy(rows, acc.at[dst_v.at[pl.ds(j, S)]], add=True)
            return carry

        lax.fori_loop(0, EPW // S, body, 0)
        plsc.subcore_barrier()
        off = t * ROWS_PER_TILE
        pltpu.sync_copy(acc.at[pl.ds(off, ROWS_PER_TILE)],
                        out.at[c, pl.ds(off, ROWS_PER_TILE)])

    return prop


@functools.cache
def _prop64_kernel():
    DH = 32

    @functools.partial(
        pl.kernel,
        out_type=pltpu.HBM((2, 2, N_ACC, DH), jnp.float32),
        mesh=_mesh(),
        scratch_types=[
            pltpu.VMEM((EPW,), jnp.int32),
            pltpu.VMEM((EPW,), jnp.int32),
            pltpu.VMEM((S, DH), jnp.float32),
            pltpu.VMEM((ROWS_PER_TILE, DH), jnp.float32),
            pltpu.VMEM_SHARED((N_ACC, DH), jnp.float32),
            pltpu.VMEM_SHARED((N, DH), jnp.float32),
            pltpu.SemaphoreType.DMA,
        ],
        compiler_params=pltpu.CompilerParams(use_tc_tiling_on_sc=False),
    )
    def prop(hs_lo, hs_hi, srcp, dstp, ztile, out, src_v, dst_v, rows, zbuf,
             acc, hsp, sem):
        c = lax.axis_index("c")
        t = lax.axis_index("s")
        wid = c * NT + t
        pltpu.sync_copy(srcp.at[wid], src_v)
        pltpu.sync_copy(dstp.at[wid], dst_v)
        pltpu.sync_copy(ztile, zbuf)
        for h, hs in enumerate((hs_lo, hs_hi)):
            pltpu.sync_copy(zbuf, acc.at[pl.ds(t * ROWS_PER_TILE, ROWS_PER_TILE)])
            pltpu.sync_copy(hs.at[pl.ds(t * (N // NT), N // NT)],
                            hsp.at[pl.ds(t * (N // NT), N // NT)])
            plsc.subcore_barrier()

            def body(g, carry):
                j = S * g
                pltpu.async_copy(hsp.at[src_v.at[pl.ds(j, S)]], rows,
                                 sem).wait()
                pltpu.sync_copy(rows, acc.at[dst_v.at[pl.ds(j, S)]], add=True)
                return carry

            lax.fori_loop(0, EPW // S, body, 0)
            plsc.subcore_barrier()
            off = t * ROWS_PER_TILE
            pltpu.sync_copy(acc.at[pl.ds(off, ROWS_PER_TILE)],
                            out.at[h, c, pl.ds(off, ROWS_PER_TILE)])

    return prop


@functools.cache
def _deg_kernel():

    @functools.partial(
        pl.kernel,
        out_type=jax.ShapeDtypeStruct((2, N_ACC, DEG_W), jnp.float32),
        mesh=_mesh(),
        scratch_types=[
            pltpu.VMEM((EPW,), jnp.int32),
            pltpu.VMEM((S, DEG_W), jnp.float32),
            pltpu.VMEM_SHARED((N_ACC, DEG_W), jnp.float32),
        ],
        compiler_params=pltpu.CompilerParams(use_tc_tiling_on_sc=False),
    )
    def degk(dstp, ones_hbm, ztile, out, dst_v, ones_v, acc):
        c = lax.axis_index("c")
        t = lax.axis_index("s")
        wid = c * NT + t
        pltpu.sync_copy(ztile, acc.at[pl.ds(t * ROWS_PER_TILE, ROWS_PER_TILE)])
        plsc.subcore_barrier()
        pltpu.sync_copy(dstp.at[wid], dst_v)
        pltpu.sync_copy(ones_hbm, ones_v)

        def body(g, carry):
            pltpu.sync_copy(ones_v, acc.at[dst_v.at[pl.ds(S * g, S)]], add=True)
            return carry

        lax.fori_loop(0, EPW // S, body, 0)
        plsc.subcore_barrier()
        off = t * ROWS_PER_TILE
        pltpu.sync_copy(acc.at[pl.ds(off, ROWS_PER_TILE)],
                        out.at[c, pl.ds(off, ROWS_PER_TILE)])

    return degk


RB = 2000
_NG = N // RB


def _tc1(x, W1, dp):

    def body(x_ref, w_ref, dp_ref, ylo_ref, yhi_ref, s8_ref):
        deg = dp_ref[0] + dp_ref[1]
        s8 = jnp.where(deg > 0, lax.rsqrt(jnp.maximum(deg, 1e-12)), 0.0)
        s8_ref[...] = s8
        s = s8[:, :1]
        xv = x_ref[...]
        ylo_ref[...] = s * jnp.dot(xv, w_ref[...][:, :32],
                                   preferred_element_type=jnp.float32)
        yhi_ref[...] = s * jnp.dot(xv, w_ref[...][:, 32:],
                                   preferred_element_type=jnp.float32)

    return pl.pallas_call(
        body,
        grid=(_NG,),
        in_specs=[
            pl.BlockSpec((RB, 128), lambda i: (i, 0)),
            pl.BlockSpec((128, 64), lambda i: (0, 0)),
            pl.BlockSpec((2, RB, DEG_W), lambda i: (0, i, 0)),
        ],
        out_specs=(
            pl.BlockSpec((RB, 32), lambda i: (i, 0)),
            pl.BlockSpec((RB, 32), lambda i: (i, 0)),
            pl.BlockSpec((RB, DEG_W), lambda i: (i, 0)),
        ),
        out_shape=(
            jax.ShapeDtypeStruct((N, 32), jnp.float32),
            jax.ShapeDtypeStruct((N, 32), jnp.float32),
            jax.ShapeDtypeStruct((N, DEG_W), jnp.float32),
        ),
    )(x, W1, dp)


def _tc_combine64(p, s8):

    def body(p_ref, s8_ref, zlo_ref, zhi_ref, zslo_ref, zshi_ref):
        s = s8_ref[...][:, :1]
        zlo = s * (p_ref[0, 0] + p_ref[0, 1])
        zhi = s * (p_ref[1, 0] + p_ref[1, 1])
        zlo_ref[...] = zlo
        zhi_ref[...] = zhi
        zslo_ref[...] = s * zlo
        zshi_ref[...] = s * zhi

    return pl.pallas_call(
        body,
        grid=(_NG,),
        in_specs=[
            pl.BlockSpec((2, 2, RB, 32), lambda i: (0, 0, i, 0)),
            pl.BlockSpec((RB, DEG_W), lambda i: (i, 0)),
        ],
        out_specs=tuple(pl.BlockSpec((RB, 32), lambda i: (i, 0))
                        for _ in range(4)),
        out_shape=tuple(jax.ShapeDtypeStruct((N, 32), jnp.float32)
                        for _ in range(4)),
    )(p, s8)


def _tc_combine16(r, s8):

    def body(r_ref, s8_ref, z_ref, zs_ref):
        s = s8_ref[...][:, :1]
        z = s * (r_ref[0] + r_ref[1])
        z_ref[...] = z
        zs_ref[...] = s * z

    return pl.pallas_call(
        body,
        grid=(_NG,),
        in_specs=[
            pl.BlockSpec((2, RB, 16), lambda i: (0, i, 0)),
            pl.BlockSpec((RB, DEG_W), lambda i: (i, 0)),
        ],
        out_specs=(
            pl.BlockSpec((RB, 16), lambda i: (i, 0)),
            pl.BlockSpec((RB, 16), lambda i: (i, 0)),
        ),
        out_shape=(
            jax.ShapeDtypeStruct((N, 16), jnp.float32),
            jax.ShapeDtypeStruct((N, 16), jnp.float32),
        ),
    )(r, s8)


def _tc_mid(q, z1lo, z1hi, s8, b1, W2, aa):

    def body(q_ref, z1lo_ref, z1hi_ref, s8_ref, b1_ref, w2_ref, aa_ref,
             us_ref):
        s = s8_ref[...][:, :1]
        cc = 0.25 * aa_ref[0]
        b1v = b1_ref[...]
        w2v = w2_ref[...]
        hlo = jnp.maximum(0.5 * z1lo_ref[...] + (cc * s) * (q_ref[0, 0] + q_ref[0, 1])
                          + b1v[:, :32], 0.0)
        hhi = jnp.maximum(0.5 * z1hi_ref[...] + (cc * s) * (q_ref[1, 0] + q_ref[1, 1])
                          + b1v[:, 32:], 0.0)
        u = (jnp.dot(hlo, w2v[:32], preferred_element_type=jnp.float32)
             + jnp.dot(hhi, w2v[32:], preferred_element_type=jnp.float32))
        us_ref[...] = s * u

    return pl.pallas_call(
        body,
        grid=(_NG,),
        in_specs=[
            pl.BlockSpec((2, 2, RB, 32), lambda i: (0, 0, i, 0)),
            pl.BlockSpec((RB, 32), lambda i: (i, 0)),
            pl.BlockSpec((RB, 32), lambda i: (i, 0)),
            pl.BlockSpec((RB, DEG_W), lambda i: (i, 0)),
            pl.BlockSpec((1, 64), lambda i: (0, 0)),
            pl.BlockSpec((64, 16), lambda i: (0, 0)),
            pl.BlockSpec(memory_space=pltpu.SMEM),
        ],
        out_specs=pl.BlockSpec((RB, 16), lambda i: (i, 0)),
        out_shape=jax.ShapeDtypeStruct((N, 16), jnp.float32),
    )(q, z1lo, z1hi, s8, b1, W2, aa)


def _tc_final(t, v1, s8, b2, aa):

    def body(t_ref, v1_ref, s8_ref, b2_ref, aa_ref, o_ref):
        s = s8_ref[...][:, :1]
        v2 = s * (t_ref[0] + t_ref[1])
        o = 0.5 * v1_ref[...] + (0.25 * aa_ref[0]) * v2 + b2_ref[...]
        m = jnp.max(o, axis=1, keepdims=True)
        lse = jnp.log(jnp.sum(jnp.exp(o - m), axis=1, keepdims=True)) + m
        o_ref[...] = o - lse

    return pl.pallas_call(
        body,
        grid=(_NG,),
        in_specs=[
            pl.BlockSpec((2, RB, 16), lambda i: (0, i, 0)),
            pl.BlockSpec((RB, 16), lambda i: (i, 0)),
            pl.BlockSpec((RB, DEG_W), lambda i: (i, 0)),
            pl.BlockSpec((1, 16), lambda i: (0, 0)),
            pl.BlockSpec(memory_space=pltpu.SMEM),
        ],
        out_specs=pl.BlockSpec((RB, 16), lambda i: (i, 0)),
        out_shape=jax.ShapeDtypeStruct((N, 16), jnp.float32),
    )(t, v1, s8, b2, aa)


def kernel(x, edge_index, W1, b1, W2, b2, att_w, att_b):
    src = edge_index[0].astype(jnp.int32)
    dst = edge_index[1].astype(jnp.int32)
    pad = E_PAD - E
    srcp = jnp.concatenate([src, jnp.zeros((pad,), jnp.int32)]).reshape(NW, EPW)
    pad_dst = N + (jnp.arange(pad, dtype=jnp.int32) % (N_ACC - N))
    dstp = jnp.concatenate([dst, pad_dst]).reshape(NW, EPW)

    a = jax.nn.sigmoid(jax.nn.relu(att_w[0, 0] + att_w[1, 0]) + att_b[0])
    aa = (a * a).reshape(1).astype(jnp.float32)

    zeros32 = jnp.zeros((ROWS_PER_TILE, 32), jnp.float32)
    zeros16 = jnp.zeros((ROWS_PER_TILE, 16), jnp.float32)
    zeros8 = jnp.zeros((ROWS_PER_TILE, DEG_W), jnp.float32)
    ones8 = jnp.ones((S, DEG_W), jnp.float32)

    dp = _deg_kernel()(dstp, ones8, zeros8)
    yslo, yshi, s8 = _tc1(x, W1, dp)

    p = _prop64_kernel()(yslo, yshi, srcp, dstp, zeros32)
    z1lo, z1hi, zslo, zshi = _tc_combine64(p, s8)
    q = _prop64_kernel()(zslo, zshi, srcp, dstp, zeros32)
    us = _tc_mid(q, z1lo, z1hi, s8, b1.reshape(1, 64), W2, aa)

    r = _prop_kernel(16)(us, srcp, dstp, zeros16)
    v1, us2 = _tc_combine16(r, s8)
    t = _prop_kernel(16)(us2, srcp, dstp, zeros16)
    return _tc_final(t, v1, s8, b2.reshape(1, 16), aa)

# --- scband reference (transcript-rebuilt; emitter-appended) ---
"""Pipeline reference for scband-net-22239340658905 (READ-ONLY COPY).

The authoritative reference and input builder live on the scoring server;
editing this copy changes nothing except your own understanding.
"""

import jax, jax.numpy as jnp
import numpy as np

N_NODES = 10000
N_EDGES = 320000
D_FEAT = 128
HIDDEN = 64
N_CLASSES = 16


def setup_inputs(seed: int = 0) -> dict:
    key = jax.random.key(seed)
    ks = jax.random.split(key, 8)
    x = jax.random.normal(ks[0], (N_NODES, D_FEAT), dtype=jnp.float32)
    edge_index = jax.random.randint(ks[1], (2, N_EDGES), 0, N_NODES, dtype=jnp.int64 if jax.config.jax_enable_x64 else jnp.int32).astype(jnp.int32)
    W1 = jax.random.normal(ks[2], (D_FEAT, HIDDEN), dtype=jnp.float32) * (1.0 / np.sqrt(D_FEAT))
    b1 = jnp.zeros((HIDDEN,), dtype=jnp.float32)
    W2 = jax.random.normal(ks[3], (HIDDEN, N_CLASSES), dtype=jnp.float32) * (1.0 / np.sqrt(HIDDEN))
    b2 = jnp.zeros((N_CLASSES,), dtype=jnp.float32)
    att_w = jax.random.normal(ks[4], (2, 2), dtype=jnp.float32)
    att_b = jnp.zeros((2,), dtype=jnp.float32)
    return {"x": x, "edge_index": edge_index, "W1": W1, "b1": b1, "W2": W2, "b2": b2, "att_w": att_w, "att_b": att_b}


def _propagate(h, src, dst, w, n):
    # scatter-add aggregation: out[dst] += w * h[src]
    msgs = h[src] * w[:, None]
    return jax.ops.segment_sum(msgs, dst, num_segments=n)


def reference(x, edge_index, W1, b1, W2, b2, att_w, att_b):
    n = x.shape[0]
    src = edge_index[0]
    dst = edge_index[1]
    E = src.shape[0]
    # attention block surrogate (ConvAutoencoder over ones features -> sigmoid gate per edge)
    feats = jnp.ones((E, 2), dtype=jnp.float32)
    att = jax.nn.sigmoid(jax.nn.relu(feats @ att_w) + att_b)[:, 0]
    # symmetric GCN normalization from base adjacency degrees
    ones_e = jnp.ones((E,), dtype=jnp.float32)
    deg = jax.ops.segment_sum(ones_e, dst, num_segments=n)
    inv_sqrt = jnp.where(deg > 0, 1.0 / jnp.sqrt(jnp.maximum(deg, 1e-12)), 0.0)
    norm_e = inv_sqrt[src] * inv_sqrt[dst]

    def mixed_prop(h):
        # base adjacency pass
        h_base = _propagate(h, src, dst, norm_e, n)
        # meta-path adjacency: (attended A)^2 / len(meta_path)
        h_meta = _propagate(_propagate(h, src, dst, norm_e * att, n), src, dst, norm_e * att, n) / 2.0
        # mean of meta adjacency and base adjacency
        return 0.5 * (h_meta + h_base)

    h = jax.nn.relu(mixed_prop(x) @ W1 + b1)
    # dropout is identity in eval mode
    out = mixed_prop(h) @ W2 + b2
    return jax.nn.log_softmax(out, axis=1)

if __name__ == "__main__":
    import jax
    _d = setup_inputs()
    print(jax.jit(kernel)(*tuple(_d.values())))

</pallas_src>

<mosaic_0001>
#map = affine_map<(d0, d1) -> (0, 0)>
#map1 = affine_map<(d0, d1) -> (0, 0, 0, 0)>
module attributes {stable_mosaic.version = 14 : i64} {
  func.func @prop(%arg0: i32, %arg1: i32, %arg2: memref<10000x32xf32, #tpu.memory_space<hbm>>, %arg3: memref<10000x32xf32, #tpu.memory_space<hbm>>, %arg4: memref<32x10240xi32, #tpu.memory_space<hbm>>, %arg5: memref<32x10240xi32, #tpu.memory_space<hbm>>, %arg6: memref<640x32xf32, #tpu.memory_space<hbm>>, %arg7: memref<2x2x10240x32xf32, #tpu.memory_space<hbm>>, %arg8: memref<10240xi32, #tpu.memory_space<vmem>>, %arg9: memref<10240xi32, #tpu.memory_space<vmem>>, %arg10: memref<1024x32xf32, #tpu.memory_space<vmem>>, %arg11: memref<640x32xf32, #tpu.memory_space<vmem>>, %arg12: memref<10240x32xf32, #tpu.memory_space<vmem_shared>>, %arg13: memref<10000x32xf32, #tpu.memory_space<vmem_shared>>, %arg14: memref<!tpu.dma_semaphore, #tpu.memory_space<semaphore_mem>>) attributes {dimension_semantics = [#tpu.dimension_semantics<core_parallel>, #tpu.dimension_semantics<subcore_parallel>], iteration_bounds = array<i64: 2, 16>, scalar_prefetch = 0 : i64, scratch_operands = 7 : i64, tpu.core_type = #tpu.core_type<sc_vector_subcore>, window_params = [{transform_indices = #map}, {transform_indices = #map}, {transform_indices = #map}, {transform_indices = #map}, {transform_indices = #map}, {transform_indices = #map1}]} {
    %mul3A = arith.constant 16 : i32
    %mul3A_0 = arith.muli %arg0, %mul3A : i32
    %add3A = arith.addi %mul3A_0, %arg1 : i32
    "tpu.region"() ({
      %run_scoped3A_32 = tpu.sem_alloc : memref<!tpu.dma_semaphore, #tpu.memory_space<semaphore_mem>>
      %dma_start3A = arith.constant 0 : i32
      %dma_start3A_33 = tpu.memref_slice %arg4[%add3A, %dma_start3A] : memref<32x10240xi32, #tpu.memory_space<hbm>> -> memref<1x10240xi32, #tpu.memory_space<hbm>>
      %dma_start3A_34 = tpu.memref_squeeze %dma_start3A_33 : memref<1x10240xi32, #tpu.memory_space<hbm>> -> memref<10240xi32, #tpu.memory_space<hbm>>
      %dma_start3A_35 = arith.constant 0 : i32
      %dma_start3A_36 = tpu.memref_slice %arg4[%add3A, %dma_start3A_35] : memref<32x10240xi32, #tpu.memory_space<hbm>> -> memref<1x10240xi32, #tpu.memory_space<hbm>>
      %dma_start3A_37 = tpu.memref_squeeze %dma_start3A_36 : memref<1x10240xi32, #tpu.memory_space<hbm>> -> memref<10240xi32, #tpu.memory_space<hbm>>
      tpu.enqueue_dma source(%dma_start3A_37 : memref<10240xi32, #tpu.memory_space<hbm>>) target(%arg8 : memref<10240xi32, #tpu.memory_space<vmem>>) target_semaphore(%run_scoped3A_32 : memref<!tpu.dma_semaphore, #tpu.memory_space<semaphore_mem>>)
      %dma_wait3A = arith.constant 0 : i32
      %dma_wait3A_38 = tpu.memref_slice %arg4[%add3A, %dma_wait3A] : memref<32x10240xi32, #tpu.memory_space<hbm>> -> memref<1x10240xi32, #tpu.memory_space<hbm>>
      %dma_wait3A_39 = tpu.memref_squeeze %dma_wait3A_38 : memref<1x10240xi32, #tpu.memory_space<hbm>> -> memref<10240xi32, #tpu.memory_space<hbm>>
      %dma_wait3A_40 = arith.constant 0 : i32
      %dma_wait3A_41 = tpu.memref_slice %arg4[%add3A, %dma_wait3A_40] : memref<32x10240xi32, #tpu.memory_space<hbm>> -> memref<1x10240xi32, #tpu.memory_space<hbm>>
      %dma_wait3A_42 = tpu.memref_squeeze %dma_wait3A_41 : memref<1x10240xi32, #tpu.memory_space<hbm>> -> memref<10240xi32, #tpu.memory_space<hbm>>
      tpu.wait_dma2 semaphore(%run_scoped3A_32 : memref<!tpu.dma_semaphore, #tpu.memory_space<semaphore_mem>>) src(%dma_wait3A_42 : memref<10240xi32, #tpu.memory_space<hbm>>) dst(%arg8 : memref<10240xi32, #tpu.memory_space<vmem>>)
      tpu.yield
    }) : () -> ()
    "tpu.region"() ({
      %run_scoped3A_32 = tpu.sem_alloc : memref<!tpu.dma_semaphore, #tpu.memory_space<semaphore_mem>>
      %dma_start3A = arith.constant 0 : i32
      %dma_start3A_33 = tpu.memref_slice %arg5[%add3A, %dma_start3A] : memref<32x10240xi32, #tpu.memory_space<hbm>> -> memref<1x10240xi32, #tpu.memory_space<hbm>>
      %dma_start3A_34 = tpu.memref_squeeze %dma_start3A_33 : memref<1x10240xi32, #tpu.memory_space<hbm>> -> memref<10240xi32, #tpu.memory_space<hbm>>
      %dma_start3A_35 = arith.constant 0 : i32
      %dma_start3A_36 = tpu.memref_slice %arg5[%add3A, %dma_start3A_35] : memref<32x10240xi32, #tpu.memory_space<hbm>> -> memref<1x10240xi32, #tpu.memory_space<hbm>>
      %dma_start3A_37 = tpu.memref_squeeze %dma_start3A_36 : memref<1x10240xi32, #tpu.memory_space<hbm>> -> memref<10240xi32, #tpu.memory_space<hbm>>
      tpu.enqueue_dma source(%dma_start3A_37 : memref<10240xi32, #tpu.memory_space<hbm>>) target(%arg9 : memref<10240xi32, #tpu.memory_space<vmem>>) target_semaphore(%run_scoped3A_32 : memref<!tpu.dma_semaphore, #tpu.memory_space<semaphore_mem>>)
      %dma_wait3A = arith.constant 0 : i32
      %dma_wait3A_38 = tpu.memref_slice %arg5[%add3A, %dma_wait3A] : memref<32x10240xi32, #tpu.memory_space<hbm>> -> memref<1x10240xi32, #tpu.memory_space<hbm>>
      %dma_wait3A_39 = tpu.memref_squeeze %dma_wait3A_38 : memref<1x10240xi32, #tpu.memory_space<hbm>> -> memref<10240xi32, #tpu.memory_space<hbm>>
      %dma_wait3A_40 = arith.constant 0 : i32
      %dma_wait3A_41 = tpu.memref_slice %arg5[%add3A, %dma_wait3A_40] : memref<32x10240xi32, #tpu.memory_space<hbm>> -> memref<1x10240xi32, #tpu.memory_space<hbm>>
      %dma_wait3A_42 = tpu.memref_squeeze %dma_wait3A_41 : memref<1x10240xi32, #tpu.memory_space<hbm>> -> memref<10240xi32, #tpu.memory_space<hbm>>
      tpu.wait_dma2 semaphore(%run_scoped3A_32 : memref<!tpu.dma_semaphore, #tpu.memory_space<semaphore_mem>>) src(%dma_wait3A_42 : memref<10240xi32, #tpu.memory_space<hbm>>) dst(%arg9 : memref<10240xi32, #tpu.memory_space<vmem>>)
      tpu.yield
    }) : () -> ()
    "tpu.region"() ({
      %run_scoped3A_32 = tpu.sem_alloc : memref<!tpu.dma_semaphore, #tpu.memory_space<semaphore_mem>>
      tpu.enqueue_dma source(%arg6 : memref<640x32xf32, #tpu.memory_space<hbm>>) target(%arg11 : memref<640x32xf32, #tpu.memory_space<vmem>>) target_semaphore(%run_scoped3A_32 : memref<!tpu.dma_semaphore, #tpu.memory_space<semaphore_mem>>)
      tpu.wait_dma2 semaphore(%run_scoped3A_32 : memref<!tpu.dma_semaphore, #tpu.memory_space<semaphore_mem>>) src(%arg6 : memref<640x32xf32, #tpu.memory_space<hbm>>) dst(%arg11 : memref<640x32xf32, #tpu.memory_space<vmem>>)
      tpu.yield
    }) : () -> ()
    %mul3A_1 = arith.constant 640 : i32
    %mul3A_2 = arith.muli %arg1, %mul3A_1 : i32
    "tpu.region"() ({
      %run_scoped3A_32 = tpu.sem_alloc : memref<!tpu.dma_semaphore, #tpu.memory_space<semaphore_mem>>
      %dma_start3A = arith.constant 0 : i32
      %dma_start3A_33 = tpu.memref_slice %arg12[%mul3A_2, %dma_start3A] : memref<10240x32xf32, #tpu.memory_space<vmem_shared>> -> memref<640x32xf32, #tpu.memory_space<vmem_shared>>
      %dma_start3A_34 = arith.constant 0 : i32
      %dma_start3A_35 = tpu.memref_slice %arg12[%mul3A_2, %dma_start3A_34] : memref<10240x32xf32, #tpu.memory_space<vmem_shared>> -> memref<640x32xf32, #tpu.memory_space<vmem_shared>>
      tpu.enqueue_dma source(%arg11 : memref<640x32xf32, #tpu.memory_space<vmem>>) target(%dma_start3A_35 : memref<640x32xf32, #tpu.memory_space<vmem_shared>>) target_semaphore(%run_scoped3A_32 : memref<!tpu.dma_semaphore, #tpu.memory_space<semaphore_mem>>)
      %dma_wait3A = arith.constant 0 : i32
      %dma_wait3A_36 = tpu.memref_slice %arg12[%mul3A_2, %dma_wait3A] : memref<10240x32xf32, #tpu.memory_space<vmem_shared>> -> memref<640x32xf32, #tpu.memory_space<vmem_shared>>
      %dma_wait3A_37 = arith.constant 0 : i32
      %dma_wait3A_38 = tpu.memref_slice %arg12[%mul3A_2, %dma_wait3A_37] : memref<10240x32xf32, #tpu.memory_space<vmem_shared>> -> memref<640x32xf32, #tpu.memory_space<vmem_shared>>
      tpu.wait_dma2 semaphore(%run_scoped3A_32 : memref<!tpu.dma_semaphore, #tpu.memory_space<semaphore_mem>>) src(%arg11 : memref<640x32xf32, #tpu.memory_space<vmem>>) dst(%dma_wait3A_38 : memref<640x32xf32, #tpu.memory_space<vmem_shared>>)
      tpu.yield
    }) : () -> ()
    %mul3A_3 = arith.constant 625 : i32
    %mul3A_4 = arith.muli %arg1, %mul3A_3 : i32
    %mul3A_5 = arith.constant 625 : i32
    %mul3A_6 = arith.muli %arg1, %mul3A_5 : i32
    "tpu.region"() ({
      %run_scoped3A_32 = tpu.sem_alloc : memref<!tpu.dma_semaphore, #tpu.memory_space<semaphore_mem>>
      %dma_start3A = arith.constant 0 : i32
      %dma_start3A_33 = tpu.memref_slice %arg13[%mul3A_6, %dma_start3A] : memref<10000x32xf32, #tpu.memory_space<vmem_shared>> -> memref<625x32xf32, #tpu.memory_space<vmem_shared>>
      %dma_start3A_34 = arith.constant 0 : i32
      %dma_start3A_35 = tpu.memref_slice %arg2[%mul3A_4, %dma_start3A_34] : memref<10000x32xf32, #tpu.memory_space<hbm>> -> memref<625x32xf32, #tpu.memory_space<hbm>>
      tpu.enqueue_dma source(%dma_start3A_35 : memref<625x32xf32, #tpu.memory_space<hbm>>) target(%dma_start3A_33 : memref<625x32xf32, #tpu.memory_space<vmem_shared>>) target_semaphore(%run_scoped3A_32 : memref<!tpu.dma_semaphore, #tpu.memory_space<semaphore_mem>>)
      %dma_wait3A = arith.constant 0 : i32
      %dma_wait3A_36 = tpu.memref_slice %arg13[%mul3A_6, %dma_wait3A] : memref<10000x32xf32, #tpu.memory_space<vmem_shared>> -> memref<625x32xf32, #tpu.memory_space<vmem_shared>>
      %dma_wait3A_37 = arith.constant 0 : i32
      %dma_wait3A_38 = tpu.memref_slice %arg2[%mul3A_4, %dma_wait3A_37] : memref<10000x32xf32, #tpu.memory_space<hbm>> -> memref<625x32xf32, #tpu.memory_space<hbm>>
      tpu.wait_dma2 semaphore(%run_scoped3A_32 : memref<!tpu.dma_semaphore, #tpu.memory_space<semaphore_mem>>) src(%dma_wait3A_38 : memref<625x32xf32, #tpu.memory_space<hbm>>) dst(%dma_wait3A_36 : memref<625x32xf32, #tpu.memory_space<vmem_shared>>)
      tpu.yield
    }) : () -> ()
    %barrier3A = arith.constant 0 : index
    tpu.barrier barrier_id(%barrier3A)
    %scan3A = arith.constant 0 : i32
    %scan3A_7 = arith.constant 0 : i32
    %scan3A_8 = arith.constant 10 : i32
    %scan3A_9 = arith.addi %scan3A_7, %scan3A_8 : i32
    %scan3A_10 = arith.constant 1 : i32
    scf.for %scan3A_32 = %scan3A_7 to %scan3A_9 step %scan3A_10  : i32 {
      %mul3A_33 = arith.constant 1024 : i32
      %mul3A_34 = arith.muli %mul3A_33, %scan3A_32 : i32
      %dma_start3A = tpu.memref_slice %arg8[%mul3A_34] : memref<10240xi32, #tpu.memory_space<vmem>> -> memref<1024xi32, #tpu.memory_space<vmem>>
      %dma_start3A_35 = arith.constant 0 : i32
      %dma_start3A_36 = arith.constant 0 : i32
      %dma_start3A_37 = tpu.memref_slice %arg13[%dma_start3A_35, %dma_start3A_36] : memref<10000x32xf32, #tpu.memory_space<vmem_shared>> -> memref<10000x32xf32, #tpu.memory_space<vmem_shared>>
      tpu.enqueue_indirect_dma source(%dma_start3A_37 : memref<10000x32xf32, #tpu.memory_space<vmem_shared>>) target(%arg10 : memref<1024x32xf32, #tpu.memory_space<vmem>>) offsets(%dma_start3A : memref<1024xi32, #tpu.memory_space<vmem>>) semaphore(%arg14 : memref<!tpu.dma_semaphore, #tpu.memory_space<semaphore_mem>>)
      %dma_wait3A = tpu.memref_slice %arg8[%mul3A_34] : memref<10240xi32, #tpu.memory_space<vmem>> -> memref<1024xi32, #tpu.memory_space<vmem>>
      %dma_wait3A_38 = arith.constant 0 : i32
      %dma_wait3A_39 = arith.constant 0 : i32
      %dma_wait3A_40 = tpu.memref_slice %arg13[%dma_wait3A_38, %dma_wait3A_39] : memref<10000x32xf32, #tpu.memory_space<vmem_shared>> -> memref<10000x32xf32, #tpu.memory_space<vmem_shared>>
      tpu.wait_indirect_dma semaphore(%arg14 : memref<!tpu.dma_semaphore, #tpu.memory_space<semaphore_mem>>) src(%dma_wait3A_40 : memref<10000x32xf32, #tpu.memory_space<vmem_shared>>) dst(%arg10 : memref<1024x32xf32, #tpu.memory_space<vmem>>)
      "tpu.region"() ({
        %run_scoped3A_41 = tpu.sem_alloc : memref<!tpu.dma_semaphore, #tpu.memory_space<semaphore_mem>>
        %dma_start3A_42 = tpu.memref_slice %arg9[%mul3A_34] : memref<10240xi32, #tpu.memory_space<vmem>> -> memref<1024xi32, #tpu.memory_space<vmem>>
        %dma_start3A_43 = arith.constant 0 : i32
        %dma_start3A_44 = arith.constant 0 : i32
        %dma_start3A_45 = tpu.memref_slice %arg12[%dma_start3A_43, %dma_start3A_44] : memref<10240x32xf32, #tpu.memory_space<vmem_shared>> -> memref<10240x32xf32, #tpu.memory_space<vmem_shared>>
        tpu.enqueue_indirect_dma source(%arg10 : memref<1024x32xf32, #tpu.memory_space<vmem>>) target(%dma_start3A_45 : memref<10240x32xf32, #tpu.memory_space<vmem_shared>>) offsets(%dma_start3A_42 : memref<1024xi32, #tpu.memory_space<vmem>>) semaphore(%run_scoped3A_41 : memref<!tpu.dma_semaphore, #tpu.memory_space<semaphore_mem>>) {add = true}
        %dma_wait3A_46 = tpu.memref_slice %arg9[%mul3A_34] : memref<10240xi32, #tpu.memory_space<vmem>> -> memref<1024xi32, #tpu.memory_space<vmem>>
        %dma_wait3A_47 = arith.constant 0 : i32
        %dma_wait3A_48 = arith.constant 0 : i32
        %dma_wait3A_49 = tpu.memref_slice %arg12[%dma_wait3A_47, %dma_wait3A_48] : memref<10240x32xf32, #tpu.memory_space<vmem_shared>> -> memref<10240x32xf32, #tpu.memory_space<vmem_shared>>
        tpu.wait_indirect_dma semaphore(%run_scoped3A_41 : memref<!tpu.dma_semaphore, #tpu.memory_space<semaphore_mem>>) src(%arg10 : memref<1024x32xf32, #tpu.memory_space<vmem>>) dst(%dma_wait3A_49 : memref<10240x32xf32, #tpu.memory_space<vmem_shared>>)
        tpu.yield
      }) : () -> ()
    }
    %scan3A_11 = arith.constant 10 : i32
    %barrier3A_12 = arith.constant 0 : index
    tpu.barrier barrier_id(%barrier3A_12)
    %mul3A_13 = arith.constant 640 : i32
    %mul3A_14 = arith.muli %arg1, %mul3A_13 : i32
    %run_scoped3A = arith.constant 0 : i32
    "tpu.region"() ({
      %run_scoped3A_32 = tpu.sem_alloc : memref<!tpu.dma_semaphore, #tpu.memory_space<semaphore_mem>>
      %dma_start3A = arith.constant 0 : i32
      %dma_start3A_33 = tpu.memref_slice %arg7[%run_scoped3A, %arg0, %mul3A_14, %dma_start3A] : memref<2x2x10240x32xf32, #tpu.memory_space<hbm>> -> memref<1x1x640x32xf32, #tpu.memory_space<hbm>>
      %dma_start3A_34 = tpu.memref_squeeze %dma_start3A_33 : memref<1x1x640x32xf32, #tpu.memory_space<hbm>> -> memref<640x32xf32, #tpu.memory_space<hbm>>
      %dma_start3A_35 = arith.constant 0 : i32
      %dma_start3A_36 = tpu.memref_slice %arg12[%mul3A_14, %dma_start3A_35] : memref<10240x32xf32, #tpu.memory_space<vmem_shared>> -> memref<640x32xf32, #tpu.memory_space<vmem_shared>>
      tpu.enqueue_dma source(%dma_start3A_36 : memref<640x32xf32, #tpu.memory_space<vmem_shared>>) target(%dma_start3A_34 : memref<640x32xf32, #tpu.memory_space<hbm>>) target_semaphore(%run_scoped3A_32 : memref<!tpu.dma_semaphore, #tpu.memory_space<semaphore_mem>>)
      %dma_wait3A = arith.constant 0 : i32
      %dma_wait3A_37 = tpu.memref_slice %arg7[%run_scoped3A, %arg0, %mul3A_14, %dma_wait3A] : memref<2x2x10240x32xf32, #tpu.memory_space<hbm>> -> memref<1x1x640x32xf32, #tpu.memory_space<hbm>>
      %dma_wait3A_38 = tpu.memref_squeeze %dma_wait3A_37 : memref<1x1x640x32xf32, #tpu.memory_space<hbm>> -> memref<640x32xf32, #tpu.memory_space<hbm>>
      %dma_wait3A_39 = arith.constant 0 : i32
      %dma_wait3A_40 = tpu.memref_slice %arg12[%mul3A_14, %dma_wait3A_39] : memref<10240x32xf32, #tpu.memory_space<vmem_shared>> -> memref<640x32xf32, #tpu.memory_space<vmem_shared>>
      tpu.wait_dma2 semaphore(%run_scoped3A_32 : memref<!tpu.dma_semaphore, #tpu.memory_space<semaphore_mem>>) src(%dma_wait3A_40 : memref<640x32xf32, #tpu.memory_space<vmem_shared>>) dst(%dma_wait3A_38 : memref<640x32xf32, #tpu.memory_space<hbm>>)
      tpu.yield
    }) : () -> ()
    %mul3A_15 = arith.constant 640 : i32
    %mul3A_16 = arith.muli %arg1, %mul3A_15 : i32
    "tpu.region"() ({
      %run_scoped3A_32 = tpu.sem_alloc : memref<!tpu.dma_semaphore, #tpu.memory_space<semaphore_mem>>
      %dma_start3A = arith.constant 0 : i32
      %dma_start3A_33 = tpu.memref_slice %arg12[%mul3A_16, %dma_start3A] : memref<10240x32xf32, #tpu.memory_space<vmem_shared>> -> memref<640x32xf32, #tpu.memory_space<vmem_shared>>
      %dma_start3A_34 = arith.constant 0 : i32
      %dma_start3A_35 = tpu.memref_slice %arg12[%mul3A_16, %dma_start3A_34] : memref<10240x32xf32, #tpu.memory_space<vmem_shared>> -> memref<640x32xf32, #tpu.memory_space<vmem_shared>>
      tpu.enqueue_dma source(%arg11 : memref<640x32xf32, #tpu.memory_space<vmem>>) target(%dma_start3A_35 : memref<640x32xf32, #tpu.memory_space<vmem_shared>>) target_semaphore(%run_scoped3A_32 : memref<!tpu.dma_semaphore, #tpu.memory_space<semaphore_mem>>)
      %dma_wait3A = arith.constant 0 : i32
      %dma_wait3A_36 = tpu.memref_slice %arg12[%mul3A_16, %dma_wait3A] : memref<10240x32xf32, #tpu.memory_space<vmem_shared>> -> memref<640x32xf32, #tpu.memory_space<vmem_shared>>
      %dma_wait3A_37 = arith.constant 0 : i32
      %dma_wait3A_38 = tpu.memref_slice %arg12[%mul3A_16, %dma_wait3A_37] : memref<10240x32xf32, #tpu.memory_space<vmem_shared>> -> memref<640x32xf32, #tpu.memory_space<vmem_shared>>
      tpu.wait_dma2 semaphore(%run_scoped3A_32 : memref<!tpu.dma_semaphore, #tpu.memory_space<semaphore_mem>>) src(%arg11 : memref<640x32xf32, #tpu.memory_space<vmem>>) dst(%dma_wait3A_38 : memref<640x32xf32, #tpu.memory_space<vmem_shared>>)
      tpu.yield
    }) : () -> ()
    %mul3A_17 = arith.constant 625 : i32
    %mul3A_18 = arith.muli %arg1, %mul3A_17 : i32
    %mul3A_19 = arith.constant 625 : i32
    %mul3A_20 = arith.muli %arg1, %mul3A_19 : i32
    "tpu.region"() ({
      %run_scoped3A_32 = tpu.sem_alloc : memref<!tpu.dma_semaphore, #tpu.memory_space<semaphore_mem>>
      %dma_start3A = arith.constant 0 : i32
      %dma_start3A_33 = tpu.memref_slice %arg13[%mul3A_20, %dma_start3A] : memref<10000x32xf32, #tpu.memory_space<vmem_shared>> -> memref<625x32xf32, #tpu.memory_space<vmem_shared>>
      %dma_start3A_34 = arith.constant 0 : i32
      %dma_start3A_35 = tpu.memref_slice %arg3[%mul3A_18, %dma_start3A_34] : memref<10000x32xf32, #tpu.memory_space<hbm>> -> memref<625x32xf32, #tpu.memory_space<hbm>>
      tpu.enqueue_dma source(%dma_start3A_35 : memref<625x32xf32, #tpu.memory_space<hbm>>) target(%dma_start3A_33 : memref<625x32xf32, #tpu.memory_space<vmem_shared>>) target_semaphore(%run_scoped3A_32 : memref<!tpu.dma_semaphore, #tpu.memory_space<semaphore_mem>>)
      %dma_wait3A = arith.constant 0 : i32
      %dma_wait3A_36 = tpu.memref_slice %arg13[%mul3A_20, %dma_wait3A] : memref<10000x32xf32, #tpu.memory_space<vmem_shared>> -> memref<625x32xf32, #tpu.memory_space<vmem_shared>>
      %dma_wait3A_37 = arith.constant 0 : i32
      %dma_wait3A_38 = tpu.memref_slice %arg3[%mul3A_18, %dma_wait3A_37] : memref<10000x32xf32, #tpu.memory_space<hbm>> -> memref<625x32xf32, #tpu.memory_space<hbm>>
      tpu.wait_dma2 semaphore(%run_scoped3A_32 : memref<!tpu.dma_semaphore, #tpu.memory_space<semaphore_mem>>) src(%dma_wait3A_38 : memref<625x32xf32, #tpu.memory_space<hbm>>) dst(%dma_wait3A_36 : memref<625x32xf32, #tpu.memory_space<vmem_shared>>)
      tpu.yield
    }) : () -> ()
    %barrier3A_21 = arith.constant 0 : index
    tpu.barrier barrier_id(%barrier3A_21)
    %scan3A_22 = arith.constant 0 : i32
    %scan3A_23 = arith.constant 0 : i32
    %scan3A_24 = arith.constant 10 : i32
    %scan3A_25 = arith.addi %scan3A_23, %scan3A_24 : i32
    %scan3A_26 = arith.constant 1 : i32
    scf.for %scan3A_32 = %scan3A_23 to %scan3A_25 step %scan3A_26  : i32 {
      %mul3A_33 = arith.constant 1024 : i32
      %mul3A_34 = arith.muli %mul3A_33, %scan3A_32 : i32
      %dma_start3A = tpu.memref_slice %arg8[%mul3A_34] : memref<10240xi32, #tpu.memory_space<vmem>> -> memref<1024xi32, #tpu.memory_space<vmem>>
      %dma_start3A_35 = arith.constant 0 : i32
      %dma_start3A_36 = arith.constant 0 : i32
      %dma_start3A_37 = tpu.memref_slice %arg13[%dma_start3A_35, %dma_start3A_36] : memref<10000x32xf32, #tpu.memory_space<vmem_shared>> -> memref<10000x32xf32, #tpu.memory_space<vmem_shared>>
      tpu.enqueue_indirect_dma source(%dma_start3A_37 : memref<10000x32xf32, #tpu.memory_space<vmem_shared>>) target(%arg10 : memref<1024x32xf32, #tpu.memory_space<vmem>>) offsets(%dma_start3A : memref<1024xi32, #tpu.memory_space<vmem>>) semaphore(%arg14 : memref<!tpu.dma_semaphore, #tpu.memory_space<semaphore_mem>>)
      %dma_wait3A = tpu.memref_slice %arg8[%mul3A_34] : memref<10240xi32, #tpu.memory_space<vmem>> -> memref<1024xi32, #tpu.memory_space<vmem>>
      %dma_wait3A_38 = arith.constant 0 : i32
      %dma_wait3A_39 = arith.constant 0 : i32
      %dma_wait3A_40 = tpu.memref_slice %arg13[%dma_wait3A_38, %dma_wait3A_39] : memref<10000x32xf32, #tpu.memory_space<vmem_shared>> -> memref<10000x32xf32, #tpu.memory_space<vmem_shared>>
      tpu.wait_indirect_dma semaphore(%arg14 : memref<!tpu.dma_semaphore, #tpu.memory_space<semaphore_mem>>) src(%dma_wait3A_40 : memref<10000x32xf32, #tpu.memory_space<vmem_shared>>) dst(%arg10 : memref<1024x32xf32, #tpu.memory_space<vmem>>)
      "tpu.region"() ({
        %run_scoped3A_41 = tpu.sem_alloc : memref<!tpu.dma_semaphore, #tpu.memory_space<semaphore_mem>>
        %dma_start3A_42 = tpu.memref_slice %arg9[%mul3A_34] : memref<10240xi32, #tpu.memory_space<vmem>> -> memref<1024xi32, #tpu.memory_space<vmem>>
        %dma_start3A_43 = arith.constant 0 : i32
        %dma_start3A_44 = arith.constant 0 : i32
        %dma_start3A_45 = tpu.memref_slice %arg12[%dma_start3A_43, %dma_start3A_44] : memref<10240x32xf32, #tpu.memory_space<vmem_shared>> -> memref<10240x32xf32, #tpu.memory_space<vmem_shared>>
        tpu.enqueue_indirect_dma source(%arg10 : memref<1024x32xf32, #tpu.memory_space<vmem>>) target(%dma_start3A_45 : memref<10240x32xf32, #tpu.memory_space<vmem_shared>>) offsets(%dma_start3A_42 : memref<1024xi32, #tpu.memory_space<vmem>>) semaphore(%run_scoped3A_41 : memref<!tpu.dma_semaphore, #tpu.memory_space<semaphore_mem>>) {add = true}
        %dma_wait3A_46 = tpu.memref_slice %arg9[%mul3A_34] : memref<10240xi32, #tpu.memory_space<vmem>> -> memref<1024xi32, #tpu.memory_space<vmem>>
        %dma_wait3A_47 = arith.constant 0 : i32
        %dma_wait3A_48 = arith.constant 0 : i32
        %dma_wait3A_49 = tpu.memref_slice %arg12[%dma_wait3A_47, %dma_wait3A_48] : memref<10240x32xf32, #tpu.memory_space<vmem_shared>> -> memref<10240x32xf32, #tpu.memory_space<vmem_shared>>
        tpu.wait_indirect_dma semaphore(%run_scoped3A_41 : memref<!tpu.dma_semaphore, #tpu.memory_space<semaphore_mem>>) src(%arg10 : memref<1024x32xf32, #tpu.memory_space<vmem>>) dst(%dma_wait3A_49 : memref<10240x32xf32, #tpu.memory_space<vmem_shared>>)
        tpu.yield
      }) : () -> ()
    }
    %scan3A_27 = arith.constant 10 : i32
    %barrier3A_28 = arith.constant 0 : index
    tpu.barrier barrier_id(%barrier3A_28)
    %mul3A_29 = arith.constant 640 : i32
    %mul3A_30 = arith.muli %arg1, %mul3A_29 : i32
    %run_scoped3A_31 = arith.constant 1 : i32
    "tpu.region"() ({
      %run_scoped3A_32 = tpu.sem_alloc : memref<!tpu.dma_semaphore, #tpu.memory_space<semaphore_mem>>
      %dma_start3A = arith.constant 0 : i32
      %dma_start3A_33 = tpu.memref_slice %arg7[%run_scoped3A_31, %arg0, %mul3A_30, %dma_start3A] : memref<2x2x10240x32xf32, #tpu.memory_space<hbm>> -> memref<1x1x640x32xf32, #tpu.memory_space<hbm>>
      %dma_start3A_34 = tpu.memref_squeeze %dma_start3A_33 : memref<1x1x640x32xf32, #tpu.memory_space<hbm>> -> memref<640x32xf32, #tpu.memory_space<hbm>>
      %dma_start3A_35 = arith.constant 0 : i32
      %dma_start3A_36 = tpu.memref_slice %arg12[%mul3A_30, %dma_start3A_35] : memref<10240x32xf32, #tpu.memory_space<vmem_shared>> -> memref<640x32xf32, #tpu.memory_space<vmem_shared>>
      tpu.enqueue_dma source(%dma_start3A_36 : memref<640x32xf32, #tpu.memory_space<vmem_shared>>) target(%dma_start3A_34 : memref<640x32xf32, #tpu.memory_space<hbm>>) target_semaphore(%run_scoped3A_32 : memref<!tpu.dma_semaphore, #tpu.memory_space<semaphore_mem>>)
      %dma_wait3A = arith.constant 0 : i32
      %dma_wait3A_37 = tpu.memref_slice %arg7[%run_scoped3A_31, %arg0, %mul3A_30, %dma_wait3A] : memref<2x2x10240x32xf32, #tpu.memory_space<hbm>> -> memref<1x1x640x32xf32, #tpu.memory_space<hbm>>
      %dma_wait3A_38 = tpu.memref_squeeze %dma_wait3A_37 : memref<1x1x640x32xf32, #tpu.memory_space<hbm>> -> memref<640x32xf32, #tpu.memory_space<hbm>>
      %dma_wait3A_39 = arith.constant 0 : i32
      %dma_wait3A_40 = tpu.memref_slice %arg12[%mul3A_30, %dma_wait3A_39] : memref<10240x32xf32, #tpu.memory_space<vmem_shared>> -> memref<640x32xf32, #tpu.memory_space<vmem_shared>>
      tpu.wait_dma2 semaphore(%run_scoped3A_32 : memref<!tpu.dma_semaphore, #tpu.memory_space<semaphore_mem>>) src(%dma_wait3A_40 : memref<640x32xf32, #tpu.memory_space<vmem_shared>>) dst(%dma_wait3A_38 : memref<640x32xf32, #tpu.memory_space<hbm>>)
      tpu.yield
    }) : () -> ()
    return
  }
}

#map = affine_map<(d0, d1) -> (0, 0)>
#map1 = affine_map<(d0, d1) -> (0, 0, 0)>
module attributes {stable_mosaic.version = 14 : i64} {
  func.func @degk(%arg0: i32, %arg1: i32, %arg2: memref<32x10240xi32, #tpu.memory_space<hbm>>, %arg3: memref<1024x8xf32, #tpu.memory_space<hbm>>, %arg4: memref<640x8xf32, #tpu.memory_space<hbm>>, %arg5: memref<2x10240x8xf32, #tpu.memory_space<hbm>>, %arg6: memref<10240xi32, #tpu.memory_space<vmem>>, %arg7: memref<1024x8xf32, #tpu.memory_space<vmem>>, %arg8: memref<10240x8xf32, #tpu.memory_space<vmem_shared>>) attributes {dimension_semantics = [#tpu.dimension_semantics<core_parallel>, #tpu.dimension_semantics<subcore_parallel>], iteration_bounds = array<i64: 2, 16>, scalar_prefetch = 0 : i64, scratch_operands = 3 : i64, tpu.core_type = #tpu.core_type<sc_vector_subcore>, window_params = [{transform_indices = #map}, {transform_indices = #map}, {transform_indices = #map}, {transform_indices = #map1}]} {
    %mul3A = arith.constant 16 : i32
    %mul3A_0 = arith.muli %arg0, %mul3A : i32
    %add3A = arith.addi %mul3A_0, %arg1 : i32
    %mul3A_1 = arith.constant 640 : i32
    %mul3A_2 = arith.muli %arg1, %mul3A_1 : i32
    "tpu.region"() ({
      %run_scoped3A = tpu.sem_alloc : memref<!tpu.dma_semaphore, #tpu.memory_space<semaphore_mem>>
      %dma_start3A = arith.constant 0 : i32
      %dma_start3A_11 = tpu.memref_slice %arg8[%mul3A_2, %dma_start3A] : memref<10240x8xf32, #tpu.memory_space<vmem_shared>> -> memref<640x8xf32, #tpu.memory_space<vmem_shared>>
      tpu.enqueue_dma source(%arg4 : memref<640x8xf32, #tpu.memory_space<hbm>>) target(%dma_start3A_11 : memref<640x8xf32, #tpu.memory_space<vmem_shared>>) target_semaphore(%run_scoped3A : memref<!tpu.dma_semaphore, #tpu.memory_space<semaphore_mem>>)
      %dma_wait3A = arith.constant 0 : i32
      %dma_wait3A_12 = tpu.memref_slice %arg8[%mul3A_2, %dma_wait3A] : memref<10240x8xf32, #tpu.memory_space<vmem_shared>> -> memref<640x8xf32, #tpu.memory_space<vmem_shared>>
      tpu.wait_dma2 semaphore(%run_scoped3A : memref<!tpu.dma_semaphore, #tpu.memory_space<semaphore_mem>>) src(%arg4 : memref<640x8xf32, #tpu.memory_space<hbm>>) dst(%dma_wait3A_12 : memref<640x8xf32, #tpu.memory_space<vmem_shared>>)
      tpu.yield
    }) : () -> ()
    %barrier3A = arith.constant 0 : index
    tpu.barrier barrier_id(%barrier3A)
    "tpu.region"() ({
      %run_scoped3A = tpu.sem_alloc : memref<!tpu.dma_semaphore, #tpu.memory_space<semaphore_mem>>
      %dma_start3A = arith.constant 0 : i32
      %dma_start3A_11 = tpu.memref_slice %arg2[%add3A, %dma_start3A] : memref<32x10240xi32, #tpu.memory_space<hbm>> -> memref<1x10240xi32, #tpu.memory_space<hbm>>
      %dma_start3A_12 = tpu.memref_squeeze %dma_start3A_11 : memref<1x10240xi32, #tpu.memory_space<hbm>> -> memref<10240xi32, #tpu.memory_space<hbm>>
      %dma_start3A_13 = arith.constant 0 : i32
      %dma_start3A_14 = tpu.memref_slice %arg2[%add3A, %dma_start3A_13] : memref<32x10240xi32, #tpu.memory_space<hbm>> -> memref<1x10240xi32, #tpu.memory_space<hbm>>
      %dma_start3A_15 = tpu.memref_squeeze %dma_start3A_14 : memref<1x10240xi32, #tpu.memory_space<hbm>> -> memref<10240xi32, #tpu.memory_space<hbm>>
      tpu.enqueue_dma source(%dma_start3A_15 : memref<10240xi32, #tpu.memory_space<hbm>>) target(%arg6 : memref<10240xi32, #tpu.memory_space<vmem>>) target_semaphore(%run_scoped3A : memref<!tpu.dma_semaphore, #tpu.memory_space<semaphore_mem>>)
      %dma_wait3A = arith.constant 0 : i32
      %dma_wait3A_16 = tpu.memref_slice %arg2[%add3A, %dma_wait3A] : memref<32x10240xi32, #tpu.memory_space<hbm>> -> memref<1x10240xi32, #tpu.memory_space<hbm>>
      %dma_wait3A_17 = tpu.memref_squeeze %dma_wait3A_16 : memref<1x10240xi32, #tpu.memory_space<hbm>> -> memref<10240xi32, #tpu.memory_space<hbm>>
      %dma_wait3A_18 = arith.constant 0 : i32
      %dma_wait3A_19 = tpu.memref_slice %arg2[%add3A, %dma_wait3A_18] : memref<32x10240xi32, #tpu.memory_space<hbm>> -> memref<1x10240xi32, #tpu.memory_space<hbm>>
      %dma_wait3A_20 = tpu.memref_squeeze %dma_wait3A_19 : memref<1x10240xi32, #tpu.memory_space<hbm>> -> memref<10240xi32, #tpu.memory_space<hbm>>
      tpu.wait_dma2 semaphore(%run_scoped3A : memref<!tpu.dma_semaphore, #tpu.memory_space<semaphore_mem>>) src(%dma_wait3A_20 : memref<10240xi32, #tpu.memory_space<hbm>>) dst(%arg6 : memref<10240xi32, #tpu.memory_space<vmem>>)
      tpu.yield
    }) : () -> ()
    "tpu.region"() ({
      %run_scoped3A = tpu.sem_alloc : memref<!tpu.dma_semaphore, #tpu.memory_space<semaphore_mem>>
      tpu.enqueue_dma source(%arg3 : memref<1024x8xf32, #tpu.memory_space<hbm>>) target(%arg7 : memref<1024x8xf32, #tpu.memory_space<vmem>>) target_semaphore(%run_scoped3A : memref<!tpu.dma_semaphore, #tpu.memory_space<semaphore_mem>>)
      tpu.wait_dma2 semaphore(%run_scoped3A : memref<!tpu.dma_semaphore, #tpu.memory_space<semaphore_mem>>) src(%arg3 : memref<1024x8xf32, #tpu.memory_space<hbm>>) dst(%arg7 : memref<1024x8xf32, #tpu.memory_space<vmem>>)
      tpu.yield
    }) : () -> ()
    %scan3A = arith.constant 0 : i32
    %scan3A_3 = arith.constant 0 : i32
    %scan3A_4 = arith.constant 10 : i32
    %scan3A_5 = arith.addi %scan3A_3, %scan3A_4 : i32
    %scan3A_6 = arith.constant 1 : i32
    scf.for %scan3A_11 = %scan3A_3 to %scan3A_5 step %scan3A_6  : i32 {
      %mul3A_12 = arith.constant 1024 : i32
      %mul3A_13 = arith.muli %mul3A_12, %scan3A_11 : i32
      "tpu.region"() ({
        %run_scoped3A = tpu.sem_alloc : memref<!tpu.dma_semaphore, #tpu.memory_space<semaphore_mem>>
        %dma_start3A = tpu.memref_slice %arg6[%mul3A_13] : memref<10240xi32, #tpu.memory_space<vmem>> -> memref<1024xi32, #tpu.memory_space<vmem>>
        %dma_start3A_14 = arith.constant 0 : i32
        %dma_start3A_15 = arith.constant 0 : i32
        %dma_start3A_16 = tpu.memref_slice %arg8[%dma_start3A_14, %dma_start3A_15] : memref<10240x8xf32, #tpu.memory_space<vmem_shared>> -> memref<10240x8xf32, #tpu.memory_space<vmem_shared>>
        tpu.enqueue_indirect_dma source(%arg7 : memref<1024x8xf32, #tpu.memory_space<vmem>>) target(%dma_start3A_16 : memref<10240x8xf32, #tpu.memory_space<vmem_shared>>) offsets(%dma_start3A : memref<1024xi32, #tpu.memory_space<vmem>>) semaphore(%run_scoped3A : memref<!tpu.dma_semaphore, #tpu.memory_space<semaphore_mem>>) {add = true}
        %dma_wait3A = tpu.memref_slice %arg6[%mul3A_13] : memref<10240xi32, #tpu.memory_space<vmem>> -> memref<1024xi32, #tpu.memory_space<vmem>>
        %dma_wait3A_17 = arith.constant 0 : i32
        %dma_wait3A_18 = arith.constant 0 : i32
        %dma_wait3A_19 = tpu.memref_slice %arg8[%dma_wait3A_17, %dma_wait3A_18] : memref<10240x8xf32, #tpu.memory_space<vmem_shared>> -> memref<10240x8xf32, #tpu.memory_space<vmem_shared>>
        tpu.wait_indirect_dma semaphore(%run_scoped3A : memref<!tpu.dma_semaphore, #tpu.memory_space<semaphore_mem>>) src(%arg7 : memref<1024x8xf32, #tpu.memory_space<vmem>>) dst(%dma_wait3A_19 : memref<10240x8xf32, #tpu.memory_space<vmem_shared>>)
        tpu.yield
      }) : () -> ()
    }
    %scan3A_7 = arith.constant 10 : i32
    %barrier3A_8 = arith.constant 0 : index
    tpu.barrier barrier_id(%barrier3A_8)
    %mul3A_9 = arith.constant 640 : i32
    %mul3A_10 = arith.muli %arg1, %mul3A_9 : i32
    "tpu.region"() ({
      %run_scoped3A = tpu.sem_alloc : memref<!tpu.dma_semaphore, #tpu.memory_space<semaphore_mem>>
      %dma_start3A = arith.constant 0 : i32
      %dma_start3A_11 = tpu.memref_slice %arg5[%arg0, %mul3A_10, %dma_start3A] : memref<2x10240x8xf32, #tpu.memory_space<hbm>> -> memref<1x640x8xf32, #tpu.memory_space<hbm>>
      %dma_start3A_12 = tpu.memref_squeeze %dma_start3A_11 : memref<1x640x8xf32, #tpu.memory_space<hbm>> -> memref<640x8xf32, #tpu.memory_space<hbm>>
      %dma_start3A_13 = arith.constant 0 : i32
      %dma_start3A_14 = tpu.memref_slice %arg8[%mul3A_10, %dma_start3A_13] : memref<10240x8xf32, #tpu.memory_space<vmem_shared>> -> memref<640x8xf32, #tpu.memory_space<vmem_shared>>
      tpu.enqueue_dma source(%dma_start3A_14 : memref<640x8xf32, #tpu.memory_space<vmem_shared>>) target(%dma_start3A_12 : memref<640x8xf32, #tpu.memory_space<hbm>>) target_semaphore(%run_scoped3A : memref<!tpu.dma_semaphore, #tpu.memory_space<semaphore_mem>>)
      %dma_wait3A = arith.constant 0 : i32
      %dma_wait3A_15 = tpu.memref_slice %arg5[%arg0, %mul3A_10, %dma_wait3A] : memref<2x10240x8xf32, #tpu.memory_space<hbm>> -> memref<1x640x8xf32, #tpu.memory_space<hbm>>
      %dma_wait3A_16 = tpu.memref_squeeze %dma_wait3A_15 : memref<1x640x8xf32, #tpu.memory_space<hbm>> -> memref<640x8xf32, #tpu.memory_space<hbm>>
      %dma_wait3A_17 = arith.constant 0 : i32
      %dma_wait3A_18 = tpu.memref_slice %arg8[%mul3A_10, %dma_wait3A_17] : memref<10240x8xf32, #tpu.memory_space<vmem_shared>> -> memref<640x8xf32, #tpu.memory_space<vmem_shared>>
      tpu.wait_dma2 semaphore(%run_scoped3A : memref<!tpu.dma_semaphore, #tpu.memory_space<semaphore_mem>>) src(%dma_wait3A_18 : memref<640x8xf32, #tpu.memory_space<vmem_shared>>) dst(%dma_wait3A_16 : memref<640x8xf32, #tpu.memory_space<hbm>>)
      tpu.yield
    }) : () -> ()
    return
  }
}

#map = affine_map<(d0, d1) -> (0, 0)>
#map1 = affine_map<(d0, d1) -> (0, 0, 0, 0)>
module attributes {stable_mosaic.version = 14 : i64} {
  func.func @prop(%arg0: i32, %arg1: i32, %arg2: memref<10000x32xf32, #tpu.memory_space<hbm>>, %arg3: memref<10000x32xf32, #tpu.memory_space<hbm>>, %arg4: memref<32x10240xi32, #tpu.memory_space<hbm>>, %arg5: memref<32x10240xi32, #tpu.memory_space<hbm>>, %arg6: memref<640x32xf32, #tpu.memory_space<hbm>>, %arg7: memref<2x2x10240x32xf32, #tpu.memory_space<hbm>>, %arg8: memref<10240xi32, #tpu.memory_space<vmem>>, %arg9: memref<10240xi32, #tpu.memory_space<vmem>>, %arg10: memref<1024x32xf32, #tpu.memory_space<vmem>>, %arg11: memref<640x32xf32, #tpu.memory_space<vmem>>, %arg12: memref<10240x32xf32, #tpu.memory_space<vmem_shared>>, %arg13: memref<10000x32xf32, #tpu.memory_space<vmem_shared>>, %arg14: memref<!tpu.dma_semaphore, #tpu.memory_space<semaphore_mem>>) attributes {dimension_semantics = [#tpu.dimension_semantics<core_parallel>, #tpu.dimension_semantics<subcore_parallel>], iteration_bounds = array<i64: 2, 16>, scalar_prefetch = 0 : i64, scratch_operands = 7 : i64, tpu.core_type = #tpu.core_type<sc_vector_subcore>, window_params = [{transform_indices = #map}, {transform_indices = #map}, {transform_indices = #map}, {transform_indices = #map}, {transform_indices = #map}, {transform_indices = #map1}]} {
    %mul3A = arith.constant 16 : i32
    %mul3A_0 = arith.muli %arg0, %mul3A : i32
    %add3A = arith.addi %mul3A_0, %arg1 : i32
    "tpu.region"() ({
      %run_scoped3A_32 = tpu.sem_alloc : memref<!tpu.dma_semaphore, #tpu.memory_space<semaphore_mem>>
      %dma_start3A = arith.constant 0 : i32
      %dma_start3A_33 = tpu.memref_slice %arg4[%add3A, %dma_start3A] : memref<32x10240xi32, #tpu.memory_space<hbm>> -> memref<1x10240xi32, #tpu.memory_space<hbm>>
      %dma_start3A_34 = tpu.memref_squeeze %dma_start3A_33 : memref<1x10240xi32, #tpu.memory_space<hbm>> -> memref<10240xi32, #tpu.memory_space<hbm>>
      %dma_start3A_35 = arith.constant 0 : i32
      %dma_start3A_36 = tpu.memref_slice %arg4[%add3A, %dma_start3A_35] : memref<32x10240xi32, #tpu.memory_space<hbm>> -> memref<1x10240xi32, #tpu.memory_space<hbm>>
      %dma_start3A_37 = tpu.memref_squeeze %dma_start3A_36 : memref<1x10240xi32, #tpu.memory_space<hbm>> -> memref<10240xi32, #tpu.memory_space<hbm>>
      tpu.enqueue_dma source(%dma_start3A_37 : memref<10240xi32, #tpu.memory_space<hbm>>) target(%arg8 : memref<10240xi32, #tpu.memory_space<vmem>>) target_semaphore(%run_scoped3A_32 : memref<!tpu.dma_semaphore, #tpu.memory_space<semaphore_mem>>)
      %dma_wait3A = arith.constant 0 : i32
      %dma_wait3A_38 = tpu.memref_slice %arg4[%add3A, %dma_wait3A] : memref<32x10240xi32, #tpu.memory_space<hbm>> -> memref<1x10240xi32, #tpu.memory_space<hbm>>
      %dma_wait3A_39 = tpu.memref_squeeze %dma_wait3A_38 : memref<1x10240xi32, #tpu.memory_space<hbm>> -> memref<10240xi32, #tpu.memory_space<hbm>>
      %dma_wait3A_40 = arith.constant 0 : i32
      %dma_wait3A_41 = tpu.memref_slice %arg4[%add3A, %dma_wait3A_40] : memref<32x10240xi32, #tpu.memory_space<hbm>> -> memref<1x10240xi32, #tpu.memory_space<hbm>>
      %dma_wait3A_42 = tpu.memref_squeeze %dma_wait3A_41 : memref<1x10240xi32, #tpu.memory_space<hbm>> -> memref<10240xi32, #tpu.memory_space<hbm>>
      tpu.wait_dma2 semaphore(%run_scoped3A_32 : memref<!tpu.dma_semaphore, #tpu.memory_space<semaphore_mem>>) src(%dma_wait3A_42 : memref<10240xi32, #tpu.memory_space<hbm>>) dst(%arg8 : memref<10240xi32, #tpu.memory_space<vmem>>)
      tpu.yield
    }) : () -> ()
    "tpu.region"() ({
      %run_scoped3A_32 = tpu.sem_alloc : memref<!tpu.dma_semaphore, #tpu.memory_space<semaphore_mem>>
      %dma_start3A = arith.constant 0 : i32
      %dma_start3A_33 = tpu.memref_slice %arg5[%add3A, %dma_start3A] : memref<32x10240xi32, #tpu.memory_space<hbm>> -> memref<1x10240xi32, #tpu.memory_space<hbm>>
      %dma_start3A_34 = tpu.memref_squeeze %dma_start3A_33 : memref<1x10240xi32, #tpu.memory_space<hbm>> -> memref<10240xi32, #tpu.memory_space<hbm>>
      %dma_start3A_35 = arith.constant 0 : i32
      %dma_start3A_36 = tpu.memref_slice %arg5[%add3A, %dma_start3A_35] : memref<32x10240xi32, #tpu.memory_space<hbm>> -> memref<1x10240xi32, #tpu.memory_space<hbm>>
      %dma_start3A_37 = tpu.memref_squeeze %dma_start3A_36 : memref<1x10240xi32, #tpu.memory_space<hbm>> -> memref<10240xi32, #tpu.memory_space<hbm>>
      tpu.enqueue_dma source(%dma_start3A_37 : memref<10240xi32, #tpu.memory_space<hbm>>) target(%arg9 : memref<10240xi32, #tpu.memory_space<vmem>>) target_semaphore(%run_scoped3A_32 : memref<!tpu.dma_semaphore, #tpu.memory_space<semaphore_mem>>)
      %dma_wait3A = arith.constant 0 : i32
      %dma_wait3A_38 = tpu.memref_slice %arg5[%add3A, %dma_wait3A] : memref<32x10240xi32, #tpu.memory_space<hbm>> -> memref<1x10240xi32, #tpu.memory_space<hbm>>
      %dma_wait3A_39 = tpu.memref_squeeze %dma_wait3A_38 : memref<1x10240xi32, #tpu.memory_space<hbm>> -> memref<10240xi32, #tpu.memory_space<hbm>>
      %dma_wait3A_40 = arith.constant 0 : i32
      %dma_wait3A_41 = tpu.memref_slice %arg5[%add3A, %dma_wait3A_40] : memref<32x10240xi32, #tpu.memory_space<hbm>> -> memref<1x10240xi32, #tpu.memory_space<hbm>>
      %dma_wait3A_42 = tpu.memref_squeeze %dma_wait3A_41 : memref<1x10240xi32, #tpu.memory_space<hbm>> -> memref<10240xi32, #tpu.memory_space<hbm>>
      tpu.wait_dma2 semaphore(%run_scoped3A_32 : memref<!tpu.dma_semaphore, #tpu.memory_space<semaphore_mem>>) src(%dma_wait3A_42 : memref<10240xi32, #tpu.memory_space<hbm>>) dst(%arg9 : memref<10240xi32, #tpu.memory_space<vmem>>)
      tpu.yield
    }) : () -> ()
    "tpu.region"() ({
      %run_scoped3A_32 = tpu.sem_alloc : memref<!tpu.dma_semaphore, #tpu.memory_space<semaphore_mem>>
      tpu.enqueue_dma source(%arg6 : memref<640x32xf32, #tpu.memory_space<hbm>>) target(%arg11 : memref<640x32xf32, #tpu.memory_space<vmem>>) target_semaphore(%run_scoped3A_32 : memref<!tpu.dma_semaphore, #tpu.memory_space<semaphore_mem>>)
      tpu.wait_dma2 semaphore(%run_scoped3A_32 : memref<!tpu.dma_semaphore, #tpu.memory_space<semaphore_mem>>) src(%arg6 : memref<640x32xf32, #tpu.memory_space<hbm>>) dst(%arg11 : memref<640x32xf32, #tpu.memory_space<vmem>>)
      tpu.yield
    }) : () -> ()
    %mul3A_1 = arith.constant 640 : i32
    %mul3A_2 = arith.muli %arg1, %mul3A_1 : i32
    "tpu.region"() ({
      %run_scoped3A_32 = tpu.sem_alloc : memref<!tpu.dma_semaphore, #tpu.memory_space<semaphore_mem>>
      %dma_start3A = arith.constant 0 : i32
      %dma_start3A_33 = tpu.memref_slice %arg12[%mul3A_2, %dma_start3A] : memref<10240x32xf32, #tpu.memory_space<vmem_shared>> -> memref<640x32xf32, #tpu.memory_space<vmem_shared>>
      %dma_start3A_34 = arith.constant 0 : i32
      %dma_start3A_35 = tpu.memref_slice %arg12[%mul3A_2, %dma_start3A_34] : memref<10240x32xf32, #tpu.memory_space<vmem_shared>> -> memref<640x32xf32, #tpu.memory_space<vmem_shared>>
      tpu.enqueue_dma source(%arg11 : memref<640x32xf32, #tpu.memory_space<vmem>>) target(%dma_start3A_35 : memref<640x32xf32, #tpu.memory_space<vmem_shared>>) target_semaphore(%run_scoped3A_32 : memref<!tpu.dma_semaphore, #tpu.memory_space<semaphore_mem>>)
      %dma_wait3A = arith.constant 0 : i32
      %dma_wait3A_36 = tpu.memref_slice %arg12[%mul3A_2, %dma_wait3A] : memref<10240x32xf32, #tpu.memory_space<vmem_shared>> -> memref<640x32xf32, #tpu.memory_space<vmem_shared>>
      %dma_wait3A_37 = arith.constant 0 : i32
      %dma_wait3A_38 = tpu.memref_slice %arg12[%mul3A_2, %dma_wait3A_37] : memref<10240x32xf32, #tpu.memory_space<vmem_shared>> -> memref<640x32xf32, #tpu.memory_space<vmem_shared>>
      tpu.wait_dma2 semaphore(%run_scoped3A_32 : memref<!tpu.dma_semaphore, #tpu.memory_space<semaphore_mem>>) src(%arg11 : memref<640x32xf32, #tpu.memory_space<vmem>>) dst(%dma_wait3A_38 : memref<640x32xf32, #tpu.memory_space<vmem_shared>>)
      tpu.yield
    }) : () -> ()
    %mul3A_3 = arith.constant 625 : i32
    %mul3A_4 = arith.muli %arg1, %mul3A_3 : i32
    %mul3A_5 = arith.constant 625 : i32
    %mul3A_6 = arith.muli %arg1, %mul3A_5 : i32
    "tpu.region"() ({
      %run_scoped3A_32 = tpu.sem_alloc : memref<!tpu.dma_semaphore, #tpu.memory_space<semaphore_mem>>
      %dma_start3A = arith.constant 0 : i32
      %dma_start3A_33 = tpu.memref_slice %arg13[%mul3A_6, %dma_start3A] : memref<10000x32xf32, #tpu.memory_space<vmem_shared>> -> memref<625x32xf32, #tpu.memory_space<vmem_shared>>
      %dma_start3A_34 = arith.constant 0 : i32
      %dma_start3A_35 = tpu.memref_slice %arg2[%mul3A_4, %dma_start3A_34] : memref<10000x32xf32, #tpu.memory_space<hbm>> -> memref<625x32xf32, #tpu.memory_space<hbm>>
      tpu.enqueue_dma source(%dma_start3A_35 : memref<625x32xf32, #tpu.memory_space<hbm>>) target(%dma_start3A_33 : memref<625x32xf32, #tpu.memory_space<vmem_shared>>) target_semaphore(%run_scoped3A_32 : memref<!tpu.dma_semaphore, #tpu.memory_space<semaphore_mem>>)
      %dma_wait3A = arith.constant 0 : i32
      %dma_wait3A_36 = tpu.memref_slice %arg13[%mul3A_6, %dma_wait3A] : memref<10000x32xf32, #tpu.memory_space<vmem_shared>> -> memref<625x32xf32, #tpu.memory_space<vmem_shared>>
      %dma_wait3A_37 = arith.constant 0 : i32
      %dma_wait3A_38 = tpu.memref_slice %arg2[%mul3A_4, %dma_wait3A_37] : memref<10000x32xf32, #tpu.memory_space<hbm>> -> memref<625x32xf32, #tpu.memory_space<hbm>>
      tpu.wait_dma2 semaphore(%run_scoped3A_32 : memref<!tpu.dma_semaphore, #tpu.memory_space<semaphore_mem>>) src(%dma_wait3A_38 : memref<625x32xf32, #tpu.memory_space<hbm>>) dst(%dma_wait3A_36 : memref<625x32xf32, #tpu.memory_space<vmem_shared>>)
      tpu.yield
    }) : () -> ()
    %barrier3A = arith.constant 0 : index
    tpu.barrier barrier_id(%barrier3A)
    %scan3A = arith.constant 0 : i32
    %scan3A_7 = arith.constant 0 : i32
    %scan3A_8 = arith.constant 10 : i32
    %scan3A_9 = arith.addi %scan3A_7, %scan3A_8 : i32
    %scan3A_10 = arith.constant 1 : i32
    scf.for %scan3A_32 = %scan3A_7 to %scan3A_9 step %scan3A_10  : i32 {
      %mul3A_33 = arith.constant 1024 : i32
      %mul3A_34 = arith.muli %mul3A_33, %scan3A_32 : i32
      %dma_start3A = tpu.memref_slice %arg8[%mul3A_34] : memref<10240xi32, #tpu.memory_space<vmem>> -> memref<1024xi32, #tpu.memory_space<vmem>>
      %dma_start3A_35 = arith.constant 0 : i32
      %dma_start3A_36 = arith.constant 0 : i32
      %dma_start3A_37 = tpu.memref_slice %arg13[%dma_start3A_35, %dma_start3A_36] : memref<10000x32xf32, #tpu.memory_space<vmem_shared>> -> memref<10000x32xf32, #tpu.memory_space<vmem_shared>>
      tpu.enqueue_indirect_dma source(%dma_start3A_37 : memref<10000x32xf32, #tpu.memory_space<vmem_shared>>) target(%arg10 : memref<1024x32xf32, #tpu.memory_space<vmem>>) offsets(%dma_start3A : memref<1024xi32, #tpu.memory_space<vmem>>) semaphore(%arg14 : memref<!tpu.dma_semaphore, #tpu.memory_space<semaphore_mem>>)
      %dma_wait3A = tpu.memref_slice %arg8[%mul3A_34] : memref<10240xi32, #tpu.memory_space<vmem>> -> memref<1024xi32, #tpu.memory_space<vmem>>
      %dma_wait3A_38 = arith.constant 0 : i32
      %dma_wait3A_39 = arith.constant 0 : i32
      %dma_wait3A_40 = tpu.memref_slice %arg13[%dma_wait3A_38, %dma_wait3A_39] : memref<10000x32xf32, #tpu.memory_space<vmem_shared>> -> memref<10000x32xf32, #tpu.memory_space<vmem_shared>>
      tpu.wait_indirect_dma semaphore(%arg14 : memref<!tpu.dma_semaphore, #tpu.memory_space<semaphore_mem>>) src(%dma_wait3A_40 : memref<10000x32xf32, #tpu.memory_space<vmem_shared>>) dst(%arg10 : memref<1024x32xf32, #tpu.memory_space<vmem>>)
      "tpu.region"() ({
        %run_scoped3A_41 = tpu.sem_alloc : memref<!tpu.dma_semaphore, #tpu.memory_space<semaphore_mem>>
        %dma_start3A_42 = tpu.memref_slice %arg9[%mul3A_34] : memref<10240xi32, #tpu.memory_space<vmem>> -> memref<1024xi32, #tpu.memory_space<vmem>>
        %dma_start3A_43 = arith.constant 0 : i32
        %dma_start3A_44 = arith.constant 0 : i32
        %dma_start3A_45 = tpu.memref_slice %arg12[%dma_start3A_43, %dma_start3A_44] : memref<10240x32xf32, #tpu.memory_space<vmem_shared>> -> memref<10240x32xf32, #tpu.memory_space<vmem_shared>>
        tpu.enqueue_indirect_dma source(%arg10 : memref<1024x32xf32, #tpu.memory_space<vmem>>) target(%dma_start3A_45 : memref<10240x32xf32, #tpu.memory_space<vmem_shared>>) offsets(%dma_start3A_42 : memref<1024xi32, #tpu.memory_space<vmem>>) semaphore(%run_scoped3A_41 : memref<!tpu.dma_semaphore, #tpu.memory_space<semaphore_mem>>) {add = true}
        %dma_wait3A_46 = tpu.memref_slice %arg9[%mul3A_34] : memref<10240xi32, #tpu.memory_space<vmem>> -> memref<1024xi32, #tpu.memory_space<vmem>>
        %dma_wait3A_47 = arith.constant 0 : i32
        %dma_wait3A_48 = arith.constant 0 : i32
        %dma_wait3A_49 = tpu.memref_slice %arg12[%dma_wait3A_47, %dma_wait3A_48] : memref<10240x32xf32, #tpu.memory_space<vmem_shared>> -> memref<10240x32xf32, #tpu.memory_space<vmem_shared>>
        tpu.wait_indirect_dma semaphore(%run_scoped3A_41 : memref<!tpu.dma_semaphore, #tpu.memory_space<semaphore_mem>>) src(%arg10 : memref<1024x32xf32, #tpu.memory_space<vmem>>) dst(%dma_wait3A_49 : memref<10240x32xf32, #tpu.memory_space<vmem_shared>>)
        tpu.yield
      }) : () -> ()
    }
    %scan3A_11 = arith.constant 10 : i32
    %barrier3A_12 = arith.constant 0 : index
    tpu.barrier barrier_id(%barrier3A_12)
    %mul3A_13 = arith.constant 640 : i32
    %mul3A_14 = arith.muli %arg1, %mul3A_13 : i32
    %run_scoped3A = arith.constant 0 : i32
    "tpu.region"() ({
      %run_scoped3A_32 = tpu.sem_alloc : memref<!tpu.dma_semaphore, #tpu.memory_space<semaphore_mem>>
      %dma_start3A = arith.constant 0 : i32
      %dma_start3A_33 = tpu.memref_slice %arg7[%run_scoped3A, %arg0, %mul3A_14, %dma_start3A] : memref<2x2x10240x32xf32, #tpu.memory_space<hbm>> -> memref<1x1x640x32xf32, #tpu.memory_space<hbm>>
      %dma_start3A_34 = tpu.memref_squeeze %dma_start3A_33 : memref<1x1x640x32xf32, #tpu.memory_space<hbm>> -> memref<640x32xf32, #tpu.memory_space<hbm>>
      %dma_start3A_35 = arith.constant 0 : i32
      %dma_start3A_36 = tpu.memref_slice %arg12[%mul3A_14, %dma_start3A_35] : memref<10240x32xf32, #tpu.memory_space<vmem_shared>> -> memref<640x32xf32, #tpu.memory_space<vmem_shared>>
      tpu.enqueue_dma source(%dma_start3A_36 : memref<640x32xf32, #tpu.memory_space<vmem_shared>>) target(%dma_start3A_34 : memref<640x32xf32, #tpu.memory_space<hbm>>) target_semaphore(%run_scoped3A_32 : memref<!tpu.dma_semaphore, #tpu.memory_space<semaphore_mem>>)
      %dma_wait3A = arith.constant 0 : i32
      %dma_wait3A_37 = tpu.memref_slice %arg7[%run_scoped3A, %arg0, %mul3A_14, %dma_wait3A] : memref<2x2x10240x32xf32, #tpu.memory_space<hbm>> -> memref<1x1x640x32xf32, #tpu.memory_space<hbm>>
      %dma_wait3A_38 = tpu.memref_squeeze %dma_wait3A_37 : memref<1x1x640x32xf32, #tpu.memory_space<hbm>> -> memref<640x32xf32, #tpu.memory_space<hbm>>
      %dma_wait3A_39 = arith.constant 0 : i32
      %dma_wait3A_40 = tpu.memref_slice %arg12[%mul3A_14, %dma_wait3A_39] : memref<10240x32xf32, #tpu.memory_space<vmem_shared>> -> memref<640x32xf32, #tpu.memory_space<vmem_shared>>
      tpu.wait_dma2 semaphore(%run_scoped3A_32 : memref<!tpu.dma_semaphore, #tpu.memory_space<semaphore_mem>>) src(%dma_wait3A_40 : memref<640x32xf32, #tpu.memory_space<vmem_shared>>) dst(%dma_wait3A_38 : memref<640x32xf32, #tpu.memory_space<hbm>>)
      tpu.yield
    }) : () -> ()
    %mul3A_15 = arith.constant 640 : i32
    %mul3A_16 = arith.muli %arg1, %mul3A_15 : i32
    "tpu.region"() ({
      %run_scoped3A_32 = tpu.sem_alloc : memref<!tpu.dma_semaphore, #tpu.memory_space<semaphore_mem>>
      %dma_start3A = arith.constant 0 : i32
      %dma_start3A_33 = tpu.memref_slice %arg12[%mul3A_16, %dma_start3A] : memref<10240x32xf32, #tpu.memory_space<vmem_shared>> -> memref<640x32xf32, #tpu.memory_space<vmem_shared>>
      %dma_start3A_34 = arith.constant 0 : i32
      %dma_start3A_35 = tpu.memref_slice %arg12[%mul3A_16, %dma_start3A_34] : memref<10240x32xf32, #tpu.memory_space<vmem_shared>> -> memref<640x32xf32, #tpu.memory_space<vmem_shared>>
      tpu.enqueue_dma source(%arg11 : memref<640x32xf32, #tpu.memory_space<vmem>>) target(%dma_start3A_35 : memref<640x32xf32, #tpu.memory_space<vmem_shared>>) target_semaphore(%run_scoped3A_32 : memref<!tpu.dma_semaphore, #tpu.memory_space<semaphore_mem>>)
      %dma_wait3A = arith.constant 0 : i32
      %dma_wait3A_36 = tpu.memref_slice %arg12[%mul3A_16, %dma_wait3A] : memref<10240x32xf32, #tpu.memory_space<vmem_shared>> -> memref<640x32xf32, #tpu.memory_space<vmem_shared>>
      %dma_wait3A_37 = arith.constant 0 : i32
      %dma_wait3A_38 = tpu.memref_slice %arg12[%mul3A_16, %dma_wait3A_37] : memref<10240x32xf32, #tpu.memory_space<vmem_shared>> -> memref<640x32xf32, #tpu.memory_space<vmem_shared>>
      tpu.wait_dma2 semaphore(%run_scoped3A_32 : memref<!tpu.dma_semaphore, #tpu.memory_space<semaphore_mem>>) src(%arg11 : memref<640x32xf32, #tpu.memory_space<vmem>>) dst(%dma_wait3A_38 : memref<640x32xf32, #tpu.memory_space<vmem_shared>>)
      tpu.yield
    }) : () -> ()
    %mul3A_17 = arith.constant 625 : i32
    %mul3A_18 = arith.muli %arg1, %mul3A_17 : i32
    %mul3A_19 = arith.constant 625 : i32
    %mul3A_20 = arith.muli %arg1, %mul3A_19 : i32
    "tpu.region"() ({
      %run_scoped3A_32 = tpu.sem_alloc : memref<!tpu.dma_semaphore, #tpu.memory_space<semaphore_mem>>
      %dma_start3A = arith.constant 0 : i32
      %dma_start3A_33 = tpu.memref_slice %arg13[%mul3A_20, %dma_start3A] : memref<10000x32xf32, #tpu.memory_space<vmem_shared>> -> memref<625x32xf32, #tpu.memory_space<vmem_shared>>
      %dma_start3A_34 = arith.constant 0 : i32
      %dma_start3A_35 = tpu.memref_slice %arg3[%mul3A_18, %dma_start3A_34] : memref<10000x32xf32, #tpu.memory_space<hbm>> -> memref<625x32xf32, #tpu.memory_space<hbm>>
      tpu.enqueue_dma source(%dma_start3A_35 : memref<625x32xf32, #tpu.memory_space<hbm>>) target(%dma_start3A_33 : memref<625x32xf32, #tpu.memory_space<vmem_shared>>) target_semaphore(%run_scoped3A_32 : memref<!tpu.dma_semaphore, #tpu.memory_space<semaphore_mem>>)
      %dma_wait3A = arith.constant 0 : i32
      %dma_wait3A_36 = tpu.memref_slice %arg13[%mul3A_20, %dma_wait3A] : memref<10000x32xf32, #tpu.memory_space<vmem_shared>> -> memref<625x32xf32, #tpu.memory_space<vmem_shared>>
      %dma_wait3A_37 = arith.constant 0 : i32
      %dma_wait3A_38 = tpu.memref_slice %arg3[%mul3A_18, %dma_wait3A_37] : memref<10000x32xf32, #tpu.memory_space<hbm>> -> memref<625x32xf32, #tpu.memory_space<hbm>>
      tpu.wait_dma2 semaphore(%run_scoped3A_32 : memref<!tpu.dma_semaphore, #tpu.memory_space<semaphore_mem>>) src(%dma_wait3A_38 : memref<625x32xf32, #tpu.memory_space<hbm>>) dst(%dma_wait3A_36 : memref<625x32xf32, #tpu.memory_space<vmem_shared>>)
      tpu.yield
    }) : () -> ()
    %barrier3A_21 = arith.constant 0 : index
    tpu.barrier barrier_id(%barrier3A_21)
    %scan3A_22 = arith.constant 0 : i32
    %scan3A_23 = arith.constant 0 : i32
    %scan3A_24 = arith.constant 10 : i32
    %scan3A_25 = arith.addi %scan3A_23, %scan3A_24 : i32
    %scan3A_26 = arith.constant 1 : i32
    scf.for %scan3A_32 = %scan3A_23 to %scan3A_25 step %scan3A_26  : i32 {
      %mul3A_33 = arith.constant 1024 : i32
      %mul3A_34 = arith.muli %mul3A_33, %scan3A_32 : i32
      %dma_start3A = tpu.memref_slice %arg8[%mul3A_34] : memref<10240xi32, #tpu.memory_space<vmem>> -> memref<1024xi32, #tpu.memory_space<vmem>>
      %dma_start3A_35 = arith.constant 0 : i32
      %dma_start3A_36 = arith.constant 0 : i32
      %dma_start3A_37 = tpu.memref_slice %arg13[%dma_start3A_35, %dma_start3A_36] : memref<10000x32xf32, #tpu.memory_space<vmem_shared>> -> memref<10000x32xf32, #tpu.memory_space<vmem_shared>>
      tpu.enqueue_indirect_dma source(%dma_start3A_37 : memref<10000x32xf32, #tpu.memory_space<vmem_shared>>) target(%arg10 : memref<1024x32xf32, #tpu.memory_space<vmem>>) offsets(%dma_start3A : memref<1024xi32, #tpu.memory_space<vmem>>) semaphore(%arg14 : memref<!tpu.dma_semaphore, #tpu.memory_space<semaphore_mem>>)
      %dma_wait3A = tpu.memref_slice %arg8[%mul3A_34] : memref<10240xi32, #tpu.memory_space<vmem>> -> memref<1024xi32, #tpu.memory_space<vmem>>
      %dma_wait3A_38 = arith.constant 0 : i32
      %dma_wait3A_39 = arith.constant 0 : i32
      %dma_wait3A_40 = tpu.memref_slice %arg13[%dma_wait3A_38, %dma_wait3A_39] : memref<10000x32xf32, #tpu.memory_space<vmem_shared>> -> memref<10000x32xf32, #tpu.memory_space<vmem_shared>>
      tpu.wait_indirect_dma semaphore(%arg14 : memref<!tpu.dma_semaphore, #tpu.memory_space<semaphore_mem>>) src(%dma_wait3A_40 : memref<10000x32xf32, #tpu.memory_space<vmem_shared>>) dst(%arg10 : memref<1024x32xf32, #tpu.memory_space<vmem>>)
      "tpu.region"() ({
        %run_scoped3A_41 = tpu.sem_alloc : memref<!tpu.dma_semaphore, #tpu.memory_space<semaphore_mem>>
        %dma_start3A_42 = tpu.memref_slice %arg9[%mul3A_34] : memref<10240xi32, #tpu.memory_space<vmem>> -> memref<1024xi32, #tpu.memory_space<vmem>>
        %dma_start3A_43 = arith.constant 0 : i32
        %dma_start3A_44 = arith.constant 0 : i32
        %dma_start3A_45 = tpu.memref_slice %arg12[%dma_start3A_43, %dma_start3A_44] : memref<10240x32xf32, #tpu.memory_space<vmem_shared>> -> memref<10240x32xf32, #tpu.memory_space<vmem_shared>>
        tpu.enqueue_indirect_dma source(%arg10 : memref<1024x32xf32, #tpu.memory_space<vmem>>) target(%dma_start3A_45 : memref<10240x32xf32, #tpu.memory_space<vmem_shared>>) offsets(%dma_start3A_42 : memref<1024xi32, #tpu.memory_space<vmem>>) semaphore(%run_scoped3A_41 : memref<!tpu.dma_semaphore, #tpu.memory_space<semaphore_mem>>) {add = true}
        %dma_wait3A_46 = tpu.memref_slice %arg9[%mul3A_34] : memref<10240xi32, #tpu.memory_space<vmem>> -> memref<1024xi32, #tpu.memory_space<vmem>>
        %dma_wait3A_47 = arith.constant 0 : i32
        %dma_wait3A_48 = arith.constant 0 : i32
        %dma_wait3A_49 = tpu.memref_slice %arg12[%dma_wait3A_47, %dma_wait3A_48] : memref<10240x32xf32, #tpu.memory_space<vmem_shared>> -> memref<10240x32xf32, #tpu.memory_space<vmem_shared>>
        tpu.wait_indirect_dma semaphore(%run_scoped3A_41 : memref<!tpu.dma_semaphore, #tpu.memory_space<semaphore_mem>>) src(%arg10 : memref<1024x32xf32, #tpu.memory_space<vmem>>) dst(%dma_wait3A_49 : memref<10240x32xf32, #tpu.memory_space<vmem_shared>>)
        tpu.yield
      }) : () -> ()
    }
    %scan3A_27 = arith.constant 10 : i32
    %barrier3A_28 = arith.constant 0 : index
    tpu.barrier barrier_id(%barrier3A_28)
    %mul3A_29 = arith.constant 640 : i32
    %mul3A_30 = arith.muli %arg1, %mul3A_29 : i32
    %run_scoped3A_31 = arith.constant 1 : i32
    "tpu.region"() ({
      %run_scoped3A_32 = tpu.sem_alloc : memref<!tpu.dma_semaphore, #tpu.memory_space<semaphore_mem>>
      %dma_start3A = arith.constant 0 : i32
      %dma_start3A_33 = tpu.memref_slice %arg7[%run_scoped3A_31, %arg0, %mul3A_30, %dma_start3A] : memref<2x2x10240x32xf32, #tpu.memory_space<hbm>> -> memref<1x1x640x32xf32, #tpu.memory_space<hbm>>
      %dma_start3A_34 = tpu.memref_squeeze %dma_start3A_33 : memref<1x1x640x32xf32, #tpu.memory_space<hbm>> -> memref<640x32xf32, #tpu.memory_space<hbm>>
      %dma_start3A_35 = arith.constant 0 : i32
      %dma_start3A_36 = tpu.memref_slice %arg12[%mul3A_30, %dma_start3A_35] : memref<10240x32xf32, #tpu.memory_space<vmem_shared>> -> memref<640x32xf32, #tpu.memory_space<vmem_shared>>
      tpu.enqueue_dma source(%dma_start3A_36 : memref<640x32xf32, #tpu.memory_space<vmem_shared>>) target(%dma_start3A_34 : memref<640x32xf32, #tpu.memory_space<hbm>>) target_semaphore(%run_scoped3A_32 : memref<!tpu.dma_semaphore, #tpu.memory_space<semaphore_mem>>)
      %dma_wait3A = arith.constant 0 : i32
      %dma_wait3A_37 = tpu.memref_slice %arg7[%run_scoped3A_31, %arg0, %mul3A_30, %dma_wait3A] : memref<2x2x10240x32xf32, #tpu.memory_space<hbm>> -> memref<1x1x640x32xf32, #tpu.memory_space<hbm>>
      %dma_wait3A_38 = tpu.memref_squeeze %dma_wait3A_37 : memref<1x1x640x32xf32, #tpu.memory_space<hbm>> -> memref<640x32xf32, #tpu.memory_space<hbm>>
      %dma_wait3A_39 = arith.constant 0 : i32
      %dma_wait3A_40 = tpu.memref_slice %arg12[%mul3A_30, %dma_wait3A_39] : memref<10240x32xf32, #tpu.memory_space<vmem_shared>> -> memref<640x32xf32, #tpu.memory_space<vmem_shared>>
      tpu.wait_dma2 semaphore(%run_scoped3A_32 : memref<!tpu.dma_semaphore, #tpu.memory_space<semaphore_mem>>) src(%dma_wait3A_40 : memref<640x32xf32, #tpu.memory_space<vmem_shared>>) dst(%dma_wait3A_38 : memref<640x32xf32, #tpu.memory_space<hbm>>)
      tpu.yield
    }) : () -> ()
    return
  }
}

#map = affine_map<(d0, d1) -> (0, 0)>
#map1 = affine_map<(d0, d1) -> (0, 0, 0)>
module attributes {stable_mosaic.version = 14 : i64} {
  func.func @prop(%arg0: i32, %arg1: i32, %arg2: memref<10000x16xf32, #tpu.memory_space<hbm>>, %arg3: memref<32x10240xi32, #tpu.memory_space<hbm>>, %arg4: memref<32x10240xi32, #tpu.memory_space<hbm>>, %arg5: memref<640x16xf32, #tpu.memory_space<hbm>>, %arg6: memref<2x10240x16xf32, #tpu.memory_space<hbm>>, %arg7: memref<10240xi32, #tpu.memory_space<vmem>>, %arg8: memref<10240xi32, #tpu.memory_space<vmem>>, %arg9: memref<1024x16xf32, #tpu.memory_space<vmem>>, %arg10: memref<10240x16xf32, #tpu.memory_space<vmem_shared>>, %arg11: memref<10000x16xf32, #tpu.memory_space<vmem_shared>>, %arg12: memref<!tpu.dma_semaphore, #tpu.memory_space<semaphore_mem>>) attributes {dimension_semantics = [#tpu.dimension_semantics<core_parallel>, #tpu.dimension_semantics<subcore_parallel>], iteration_bounds = array<i64: 2, 16>, scalar_prefetch = 0 : i64, scratch_operands = 6 : i64, tpu.core_type = #tpu.core_type<sc_vector_subcore>, window_params = [{transform_indices = #map}, {transform_indices = #map}, {transform_indices = #map}, {transform_indices = #map}, {transform_indices = #map1}]} {
    %mul3A = arith.constant 16 : i32
    %mul3A_0 = arith.muli %arg0, %mul3A : i32
    %add3A = arith.addi %mul3A_0, %arg1 : i32
    %mul3A_1 = arith.constant 640 : i32
    %mul3A_2 = arith.muli %arg1, %mul3A_1 : i32
    "tpu.region"() ({
      %run_scoped3A = tpu.sem_alloc : memref<!tpu.dma_semaphore, #tpu.memory_space<semaphore_mem>>
      %dma_start3A = arith.constant 0 : i32
      %dma_start3A_15 = tpu.memref_slice %arg10[%mul3A_2, %dma_start3A] : memref<10240x16xf32, #tpu.memory_space<vmem_shared>> -> memref<640x16xf32, #tpu.memory_space<vmem_shared>>
      tpu.enqueue_dma source(%arg5 : memref<640x16xf32, #tpu.memory_space<hbm>>) target(%dma_start3A_15 : memref<640x16xf32, #tpu.memory_space<vmem_shared>>) target_semaphore(%run_scoped3A : memref<!tpu.dma_semaphore, #tpu.memory_space<semaphore_mem>>)
      %dma_wait3A = arith.constant 0 : i32
      %dma_wait3A_16 = tpu.memref_slice %arg10[%mul3A_2, %dma_wait3A] : memref<10240x16xf32, #tpu.memory_space<vmem_shared>> -> memref<640x16xf32, #tpu.memory_space<vmem_shared>>
      tpu.wait_dma2 semaphore(%run_scoped3A : memref<!tpu.dma_semaphore, #tpu.memory_space<semaphore_mem>>) src(%arg5 : memref<640x16xf32, #tpu.memory_space<hbm>>) dst(%dma_wait3A_16 : memref<640x16xf32, #tpu.memory_space<vmem_shared>>)
      tpu.yield
    }) : () -> ()
    %mul3A_3 = arith.constant 625 : i32
    %mul3A_4 = arith.muli %arg1, %mul3A_3 : i32
    %mul3A_5 = arith.constant 625 : i32
    %mul3A_6 = arith.muli %arg1, %mul3A_5 : i32
    "tpu.region"() ({
      %run_scoped3A = tpu.sem_alloc : memref<!tpu.dma_semaphore, #tpu.memory_space<semaphore_mem>>
      %dma_start3A = arith.constant 0 : i32
      %dma_start3A_15 = tpu.memref_slice %arg11[%mul3A_6, %dma_start3A] : memref<10000x16xf32, #tpu.memory_space<vmem_shared>> -> memref<625x16xf32, #tpu.memory_space<vmem_shared>>
      %dma_start3A_16 = arith.constant 0 : i32
      %dma_start3A_17 = tpu.memref_slice %arg2[%mul3A_4, %dma_start3A_16] : memref<10000x16xf32, #tpu.memory_space<hbm>> -> memref<625x16xf32, #tpu.memory_space<hbm>>
      tpu.enqueue_dma source(%dma_start3A_17 : memref<625x16xf32, #tpu.memory_space<hbm>>) target(%dma_start3A_15 : memref<625x16xf32, #tpu.memory_space<vmem_shared>>) target_semaphore(%run_scoped3A : memref<!tpu.dma_semaphore, #tpu.memory_space<semaphore_mem>>)
      %dma_wait3A = arith.constant 0 : i32
      %dma_wait3A_18 = tpu.memref_slice %arg11[%mul3A_6, %dma_wait3A] : memref<10000x16xf32, #tpu.memory_space<vmem_shared>> -> memref<625x16xf32, #tpu.memory_space<vmem_shared>>
      %dma_wait3A_19 = arith.constant 0 : i32
      %dma_wait3A_20 = tpu.memref_slice %arg2[%mul3A_4, %dma_wait3A_19] : memref<10000x16xf32, #tpu.memory_space<hbm>> -> memref<625x16xf32, #tpu.memory_space<hbm>>
      tpu.wait_dma2 semaphore(%run_scoped3A : memref<!tpu.dma_semaphore, #tpu.memory_space<semaphore_mem>>) src(%dma_wait3A_20 : memref<625x16xf32, #tpu.memory_space<hbm>>) dst(%dma_wait3A_18 : memref<625x16xf32, #tpu.memory_space<vmem_shared>>)
      tpu.yield
    }) : () -> ()
    %barrier3A = arith.constant 0 : index
    tpu.barrier barrier_id(%barrier3A)
    "tpu.region"() ({
      %run_scoped3A = tpu.sem_alloc : memref<!tpu.dma_semaphore, #tpu.memory_space<semaphore_mem>>
      %dma_start3A = arith.constant 0 : i32
      %dma_start3A_15 = tpu.memref_slice %arg3[%add3A, %dma_start3A] : memref<32x10240xi32, #tpu.memory_space<hbm>> -> memref<1x10240xi32, #tpu.memory_space<hbm>>
      %dma_start3A_16 = tpu.memref_squeeze %dma_start3A_15 : memref<1x10240xi32, #tpu.memory_space<hbm>> -> memref<10240xi32, #tpu.memory_space<hbm>>
      %dma_start3A_17 = arith.constant 0 : i32
      %dma_start3A_18 = tpu.memref_slice %arg3[%add3A, %dma_start3A_17] : memref<32x10240xi32, #tpu.memory_space<hbm>> -> memref<1x10240xi32, #tpu.memory_space<hbm>>
      %dma_start3A_19 = tpu.memref_squeeze %dma_start3A_18 : memref<1x10240xi32, #tpu.memory_space<hbm>> -> memref<10240xi32, #tpu.memory_space<hbm>>
      tpu.enqueue_dma source(%dma_start3A_19 : memref<10240xi32, #tpu.memory_space<hbm>>) target(%arg7 : memref<10240xi32, #tpu.memory_space<vmem>>) target_semaphore(%run_scoped3A : memref<!tpu.dma_semaphore, #tpu.memory_space<semaphore_mem>>)
      %dma_wait3A = arith.constant 0 : i32
      %dma_wait3A_20 = tpu.memref_slice %arg3[%add3A, %dma_wait3A] : memref<32x10240xi32, #tpu.memory_space<hbm>> -> memref<1x10240xi32, #tpu.memory_space<hbm>>
      %dma_wait3A_21 = tpu.memref_squeeze %dma_wait3A_20 : memref<1x10240xi32, #tpu.memory_space<hbm>> -> memref<10240xi32, #tpu.memory_space<hbm>>
      %dma_wait3A_22 = arith.constant 0 : i32
      %dma_wait3A_23 = tpu.memref_slice %arg3[%add3A, %dma_wait3A_22] : memref<32x10240xi32, #tpu.memory_space<hbm>> -> memref<1x10240xi32, #tpu.memory_space<hbm>>
      %dma_wait3A_24 = tpu.memref_squeeze %dma_wait3A_23 : memref<1x10240xi32, #tpu.memory_space<hbm>> -> memref<10240xi32, #tpu.memory_space<hbm>>
      tpu.wait_dma2 semaphore(%run_scoped3A : memref<!tpu.dma_semaphore, #tpu.memory_space<semaphore_mem>>) src(%dma_wait3A_24 : memref<10240xi32, #tpu.memory_space<hbm>>) dst(%arg7 : memref<10240xi32, #tpu.memory_space<vmem>>)
      tpu.yield
    }) : () -> ()
    "tpu.region"() ({
      %run_scoped3A = tpu.sem_alloc : memref<!tpu.dma_semaphore, #tpu.memory_space<semaphore_mem>>
      %dma_start3A = arith.constant 0 : i32
      %dma_start3A_15 = tpu.memref_slice %arg4[%add3A, %dma_start3A] : memref<32x10240xi32, #tpu.memory_space<hbm>> -> memref<1x10240xi32, #tpu.memory_space<hbm>>
      %dma_start3A_16 = tpu.memref_squeeze %dma_start3A_15 : memref<1x10240xi32, #tpu.memory_space<hbm>> -> memref<10240xi32, #tpu.memory_space<hbm>>
      %dma_start3A_17 = arith.constant 0 : i32
      %dma_start3A_18 = tpu.memref_slice %arg4[%add3A, %dma_start3A_17] : memref<32x10240xi32, #tpu.memory_space<hbm>> -> memref<1x10240xi32, #tpu.memory_space<hbm>>
      %dma_start3A_19 = tpu.memref_squeeze %dma_start3A_18 : memref<1x10240xi32, #tpu.memory_space<hbm>> -> memref<10240xi32, #tpu.memory_space<hbm>>
      tpu.enqueue_dma source(%dma_start3A_19 : memref<10240xi32, #tpu.memory_space<hbm>>) target(%arg8 : memref<10240xi32, #tpu.memory_space<vmem>>) target_semaphore(%run_scoped3A : memref<!tpu.dma_semaphore, #tpu.memory_space<semaphore_mem>>)
      %dma_wait3A = arith.constant 0 : i32
      %dma_wait3A_20 = tpu.memref_slice %arg4[%add3A, %dma_wait3A] : memref<32x10240xi32, #tpu.memory_space<hbm>> -> memref<1x10240xi32, #tpu.memory_space<hbm>>
      %dma_wait3A_21 = tpu.memref_squeeze %dma_wait3A_20 : memref<1x10240xi32, #tpu.memory_space<hbm>> -> memref<10240xi32, #tpu.memory_space<hbm>>
      %dma_wait3A_22 = arith.constant 0 : i32
      %dma_wait3A_23 = tpu.memref_slice %arg4[%add3A, %dma_wait3A_22] : memref<32x10240xi32, #tpu.memory_space<hbm>> -> memref<1x10240xi32, #tpu.memory_space<hbm>>
      %dma_wait3A_24 = tpu.memref_squeeze %dma_wait3A_23 : memref<1x10240xi32, #tpu.memory_space<hbm>> -> memref<10240xi32, #tpu.memory_space<hbm>>
      tpu.wait_dma2 semaphore(%run_scoped3A : memref<!tpu.dma_semaphore, #tpu.memory_space<semaphore_mem>>) src(%dma_wait3A_24 : memref<10240xi32, #tpu.memory_space<hbm>>) dst(%arg8 : memref<10240xi32, #tpu.memory_space<vmem>>)
      tpu.yield
    }) : () -> ()
    %scan3A = arith.constant 0 : i32
    %scan3A_7 = arith.constant 0 : i32
    %scan3A_8 = arith.constant 10 : i32
    %scan3A_9 = arith.addi %scan3A_7, %scan3A_8 : i32
    %scan3A_10 = arith.constant 1 : i32
    scf.for %scan3A_15 = %scan3A_7 to %scan3A_9 step %scan3A_10  : i32 {
      %mul3A_16 = arith.constant 1024 : i32
      %mul3A_17 = arith.muli %mul3A_16, %scan3A_15 : i32
      %dma_start3A = tpu.memref_slice %arg7[%mul3A_17] : memref<10240xi32, #tpu.memory_space<vmem>> -> memref<1024xi32, #tpu.memory_space<vmem>>
      %dma_start3A_18 = arith.constant 0 : i32
      %dma_start3A_19 = arith.constant 0 : i32
      %dma_start3A_20 = tpu.memref_slice %arg11[%dma_start3A_18, %dma_start3A_19] : memref<10000x16xf32, #tpu.memory_space<vmem_shared>> -> memref<10000x16xf32, #tpu.memory_space<vmem_shared>>
      tpu.enqueue_indirect_dma source(%dma_start3A_20 : memref<10000x16xf32, #tpu.memory_space<vmem_shared>>) target(%arg9 : memref<1024x16xf32, #tpu.memory_space<vmem>>) offsets(%dma_start3A : memref<1024xi32, #tpu.memory_space<vmem>>) semaphore(%arg12 : memref<!tpu.dma_semaphore, #tpu.memory_space<semaphore_mem>>)
      %dma_wait3A = tpu.memref_slice %arg7[%mul3A_17] : memref<10240xi32, #tpu.memory_space<vmem>> -> memref<1024xi32, #tpu.memory_space<vmem>>
      %dma_wait3A_21 = arith.constant 0 : i32
      %dma_wait3A_22 = arith.constant 0 : i32
      %dma_wait3A_23 = tpu.memref_slice %arg11[%dma_wait3A_21, %dma_wait3A_22] : memref<10000x16xf32, #tpu.memory_space<vmem_shared>> -> memref<10000x16xf32, #tpu.memory_space<vmem_shared>>
      tpu.wait_indirect_dma semaphore(%arg12 : memref<!tpu.dma_semaphore, #tpu.memory_space<semaphore_mem>>) src(%dma_wait3A_23 : memref<10000x16xf32, #tpu.memory_space<vmem_shared>>) dst(%arg9 : memref<1024x16xf32, #tpu.memory_space<vmem>>)
      "tpu.region"() ({
        %run_scoped3A = tpu.sem_alloc : memref<!tpu.dma_semaphore, #tpu.memory_space<semaphore_mem>>
        %dma_start3A_24 = tpu.memref_slice %arg8[%mul3A_17] : memref<10240xi32, #tpu.memory_space<vmem>> -> memref<1024xi32, #tpu.memory_space<vmem>>
        %dma_start3A_25 = arith.constant 0 : i32
        %dma_start3A_26 = arith.constant 0 : i32
        %dma_start3A_27 = tpu.memref_slice %arg10[%dma_start3A_25, %dma_start3A_26] : memref<10240x16xf32, #tpu.memory_space<vmem_shared>> -> memref<10240x16xf32, #tpu.memory_space<vmem_shared>>
        tpu.enqueue_indirect_dma source(%arg9 : memref<1024x16xf32, #tpu.memory_space<vmem>>) target(%dma_start3A_27 : memref<10240x16xf32, #tpu.memory_space<vmem_shared>>) offsets(%dma_start3A_24 : memref<1024xi32, #tpu.memory_space<vmem>>) semaphore(%run_scoped3A : memref<!tpu.dma_semaphore, #tpu.memory_space<semaphore_mem>>) {add = true}
        %dma_wait3A_28 = tpu.memref_slice %arg8[%mul3A_17] : memref<10240xi32, #tpu.memory_space<vmem>> -> memref<1024xi32, #tpu.memory_space<vmem>>
        %dma_wait3A_29 = arith.constant 0 : i32
        %dma_wait3A_30 = arith.constant 0 : i32
        %dma_wait3A_31 = tpu.memref_slice %arg10[%dma_wait3A_29, %dma_wait3A_30] : memref<10240x16xf32, #tpu.memory_space<vmem_shared>> -> memref<10240x16xf32, #tpu.memory_space<vmem_shared>>
        tpu.wait_indirect_dma semaphore(%run_scoped3A : memref<!tpu.dma_semaphore, #tpu.memory_space<semaphore_mem>>) src(%arg9 : memref<1024x16xf32, #tpu.memory_space<vmem>>) dst(%dma_wait3A_31 : memref<10240x16xf32, #tpu.memory_space<vmem_shared>>)
        tpu.yield
      }) : () -> ()
    }
    %scan3A_11 = arith.constant 10 : i32
    %barrier3A_12 = arith.constant 0 : index
    tpu.barrier barrier_id(%barrier3A_12)
    %mul3A_13 = arith.constant 640 : i32
    %mul3A_14 = arith.muli %arg1, %mul3A_13 : i32
    "tpu.region"() ({
      %run_scoped3A = tpu.sem_alloc : memref<!tpu.dma_semaphore, #tpu.memory_space<semaphore_mem>>
      %dma_start3A = arith.constant 0 : i32
      %dma_start3A_15 = tpu.memref_slice %arg6[%arg0, %mul3A_14, %dma_start3A] : memref<2x10240x16xf32, #tpu.memory_space<hbm>> -> memref<1x640x16xf32, #tpu.memory_space<hbm>>
      %dma_start3A_16 = tpu.memref_squeeze %dma_start3A_15 : memref<1x640x16xf32, #tpu.memory_space<hbm>> -> memref<640x16xf32, #tpu.memory_space<hbm>>
      %dma_start3A_17 = arith.constant 0 : i32
      %dma_start3A_18 = tpu.memref_slice %arg10[%mul3A_14, %dma_start3A_17] : memref<10240x16xf32, #tpu.memory_space<vmem_shared>> -> memref<640x16xf32, #tpu.memory_space<vmem_shared>>
      tpu.enqueue_dma source(%dma_start3A_18 : memref<640x16xf32, #tpu.memory_space<vmem_shared>>) target(%dma_start3A_16 : memref<640x16xf32, #tpu.memory_space<hbm>>) target_semaphore(%run_scoped3A : memref<!tpu.dma_semaphore, #tpu.memory_space<semaphore_mem>>)
      %dma_wait3A = arith.constant 0 : i32
      %dma_wait3A_19 = tpu.memref_slice %arg6[%arg0, %mul3A_14, %dma_wait3A] : memref<2x10240x16xf32, #tpu.memory_space<hbm>> -> memref<1x640x16xf32, #tpu.memory_space<hbm>>
      %dma_wait3A_20 = tpu.memref_squeeze %dma_wait3A_19 : memref<1x640x16xf32, #tpu.memory_space<hbm>> -> memref<640x16xf32, #tpu.memory_space<hbm>>
      %dma_wait3A_21 = arith.constant 0 : i32
      %dma_wait3A_22 = tpu.memref_slice %arg10[%mul3A_14, %dma_wait3A_21] : memref<10240x16xf32, #tpu.memory_space<vmem_shared>> -> memref<640x16xf32, #tpu.memory_space<vmem_shared>>
      tpu.wait_dma2 semaphore(%run_scoped3A : memref<!tpu.dma_semaphore, #tpu.memory_space<semaphore_mem>>) src(%dma_wait3A_22 : memref<640x16xf32, #tpu.memory_space<vmem_shared>>) dst(%dma_wait3A_20 : memref<640x16xf32, #tpu.memory_space<hbm>>)
      tpu.yield
    }) : () -> ()
    return
  }
}

#map = affine_map<(d0, d1) -> (0, 0)>
#map1 = affine_map<(d0, d1) -> (0, 0, 0)>
module attributes {stable_mosaic.version = 14 : i64} {
  func.func @prop(%arg0: i32, %arg1: i32, %arg2: memref<10000x16xf32, #tpu.memory_space<hbm>>, %arg3: memref<32x10240xi32, #tpu.memory_space<hbm>>, %arg4: memref<32x10240xi32, #tpu.memory_space<hbm>>, %arg5: memref<640x16xf32, #tpu.memory_space<hbm>>, %arg6: memref<2x10240x16xf32, #tpu.memory_space<hbm>>, %arg7: memref<10240xi32, #tpu.memory_space<vmem>>, %arg8: memref<10240xi32, #tpu.memory_space<vmem>>, %arg9: memref<1024x16xf32, #tpu.memory_space<vmem>>, %arg10: memref<10240x16xf32, #tpu.memory_space<vmem_shared>>, %arg11: memref<10000x16xf32, #tpu.memory_space<vmem_shared>>, %arg12: memref<!tpu.dma_semaphore, #tpu.memory_space<semaphore_mem>>) attributes {dimension_semantics = [#tpu.dimension_semantics<core_parallel>, #tpu.dimension_semantics<subcore_parallel>], iteration_bounds = array<i64: 2, 16>, scalar_prefetch = 0 : i64, scratch_operands = 6 : i64, tpu.core_type = #tpu.core_type<sc_vector_subcore>, window_params = [{transform_indices = #map}, {transform_indices = #map}, {transform_indices = #map}, {transform_indices = #map}, {transform_indices = #map1}]} {
    %mul3A = arith.constant 16 : i32
    %mul3A_0 = arith.muli %arg0, %mul3A : i32
    %add3A = arith.addi %mul3A_0, %arg1 : i32
    %mul3A_1 = arith.constant 640 : i32
    %mul3A_2 = arith.muli %arg1, %mul3A_1 : i32
    "tpu.region"() ({
      %run_scoped3A = tpu.sem_alloc : memref<!tpu.dma_semaphore, #tpu.memory_space<semaphore_mem>>
      %dma_start3A = arith.constant 0 : i32
      %dma_start3A_15 = tpu.memref_slice %arg10[%mul3A_2, %dma_start3A] : memref<10240x16xf32, #tpu.memory_space<vmem_shared>> -> memref<640x16xf32, #tpu.memory_space<vmem_shared>>
      tpu.enqueue_dma source(%arg5 : memref<640x16xf32, #tpu.memory_space<hbm>>) target(%dma_start3A_15 : memref<640x16xf32, #tpu.memory_space<vmem_shared>>) target_semaphore(%run_scoped3A : memref<!tpu.dma_semaphore, #tpu.memory_space<semaphore_mem>>)
      %dma_wait3A = arith.constant 0 : i32
      %dma_wait3A_16 = tpu.memref_slice %arg10[%mul3A_2, %dma_wait3A] : memref<10240x16xf32, #tpu.memory_space<vmem_shared>> -> memref<640x16xf32, #tpu.memory_space<vmem_shared>>
      tpu.wait_dma2 semaphore(%run_scoped3A : memref<!tpu.dma_semaphore, #tpu.memory_space<semaphore_mem>>) src(%arg5 : memref<640x16xf32, #tpu.memory_space<hbm>>) dst(%dma_wait3A_16 : memref<640x16xf32, #tpu.memory_space<vmem_shared>>)
      tpu.yield
    }) : () -> ()
    %mul3A_3 = arith.constant 625 : i32
    %mul3A_4 = arith.muli %arg1, %mul3A_3 : i32
    %mul3A_5 = arith.constant 625 : i32
    %mul3A_6 = arith.muli %arg1, %mul3A_5 : i32
    "tpu.region"() ({
      %run_scoped3A = tpu.sem_alloc : memref<!tpu.dma_semaphore, #tpu.memory_space<semaphore_mem>>
      %dma_start3A = arith.constant 0 : i32
      %dma_start3A_15 = tpu.memref_slice %arg11[%mul3A_6, %dma_start3A] : memref<10000x16xf32, #tpu.memory_space<vmem_shared>> -> memref<625x16xf32, #tpu.memory_space<vmem_shared>>
      %dma_start3A_16 = arith.constant 0 : i32
      %dma_start3A_17 = tpu.memref_slice %arg2[%mul3A_4, %dma_start3A_16] : memref<10000x16xf32, #tpu.memory_space<hbm>> -> memref<625x16xf32, #tpu.memory_space<hbm>>
      tpu.enqueue_dma source(%dma_start3A_17 : memref<625x16xf32, #tpu.memory_space<hbm>>) target(%dma_start3A_15 : memref<625x16xf32, #tpu.memory_space<vmem_shared>>) target_semaphore(%run_scoped3A : memref<!tpu.dma_semaphore, #tpu.memory_space<semaphore_mem>>)
      %dma_wait3A = arith.constant 0 : i32
      %dma_wait3A_18 = tpu.memref_slice %arg11[%mul3A_6, %dma_wait3A] : memref<10000x16xf32, #tpu.memory_space<vmem_shared>> -> memref<625x16xf32, #tpu.memory_space<vmem_shared>>
      %dma_wait3A_19 = arith.constant 0 : i32
      %dma_wait3A_20 = tpu.memref_slice %arg2[%mul3A_4, %dma_wait3A_19] : memref<10000x16xf32, #tpu.memory_space<hbm>> -> memref<625x16xf32, #tpu.memory_space<hbm>>
      tpu.wait_dma2 semaphore(%run_scoped3A : memref<!tpu.dma_semaphore, #tpu.memory_space<semaphore_mem>>) src(%dma_wait3A_20 : memref<625x16xf32, #tpu.memory_space<hbm>>) dst(%dma_wait3A_18 : memref<625x16xf32, #tpu.memory_space<vmem_shared>>)
      tpu.yield
    }) : () -> ()
    %barrier3A = arith.constant 0 : index
    tpu.barrier barrier_id(%barrier3A)
    "tpu.region"() ({
      %run_scoped3A = tpu.sem_alloc : memref<!tpu.dma_semaphore, #tpu.memory_space<semaphore_mem>>
      %dma_start3A = arith.constant 0 : i32
      %dma_start3A_15 = tpu.memref_slice %arg3[%add3A, %dma_start3A] : memref<32x10240xi32, #tpu.memory_space<hbm>> -> memref<1x10240xi32, #tpu.memory_space<hbm>>
      %dma_start3A_16 = tpu.memref_squeeze %dma_start3A_15 : memref<1x10240xi32, #tpu.memory_space<hbm>> -> memref<10240xi32, #tpu.memory_space<hbm>>
      %dma_start3A_17 = arith.constant 0 : i32
      %dma_start3A_18 = tpu.memref_slice %arg3[%add3A, %dma_start3A_17] : memref<32x10240xi32, #tpu.memory_space<hbm>> -> memref<1x10240xi32, #tpu.memory_space<hbm>>
      %dma_start3A_19 = tpu.memref_squeeze %dma_start3A_18 : memref<1x10240xi32, #tpu.memory_space<hbm>> -> memref<10240xi32, #tpu.memory_space<hbm>>
      tpu.enqueue_dma source(%dma_start3A_19 : memref<10240xi32, #tpu.memory_space<hbm>>) target(%arg7 : memref<10240xi32, #tpu.memory_space<vmem>>) target_semaphore(%run_scoped3A : memref<!tpu.dma_semaphore, #tpu.memory_space<semaphore_mem>>)
      %dma_wait3A = arith.constant 0 : i32
      %dma_wait3A_20 = tpu.memref_slice %arg3[%add3A, %dma_wait3A] : memref<32x10240xi32, #tpu.memory_space<hbm>> -> memref<1x10240xi32, #tpu.memory_space<hbm>>
      %dma_wait3A_21 = tpu.memref_squeeze %dma_wait3A_20 : memref<1x10240xi32, #tpu.memory_space<hbm>> -> memref<10240xi32, #tpu.memory_space<hbm>>
      %dma_wait3A_22 = arith.constant 0 : i32
      %dma_wait3A_23 = tpu.memref_slice %arg3[%add3A, %dma_wait3A_22] : memref<32x10240xi32, #tpu.memory_space<hbm>> -> memref<1x10240xi32, #tpu.memory_space<hbm>>
      %dma_wait3A_24 = tpu.memref_squeeze %dma_wait3A_23 : memref<1x10240xi32, #tpu.memory_space<hbm>> -> memref<10240xi32, #tpu.memory_space<hbm>>
      tpu.wait_dma2 semaphore(%run_scoped3A : memref<!tpu.dma_semaphore, #tpu.memory_space<semaphore_mem>>) src(%dma_wait3A_24 : memref<10240xi32, #tpu.memory_space<hbm>>) dst(%arg7 : memref<10240xi32, #tpu.memory_space<vmem>>)
      tpu.yield
    }) : () -> ()
    "tpu.region"() ({
      %run_scoped3A = tpu.sem_alloc : memref<!tpu.dma_semaphore, #tpu.memory_space<semaphore_mem>>
      %dma_start3A = arith.constant 0 : i32
      %dma_start3A_15 = tpu.memref_slice %arg4[%add3A, %dma_start3A] : memref<32x10240xi32, #tpu.memory_space<hbm>> -> memref<1x10240xi32, #tpu.memory_space<hbm>>
      %dma_start3A_16 = tpu.memref_squeeze %dma_start3A_15 : memref<1x10240xi32, #tpu.memory_space<hbm>> -> memref<10240xi32, #tpu.memory_space<hbm>>
      %dma_start3A_17 = arith.constant 0 : i32
      %dma_start3A_18 = tpu.memref_slice %arg4[%add3A, %dma_start3A_17] : memref<32x10240xi32, #tpu.memory_space<hbm>> -> memref<1x10240xi32, #tpu.memory_space<hbm>>
      %dma_start3A_19 = tpu.memref_squeeze %dma_start3A_18 : memref<1x10240xi32, #tpu.memory_space<hbm>> -> memref<10240xi32, #tpu.memory_space<hbm>>
      tpu.enqueue_dma source(%dma_start3A_19 : memref<10240xi32, #tpu.memory_space<hbm>>) target(%arg8 : memref<10240xi32, #tpu.memory_space<vmem>>) target_semaphore(%run_scoped3A : memref<!tpu.dma_semaphore, #tpu.memory_space<semaphore_mem>>)
      %dma_wait3A = arith.constant 0 : i32
      %dma_wait3A_20 = tpu.memref_slice %arg4[%add3A, %dma_wait3A] : memref<32x10240xi32, #tpu.memory_space<hbm>> -> memref<1x10240xi32, #tpu.memory_space<hbm>>
      %dma_wait3A_21 = tpu.memref_squeeze %dma_wait3A_20 : memref<1x10240xi32, #tpu.memory_space<hbm>> -> memref<10240xi32, #tpu.memory_space<hbm>>
      %dma_wait3A_22 = arith.constant 0 : i32
      %dma_wait3A_23 = tpu.memref_slice %arg4[%add3A, %dma_wait3A_22] : memref<32x10240xi32, #tpu.memory_space<hbm>> -> memref<1x10240xi32, #tpu.memory_space<hbm>>
      %dma_wait3A_24 = tpu.memref_squeeze %dma_wait3A_23 : memref<1x10240xi32, #tpu.memory_space<hbm>> -> memref<10240xi32, #tpu.memory_space<hbm>>
      tpu.wait_dma2 semaphore(%run_scoped3A : memref<!tpu.dma_semaphore, #tpu.memory_space<semaphore_mem>>) src(%dma_wait3A_24 : memref<10240xi32, #tpu.memory_space<hbm>>) dst(%arg8 : memref<10240xi32, #tpu.memory_space<vmem>>)
      tpu.yield
    }) : () -> ()
    %scan3A = arith.constant 0 : i32
    %scan3A_7 = arith.constant 0 : i32
    %scan3A_8 = arith.constant 10 : i32
    %scan3A_9 = arith.addi %scan3A_7, %scan3A_8 : i32
    %scan3A_10 = arith.constant 1 : i32
    scf.for %scan3A_15 = %scan3A_7 to %scan3A_9 step %scan3A_10  : i32 {
      %mul3A_16 = arith.constant 1024 : i32
      %mul3A_17 = arith.muli %mul3A_16, %scan3A_15 : i32
      %dma_start3A = tpu.memref_slice %arg7[%mul3A_17] : memref<10240xi32, #tpu.memory_space<vmem>> -> memref<1024xi32, #tpu.memory_space<vmem>>
      %dma_start3A_18 = arith.constant 0 : i32
      %dma_start3A_19 = arith.constant 0 : i32
      %dma_start3A_20 = tpu.memref_slice %arg11[%dma_start3A_18, %dma_start3A_19] : memref<10000x16xf32, #tpu.memory_space<vmem_shared>> -> memref<10000x16xf32, #tpu.memory_space<vmem_shared>>
      tpu.enqueue_indirect_dma source(%dma_start3A_20 : memref<10000x16xf32, #tpu.memory_space<vmem_shared>>) target(%arg9 : memref<1024x16xf32, #tpu.memory_space<vmem>>) offsets(%dma_start3A : memref<1024xi32, #tpu.memory_space<vmem>>) semaphore(%arg12 : memref<!tpu.dma_semaphore, #tpu.memory_space<semaphore_mem>>)
      %dma_wait3A = tpu.memref_slice %arg7[%mul3A_17] : memref<10240xi32, #tpu.memory_space<vmem>> -> memref<1024xi32, #tpu.memory_space<vmem>>
      %dma_wait3A_21 = arith.constant 0 : i32
      %dma_wait3A_22 = arith.constant 0 : i32
      %dma_wait3A_23 = tpu.memref_slice %arg11[%dma_wait3A_21, %dma_wait3A_22] : memref<10000x16xf32, #tpu.memory_space<vmem_shared>> -> memref<10000x16xf32, #tpu.memory_space<vmem_shared>>
      tpu.wait_indirect_dma semaphore(%arg12 : memref<!tpu.dma_semaphore, #tpu.memory_space<semaphore_mem>>) src(%dma_wait3A_23 : memref<10000x16xf32, #tpu.memory_space<vmem_shared>>) dst(%arg9 : memref<1024x16xf32, #tpu.memory_space<vmem>>)
      "tpu.region"() ({
        %run_scoped3A = tpu.sem_alloc : memref<!tpu.dma_semaphore, #tpu.memory_space<semaphore_mem>>
        %dma_start3A_24 = tpu.memref_slice %arg8[%mul3A_17] : memref<10240xi32, #tpu.memory_space<vmem>> -> memref<1024xi32, #tpu.memory_space<vmem>>
        %dma_start3A_25 = arith.constant 0 : i32
        %dma_start3A_26 = arith.constant 0 : i32
        %dma_start3A_27 = tpu.memref_slice %arg10[%dma_start3A_25, %dma_start3A_26] : memref<10240x16xf32, #tpu.memory_space<vmem_shared>> -> memref<10240x16xf32, #tpu.memory_space<vmem_shared>>
        tpu.enqueue_indirect_dma source(%arg9 : memref<1024x16xf32, #tpu.memory_space<vmem>>) target(%dma_start3A_27 : memref<10240x16xf32, #tpu.memory_space<vmem_shared>>) offsets(%dma_start3A_24 : memref<1024xi32, #tpu.memory_space<vmem>>) semaphore(%run_scoped3A : memref<!tpu.dma_semaphore, #tpu.memory_space<semaphore_mem>>) {add = true}
        %dma_wait3A_28 = tpu.memref_slice %arg8[%mul3A_17] : memref<10240xi32, #tpu.memory_space<vmem>> -> memref<1024xi32, #tpu.memory_space<vmem>>
        %dma_wait3A_29 = arith.constant 0 : i32
        %dma_wait3A_30 = arith.constant 0 : i32
        %dma_wait3A_31 = tpu.memref_slice %arg10[%dma_wait3A_29, %dma_wait3A_30] : memref<10240x16xf32, #tpu.memory_space<vmem_shared>> -> memref<10240x16xf32, #tpu.memory_space<vmem_shared>>
        tpu.wait_indirect_dma semaphore(%run_scoped3A : memref<!tpu.dma_semaphore, #tpu.memory_space<semaphore_mem>>) src(%arg9 : memref<1024x16xf32, #tpu.memory_space<vmem>>) dst(%dma_wait3A_31 : memref<10240x16xf32, #tpu.memory_space<vmem_shared>>)
        tpu.yield
      }) : () -> ()
    }
    %scan3A_11 = arith.constant 10 : i32
    %barrier3A_12 = arith.constant 0 : index
    tpu.barrier barrier_id(%barrier3A_12)
    %mul3A_13 = arith.constant 640 : i32
    %mul3A_14 = arith.muli %arg1, %mul3A_13 : i32
    "tpu.region"() ({
      %run_scoped3A = tpu.sem_alloc : memref<!tpu.dma_semaphore, #tpu.memory_space<semaphore_mem>>
      %dma_start3A = arith.constant 0 : i32
      %dma_start3A_15 = tpu.memref_slice %arg6[%arg0, %mul3A_14, %dma_start3A] : memref<2x10240x16xf32, #tpu.memory_space<hbm>> -> memref<1x640x16xf32, #tpu.memory_space<hbm>>
      %dma_start3A_16 = tpu.memref_squeeze %dma_start3A_15 : memref<1x640x16xf32, #tpu.memory_space<hbm>> -> memref<640x16xf32, #tpu.memory_space<hbm>>
      %dma_start3A_17 = arith.constant 0 : i32
      %dma_start3A_18 = tpu.memref_slice %arg10[%mul3A_14, %dma_start3A_17] : memref<10240x16xf32, #tpu.memory_space<vmem_shared>> -> memref<640x16xf32, #tpu.memory_space<vmem_shared>>
      tpu.enqueue_dma source(%dma_start3A_18 : memref<640x16xf32, #tpu.memory_space<vmem_shared>>) target(%dma_start3A_16 : memref<640x16xf32, #tpu.memory_space<hbm>>) target_semaphore(%run_scoped3A : memref<!tpu.dma_semaphore, #tpu.memory_space<semaphore_mem>>)
      %dma_wait3A = arith.constant 0 : i32
      %dma_wait3A_19 = tpu.memref_slice %arg6[%arg0, %mul3A_14, %dma_wait3A] : memref<2x10240x16xf32, #tpu.memory_space<hbm>> -> memref<1x640x16xf32, #tpu.memory_space<hbm>>
      %dma_wait3A_20 = tpu.memref_squeeze %dma_wait3A_19 : memref<1x640x16xf32, #tpu.memory_space<hbm>> -> memref<640x16xf32, #tpu.memory_space<hbm>>
      %dma_wait3A_21 = arith.constant 0 : i32
      %dma_wait3A_22 = tpu.memref_slice %arg10[%mul3A_14, %dma_wait3A_21] : memref<10240x16xf32, #tpu.memory_space<vmem_shared>> -> memref<640x16xf32, #tpu.memory_space<vmem_shared>>
      tpu.wait_dma2 semaphore(%run_scoped3A : memref<!tpu.dma_semaphore, #tpu.memory_space<semaphore_mem>>) src(%dma_wait3A_22 : memref<640x16xf32, #tpu.memory_space<vmem_shared>>) dst(%dma_wait3A_20 : memref<640x16xf32, #tpu.memory_space<hbm>>)
      tpu.yield
    }) : () -> ()
    return
  }
}

module attributes {stable_mosaic.version = 14 : i64} {
  func.func @body(%arg0: i32, %arg1: memref<2000x128xf32, #tpu.memory_space<vmem>>, %arg2: memref<128x64xf32, #tpu.memory_space<vmem>>, %arg3: memref<2x2000x8xf32, #tpu.memory_space<vmem>>, %arg4: memref<2000x32xf32, #tpu.memory_space<vmem>>, %arg5: memref<2000x32xf32, #tpu.memory_space<vmem>>, %arg6: memref<2000x8xf32, #tpu.memory_space<vmem>>) attributes {dimension_semantics = [#tpu.dimension_semantics<arbitrary>], iteration_bounds = array<i64: 5>, scalar_prefetch = 0 : i64, scratch_operands = 0 : i64, tpu.core_type = #tpu.core_type<tc>, window_params = [{transform_indices = @transform_0, window_bounds = array<i64: 2000, 128>}, {pipeline_mode = #tpu.pipeline_mode<synchronous>, transform_indices = @transform_1, window_bounds = array<i64: 128, 64>}, {transform_indices = @transform_2, window_bounds = array<i64: 2, 2000, 8>}, {transform_indices = @transform_3, window_bounds = array<i64: 2000, 32>}, {transform_indices = @transform_4, window_bounds = array<i64: 2000, 32>}, {transform_indices = @transform_5, window_bounds = array<i64: 2000, 8>}]} {
    %get3A = arith.constant 0 : index
    %get3A_0 = arith.constant 0 : index
    %get3A_1 = arith.constant 0 : index
    %get3A_2 = vector.load %arg3[%get3A, %get3A_0, %get3A_1] : memref<2x2000x8xf32, #tpu.memory_space<vmem>>, vector<1x2000x8xf32>
    %get3A_3 = vector.shape_cast %get3A_2 : vector<1x2000x8xf32> to vector<2000x8xf32>
    %get3A_4 = arith.constant 1 : index
    %get3A_5 = arith.constant 0 : index
    %get3A_6 = arith.constant 0 : index
    %get3A_7 = vector.load %arg3[%get3A_4, %get3A_5, %get3A_6] : memref<2x2000x8xf32, #tpu.memory_space<vmem>>, vector<1x2000x8xf32>
    %get3A_8 = vector.shape_cast %get3A_7 : vector<1x2000x8xf32> to vector<2000x8xf32>
    %add3A = arith.addf %get3A_3, %get3A_8 : vector<2000x8xf32>
    %gt3A = arith.constant 0.000000e+00 : f32
    %gt3A_9 = vector.broadcast %gt3A : f32 to vector<2000x8xf32>
    %gt3A_10 = arith.cmpf ogt, %add3A, %gt3A_9 : vector<2000x8xf32>
    %max3A = arith.constant 9.99999996E-13 : f32
    %max3A_11 = vector.broadcast %max3A : f32 to vector<2000x8xf32>
    %max3A_12 = arith.maximumf %add3A, %max3A_11 : vector<2000x8xf32>
    %rsqrt3A = math.rsqrt %max3A_12 : vector<2000x8xf32>
    %jit3A = arith.constant 0.000000e+00 : f32
    %broadcast_in_dim3A = vector.broadcast %jit3A : f32 to vector<2000x8xf32>
    %select_n3A = arith.select %gt3A_10, %rsqrt3A, %broadcast_in_dim3A : vector<2000x8xi1>, vector<2000x8xf32>
    %swap3A = arith.constant 0 : index
    %swap3A_13 = arith.constant 0 : index
    %swap3A_14 = vector.load %arg6[%swap3A, %swap3A_13] : memref<2000x8xf32, #tpu.memory_space<vmem>>, vector<2000x8xf32>
    tpu.vector_store %arg6[%swap3A, %swap3A_13], %select_n3A {strides = array<i32>} : memref<2000x8xf32, #tpu.memory_space<vmem>>, vector<2000x8xf32>,
    %slice3A = vector.extract_strided_slice %select_n3A {offsets = [0, 0], sizes = [2000, 1], strides = [1, 1]} : vector<2000x8xf32> to vector<2000x1xf32>
    %get3A_15 = arith.constant 0 : index
    %get3A_16 = arith.constant 0 : index
    %get3A_17 = vector.load %arg1[%get3A_15, %get3A_16] : memref<2000x128xf32, #tpu.memory_space<vmem>>, vector<2000x128xf32>
    %get3A_18 = arith.constant 0 : index
    %get3A_19 = arith.constant 0 : index
    %get3A_20 = vector.load %arg2[%get3A_18, %get3A_19] : memref<128x64xf32, #tpu.memory_space<vmem>>, vector<128x64xf32>
    %slice3A_21 = vector.extract_strided_slice %get3A_20 {offsets = [0, 0], sizes = [128, 32], strides = [1, 1]} : vector<128x64xf32> to vector<128x32xf32>
    %dot_general3A = arith.constant dense<0.000000e+00> : vector<2000x32xf32>
    %dot_general3A_22 = tpu.matmul %get3A_17, %slice3A_21, %dot_general3A {dimension_numbers = #tpu.dot_dimension_numbers<[1], [0], [0], [1], [0, 0, 1, 1], [], []>, transpose_lhs_hint = false} : vector<2000x128xf32>, vector<128x32xf32>, vector<2000x32xf32> -> vector<2000x32xf32>
    %mul3A = vector.broadcast %slice3A : vector<2000x1xf32> to vector<2000x32xf32>
    %mul3A_23 = arith.mulf %mul3A, %dot_general3A_22 : vector<2000x32xf32>
    %swap3A_24 = arith.constant 0 : index
    %swap3A_25 = arith.constant 0 : index
    %swap3A_26 = vector.load %arg4[%swap3A_24, %swap3A_25] : memref<2000x32xf32, #tpu.memory_space<vmem>>, vector<2000x32xf32>
    tpu.vector_store %arg4[%swap3A_24, %swap3A_25], %mul3A_23 {strides = array<i32>} : memref<2000x32xf32, #tpu.memory_space<vmem>>, vector<2000x32xf32>,
    %get3A_27 = arith.constant 0 : index
    %get3A_28 = arith.constant 0 : index
    %get3A_29 = vector.load %arg2[%get3A_27, %get3A_28] : memref<128x64xf32, #tpu.memory_space<vmem>>, vector<128x64xf32>
    %slice3A_30 = vector.extract_strided_slice %get3A_29 {offsets = [0, 32], sizes = [128, 32], strides = [1, 1]} : vector<128x64xf32> to vector<128x32xf32>
    %dot_general3A_31 = arith.constant dense<0.000000e+00> : vector<2000x32xf32>
    %dot_general3A_32 = tpu.matmul %get3A_17, %slice3A_30, %dot_general3A_31 {dimension_numbers = #tpu.dot_dimension_numbers<[1], [0], [0], [1], [0, 0, 1, 1], [], []>, transpose_lhs_hint = false} : vector<2000x128xf32>, vector<128x32xf32>, vector<2000x32xf32> -> vector<2000x32xf32>
    %mul3A_33 = vector.broadcast %slice3A : vector<2000x1xf32> to vector<2000x32xf32>
    %mul3A_34 = arith.mulf %mul3A_33, %dot_general3A_32 : vector<2000x32xf32>
    %swap3A_35 = arith.constant 0 : index
    %swap3A_36 = arith.constant 0 : index
    %swap3A_37 = vector.load %arg5[%swap3A_35, %swap3A_36] : memref<2000x32xf32, #tpu.memory_space<vmem>>, vector<2000x32xf32>
    tpu.vector_store %arg5[%swap3A_35, %swap3A_36], %mul3A_34 {strides = array<i32>} : memref<2000x32xf32, #tpu.memory_space<vmem>>, vector<2000x32xf32>,
    return
  }
  func.func @transform_0(%arg0: i32) -> (i32, i32) {
    %c0_i32 = arith.constant 0 : i32
    %c0_i32_0 = arith.constant 0 : i32
    return %arg0, %c0_i32 : i32, i32
  }
  func.func @transform_1(%arg0: i32) -> (i32, i32) {
    %c0_i32 = arith.constant 0 : i32
    %c0_i32_0 = arith.constant 0 : i32
    %c0_i32_1 = arith.constant 0 : i32
    return %c0_i32, %c0_i32_0 : i32, i32
  }
  func.func @transform_2(%arg0: i32) -> (i32, i32, i32) {
    %c0_i32 = arith.constant 0 : i32
    %c0_i32_0 = arith.constant 0 : i32
    %c0_i32_1 = arith.constant 0 : i32
    return %c0_i32, %arg0, %c0_i32_0 : i32, i32, i32
  }
  func.func @transform_3(%arg0: i32) -> (i32, i32) {
    %c0_i32 = arith.constant 0 : i32
    %c0_i32_0 = arith.constant 0 : i32
    return %arg0, %c0_i32 : i32, i32
  }
  func.func @transform_4(%arg0: i32) -> (i32, i32) {
    %c0_i32 = arith.constant 0 : i32
    %c0_i32_0 = arith.constant 0 : i32
    return %arg0, %c0_i32 : i32, i32
  }
  func.func @transform_5(%arg0: i32) -> (i32, i32) {
    %c0_i32 = arith.constant 0 : i32
    %c0_i32_0 = arith.constant 0 : i32
    return %arg0, %c0_i32 : i32, i32
  }
}

module attributes {stable_mosaic.version = 14 : i64} {
  func.func @body(%arg0: i32, %arg1: memref<2x2x2000x32xf32, #tpu.memory_space<vmem>>, %arg2: memref<2000x8xf32, #tpu.memory_space<vmem>>, %arg3: memref<2000x32xf32, #tpu.memory_space<vmem>>, %arg4: memref<2000x32xf32, #tpu.memory_space<vmem>>, %arg5: memref<2000x32xf32, #tpu.memory_space<vmem>>, %arg6: memref<2000x32xf32, #tpu.memory_space<vmem>>) attributes {dimension_semantics = [#tpu.dimension_semantics<arbitrary>], iteration_bounds = array<i64: 5>, scalar_prefetch = 0 : i64, scratch_operands = 0 : i64, tpu.core_type = #tpu.core_type<tc>, window_params = [{transform_indices = @transform_0, window_bounds = array<i64: 2, 2, 2000, 32>}, {transform_indices = @transform_1, window_bounds = array<i64: 2000, 8>}, {transform_indices = @transform_2, window_bounds = array<i64: 2000, 32>}, {transform_indices = @transform_3, window_bounds = array<i64: 2000, 32>}, {transform_indices = @transform_4, window_bounds = array<i64: 2000, 32>}, {transform_indices = @transform_5, window_bounds = array<i64: 2000, 32>}]} {
    %get3A = arith.constant 0 : index
    %get3A_0 = arith.constant 0 : index
    %get3A_1 = vector.load %arg2[%get3A, %get3A_0] : memref<2000x8xf32, #tpu.memory_space<vmem>>, vector<2000x8xf32>
    %slice3A = vector.extract_strided_slice %get3A_1 {offsets = [0, 0], sizes = [2000, 1], strides = [1, 1]} : vector<2000x8xf32> to vector<2000x1xf32>
    %get3A_2 = arith.constant 0 : index
    %get3A_3 = arith.constant 0 : index
    %get3A_4 = arith.constant 0 : index
    %get3A_5 = arith.constant 0 : index
    %get3A_6 = vector.load %arg1[%get3A_2, %get3A_3, %get3A_4, %get3A_5] : memref<2x2x2000x32xf32, #tpu.memory_space<vmem>>, vector<1x1x2000x32xf32>
    %get3A_7 = vector.shape_cast %get3A_6 : vector<1x1x2000x32xf32> to vector<2000x32xf32>
    %get3A_8 = arith.constant 0 : index
    %get3A_9 = arith.constant 1 : index
    %get3A_10 = arith.constant 0 : index
    %get3A_11 = arith.constant 0 : index
    %get3A_12 = vector.load %arg1[%get3A_8, %get3A_9, %get3A_10, %get3A_11] : memref<2x2x2000x32xf32, #tpu.memory_space<vmem>>, vector<1x1x2000x32xf32>
    %get3A_13 = vector.shape_cast %get3A_12 : vector<1x1x2000x32xf32> to vector<2000x32xf32>
    %add3A = arith.addf %get3A_7, %get3A_13 : vector<2000x32xf32>
    %mul3A = vector.broadcast %slice3A : vector<2000x1xf32> to vector<2000x32xf32>
    %mul3A_14 = arith.mulf %mul3A, %add3A : vector<2000x32xf32>
    %get3A_15 = arith.constant 1 : index
    %get3A_16 = arith.constant 0 : index
    %get3A_17 = arith.constant 0 : index
    %get3A_18 = arith.constant 0 : index
    %get3A_19 = vector.load %arg1[%get3A_15, %get3A_16, %get3A_17, %get3A_18] : memref<2x2x2000x32xf32, #tpu.memory_space<vmem>>, vector<1x1x2000x32xf32>
    %get3A_20 = vector.shape_cast %get3A_19 : vector<1x1x2000x32xf32> to vector<2000x32xf32>
    %get3A_21 = arith.constant 1 : index
    %get3A_22 = arith.constant 1 : index
    %get3A_23 = arith.constant 0 : index
    %get3A_24 = arith.constant 0 : index
    %get3A_25 = vector.load %arg1[%get3A_21, %get3A_22, %get3A_23, %get3A_24] : memref<2x2x2000x32xf32, #tpu.memory_space<vmem>>, vector<1x1x2000x32xf32>
    %get3A_26 = vector.shape_cast %get3A_25 : vector<1x1x2000x32xf32> to vector<2000x32xf32>
    %add3A_27 = arith.addf %get3A_20, %get3A_26 : vector<2000x32xf32>
    %mul3A_28 = vector.broadcast %slice3A : vector<2000x1xf32> to vector<2000x32xf32>
    %mul3A_29 = arith.mulf %mul3A_28, %add3A_27 : vector<2000x32xf32>
    %swap3A = arith.constant 0 : index
    %swap3A_30 = arith.constant 0 : index
    %swap3A_31 = vector.load %arg3[%swap3A, %swap3A_30] : memref<2000x32xf32, #tpu.memory_space<vmem>>, vector<2000x32xf32>
    tpu.vector_store %arg3[%swap3A, %swap3A_30], %mul3A_14 {strides = array<i32>} : memref<2000x32xf32, #tpu.memory_space<vmem>>, vector<2000x32xf32>,
    %swap3A_32 = arith.constant 0 : index
    %swap3A_33 = arith.constant 0 : index
    %swap3A_34 = vector.load %arg4[%swap3A_32, %swap3A_33] : memref<2000x32xf32, #tpu.memory_space<vmem>>, vector<2000x32xf32>
    tpu.vector_store %arg4[%swap3A_32, %swap3A_33], %mul3A_29 {strides = array<i32>} : memref<2000x32xf32, #tpu.memory_space<vmem>>, vector<2000x32xf32>,
    %mul3A_35 = vector.broadcast %slice3A : vector<2000x1xf32> to vector<2000x32xf32>
    %mul3A_36 = arith.mulf %mul3A_35, %mul3A_14 : vector<2000x32xf32>
    %swap3A_37 = arith.constant 0 : index
    %swap3A_38 = arith.constant 0 : index
    %swap3A_39 = vector.load %arg5[%swap3A_37, %swap3A_38] : memref<2000x32xf32, #tpu.memory_space<vmem>>, vector<2000x32xf32>
    tpu.vector_store %arg5[%swap3A_37, %swap3A_38], %mul3A_36 {strides = array<i32>} : memref<2000x32xf32, #tpu.memory_space<vmem>>, vector<2000x32xf32>,
    %mul3A_40 = vector.broadcast %slice3A : vector<2000x1xf32> to vector<2000x32xf32>
    %mul3A_41 = arith.mulf %mul3A_40, %mul3A_29 : vector<2000x32xf32>
    %swap3A_42 = arith.constant 0 : index
    %swap3A_43 = arith.constant 0 : index
    %swap3A_44 = vector.load %arg6[%swap3A_42, %swap3A_43] : memref<2000x32xf32, #tpu.memory_space<vmem>>, vector<2000x32xf32>
    tpu.vector_store %arg6[%swap3A_42, %swap3A_43], %mul3A_41 {strides = array<i32>} : memref<2000x32xf32, #tpu.memory_space<vmem>>, vector<2000x32xf32>,
    return
  }
  func.func @transform_0(%arg0: i32) -> (i32, i32, i32, i32) {
    %c0_i32 = arith.constant 0 : i32
    %c0_i32_0 = arith.constant 0 : i32
    %c0_i32_1 = arith.constant 0 : i32
    %c0_i32_2 = arith.constant 0 : i32
    return %c0_i32, %c0_i32_0, %arg0, %c0_i32_1 : i32, i32, i32, i32
  }
  func.func @transform_1(%arg0: i32) -> (i32, i32) {
    %c0_i32 = arith.constant 0 : i32
    %c0_i32_0 = arith.constant 0 : i32
    return %arg0, %c0_i32 : i32, i32
  }
  func.func @transform_2(%arg0: i32) -> (i32, i32) {
    %c0_i32 = arith.constant 0 : i32
    %c0_i32_0 = arith.constant 0 : i32
    return %arg0, %c0_i32 : i32, i32
  }
  func.func @transform_3(%arg0: i32) -> (i32, i32) {
    %c0_i32 = arith.constant 0 : i32
    %c0_i32_0 = arith.constant 0 : i32
    return %arg0, %c0_i32 : i32, i32
  }
  func.func @transform_4(%arg0: i32) -> (i32, i32) {
    %c0_i32 = arith.constant 0 : i32
    %c0_i32_0 = arith.constant 0 : i32
    return %arg0, %c0_i32 : i32, i32
  }
  func.func @transform_5(%arg0: i32) -> (i32, i32) {
    %c0_i32 = arith.constant 0 : i32
    %c0_i32_0 = arith.constant 0 : i32
    return %arg0, %c0_i32 : i32, i32
  }
}

module attributes {stable_mosaic.version = 14 : i64} {
  func.func @body(%arg0: i32, %arg1: memref<2x2x2000x32xf32, #tpu.memory_space<vmem>>, %arg2: memref<2000x32xf32, #tpu.memory_space<vmem>>, %arg3: memref<2000x32xf32, #tpu.memory_space<vmem>>, %arg4: memref<2000x8xf32, #tpu.memory_space<vmem>>, %arg5: memref<1x64xf32, #tpu.memory_space<vmem>>, %arg6: memref<64x16xf32, #tpu.memory_space<vmem>>, %arg7: memref<1xf32, #tpu.memory_space<smem>>, %arg8: memref<2000x16xf32, #tpu.memory_space<vmem>>) attributes {dimension_semantics = [#tpu.dimension_semantics<arbitrary>], iteration_bounds = array<i64: 5>, scalar_prefetch = 0 : i64, scratch_operands = 0 : i64, tpu.core_type = #tpu.core_type<tc>, window_params = [{transform_indices = @transform_0, window_bounds = array<i64: 2, 2, 2000, 32>}, {transform_indices = @transform_1, window_bounds = array<i64: 2000, 32>}, {transform_indices = @transform_2, window_bounds = array<i64: 2000, 32>}, {transform_indices = @transform_3, window_bounds = array<i64: 2000, 8>}, {pipeline_mode = #tpu.pipeline_mode<synchronous>, transform_indices = @transform_4, window_bounds = array<i64: 1, 64>}, {pipeline_mode = #tpu.pipeline_mode<synchronous>, transform_indices = @transform_5, window_bounds = array<i64: 64, 16>}, {transform_indices = @transform_6, window_bounds = array<i64: 1>}, {transform_indices = @transform_7, window_bounds = array<i64: 2000, 16>}]} {
    %get3A = arith.constant 0 : index
    %get3A_0 = arith.constant 0 : index
    %get3A_1 = vector.load %arg4[%get3A, %get3A_0] : memref<2000x8xf32, #tpu.memory_space<vmem>>, vector<2000x8xf32>
    %slice3A = vector.extract_strided_slice %get3A_1 {offsets = [0, 0], sizes = [2000, 1], strides = [1, 1]} : vector<2000x8xf32> to vector<2000x1xf32>
    %get3A_2 = arith.constant 0 : index
    %get3A_3 = memref.load %arg7[%get3A_2] : memref<1xf32, #tpu.memory_space<smem>>
    %mul3A = arith.constant 2.500000e-01 : f32
    %mul3A_4 = arith.mulf %mul3A, %get3A_3 : f32
    %get3A_5 = arith.constant 0 : index
    %get3A_6 = arith.constant 0 : index
    %get3A_7 = vector.load %arg5[%get3A_5, %get3A_6] : memref<1x64xf32, #tpu.memory_space<vmem>>, vector<1x64xf32>
    %get3A_8 = arith.constant 0 : index
    %get3A_9 = arith.constant 0 : index
    %get3A_10 = vector.load %arg6[%get3A_8, %get3A_9] : memref<64x16xf32, #tpu.memory_space<vmem>>, vector<64x16xf32>
    %get3A_11 = arith.constant 0 : index
    %get3A_12 = arith.constant 0 : index
    %get3A_13 = vector.load %arg2[%get3A_11, %get3A_12] : memref<2000x32xf32, #tpu.memory_space<vmem>>, vector<2000x32xf32>
    %mul3A_14 = arith.constant 5.000000e-01 : f32
    %mul3A_15 = vector.broadcast %mul3A_14 : f32 to vector<2000x32xf32>
    %mul3A_16 = arith.mulf %mul3A_15, %get3A_13 : vector<2000x32xf32>
    %mul3A_17 = vector.broadcast %mul3A_4 : f32 to vector<2000x1xf32>
    %mul3A_18 = arith.mulf %mul3A_17, %slice3A : vector<2000x1xf32>
    %get3A_19 = arith.constant 0 : index
    %get3A_20 = arith.constant 0 : index
    %get3A_21 = arith.constant 0 : index
    %get3A_22 = arith.constant 0 : index
    %get3A_23 = vector.load %arg1[%get3A_19, %get3A_20, %get3A_21, %get3A_22] : memref<2x2x2000x32xf32, #tpu.memory_space<vmem>>, vector<1x1x2000x32xf32>
    %get3A_24 = vector.shape_cast %get3A_23 : vector<1x1x2000x32xf32> to vector<2000x32xf32>
    %get3A_25 = arith.constant 0 : index
    %get3A_26 = arith.constant 1 : index
    %get3A_27 = arith.constant 0 : index
    %get3A_28 = arith.constant 0 : index
    %get3A_29 = vector.load %arg1[%get3A_25, %get3A_26, %get3A_27, %get3A_28] : memref<2x2x2000x32xf32, #tpu.memory_space<vmem>>, vector<1x1x2000x32xf32>
    %get3A_30 = vector.shape_cast %get3A_29 : vector<1x1x2000x32xf32> to vector<2000x32xf32>
    %add3A = arith.addf %get3A_24, %get3A_30 : vector<2000x32xf32>
    %mul3A_31 = vector.broadcast %mul3A_18 : vector<2000x1xf32> to vector<2000x32xf32>
    %mul3A_32 = arith.mulf %mul3A_31, %add3A : vector<2000x32xf32>
    %add3A_33 = arith.addf %mul3A_16, %mul3A_32 : vector<2000x32xf32>
    %slice3A_34 = vector.extract_strided_slice %get3A_7 {offsets = [0, 0], sizes = [1, 32], strides = [1, 1]} : vector<1x64xf32> to vector<1x32xf32>
    %add3A_35 = vector.broadcast %slice3A_34 : vector<1x32xf32> to vector<2000x32xf32>
    %add3A_36 = arith.addf %add3A_33, %add3A_35 : vector<2000x32xf32>
    %max3A = arith.constant 0.000000e+00 : f32
    %max3A_37 = vector.broadcast %max3A : f32 to vector<2000x32xf32>
    %max3A_38 = arith.maximumf %add3A_36, %max3A_37 : vector<2000x32xf32>
    %get3A_39 = arith.constant 0 : index
    %get3A_40 = arith.constant 0 : index
    %get3A_41 = vector.load %arg3[%get3A_39, %get3A_40] : memref<2000x32xf32, #tpu.memory_space<vmem>>, vector<2000x32xf32>
    %mul3A_42 = arith.constant 5.000000e-01 : f32
    %mul3A_43 = vector.broadcast %mul3A_42 : f32 to vector<2000x32xf32>
    %mul3A_44 = arith.mulf %mul3A_43, %get3A_41 : vector<2000x32xf32>
    %mul3A_45 = vector.broadcast %mul3A_4 : f32 to vector<2000x1xf32>
    %mul3A_46 = arith.mulf %mul3A_45, %slice3A : vector<2000x1xf32>
    %get3A_47 = arith.constant 1 : index
    %get3A_48 = arith.constant 0 : index
    %get3A_49 = arith.constant 0 : index
    %get3A_50 = arith.constant 0 : index
    %get3A_51 = vector.load %arg1[%get3A_47, %get3A_48, %get3A_49, %get3A_50] : memref<2x2x2000x32xf32, #tpu.memory_space<vmem>>, vector<1x1x2000x32xf32>
    %get3A_52 = vector.shape_cast %get3A_51 : vector<1x1x2000x32xf32> to vector<2000x32xf32>
    %get3A_53 = arith.constant 1 : index
    %get3A_54 = arith.constant 1 : index
    %get3A_55 = arith.constant 0 : index
    %get3A_56 = arith.constant 0 : index
    %get3A_57 = vector.load %arg1[%get3A_53, %get3A_54, %get3A_55, %get3A_56] : memref<2x2x2000x32xf32, #tpu.memory_space<vmem>>, vector<1x1x2000x32xf32>
    %get3A_58 = vector.shape_cast %get3A_57 : vector<1x1x2000x32xf32> to vector<2000x32xf32>
    %add3A_59 = arith.addf %get3A_52, %get3A_58 : vector<2000x32xf32>
    %mul3A_60 = vector.broadcast %mul3A_46 : vector<2000x1xf32> to vector<2000x32xf32>
    %mul3A_61 = arith.mulf %mul3A_60, %add3A_59 : vector<2000x32xf32>
    %add3A_62 = arith.addf %mul3A_44, %mul3A_61 : vector<2000x32xf32>
    %slice3A_63 = vector.extract_strided_slice %get3A_7 {offsets = [0, 32], sizes = [1, 32], strides = [1, 1]} : vector<1x64xf32> to vector<1x32xf32>
    %add3A_64 = vector.broadcast %slice3A_63 : vector<1x32xf32> to vector<2000x32xf32>
    %add3A_65 = arith.addf %add3A_62, %add3A_64 : vector<2000x32xf32>
    %max3A_66 = arith.constant 0.000000e+00 : f32
    %max3A_67 = vector.broadcast %max3A_66 : f32 to vector<2000x32xf32>
    %max3A_68 = arith.maximumf %add3A_65, %max3A_67 : vector<2000x32xf32>
    %slice3A_69 = vector.extract_strided_slice %get3A_10 {offsets = [0, 0], sizes = [32, 16], strides = [1, 1]} : vector<64x16xf32> to vector<32x16xf32>
    %dot_general3A = arith.constant dense<0.000000e+00> : vector<2000x16xf32>
    %dot_general3A_70 = tpu.matmul %max3A_38, %slice3A_69, %dot_general3A {dimension_numbers = #tpu.dot_dimension_numbers<[1], [0], [0], [1], [0, 0, 1, 1], [], []>, transpose_lhs_hint = false} : vector<2000x32xf32>, vector<32x16xf32>, vector<2000x16xf32> -> vector<2000x16xf32>
    %slice3A_71 = vector.extract_strided_slice %get3A_10 {offsets = [32, 0], sizes = [32, 16], strides = [1, 1]} : vector<64x16xf32> to vector<32x16xf32>
    %dot_general3A_72 = arith.constant dense<0.000000e+00> : vector<2000x16xf32>
    %dot_general3A_73 = tpu.matmul %max3A_68, %slice3A_71, %dot_general3A_72 {dimension_numbers = #tpu.dot_dimension_numbers<[1], [0], [0], [1], [0, 0, 1, 1], [], []>, transpose_lhs_hint = false} : vector<2000x32xf32>, vector<32x16xf32>, vector<2000x16xf32> -> vector<2000x16xf32>
    %add3A_74 = arith.addf %dot_general3A_70, %dot_general3A_73 : vector<2000x16xf32>
    %mul3A_75 = vector.broadcast %slice3A : vector<2000x1xf32> to vector<2000x16xf32>
    %mul3A_76 = arith.mulf %mul3A_75, %add3A_74 : vector<2000x16xf32>
    %swap3A = arith.constant 0 : index
    %swap3A_77 = arith.constant 0 : index
    %swap3A_78 = vector.load %arg8[%swap3A, %swap3A_77] : memref<2000x16xf32, #tpu.memory_space<vmem>>, vector<2000x16xf32>
    tpu.vector_store %arg8[%swap3A, %swap3A_77], %mul3A_76 {strides = array<i32>} : memref<2000x16xf32, #tpu.memory_space<vmem>>, vector<2000x16xf32>,
    return
  }
  func.func @transform_0(%arg0: i32) -> (i32, i32, i32, i32) {
    %c0_i32 = arith.constant 0 : i32
    %c0_i32_0 = arith.constant 0 : i32
    %c0_i32_1 = arith.constant 0 : i32
    %c0_i32_2 = arith.constant 0 : i32
    return %c0_i32, %c0_i32_0, %arg0, %c0_i32_1 : i32, i32, i32, i32
  }
  func.func @transform_1(%arg0: i32) -> (i32, i32) {
    %c0_i32 = arith.constant 0 : i32
    %c0_i32_0 = arith.constant 0 : i32
    return %arg0, %c0_i32 : i32, i32
  }
  func.func @transform_2(%arg0: i32) -> (i32, i32) {
    %c0_i32 = arith.constant 0 : i32
    %c0_i32_0 = arith.constant 0 : i32
    return %arg0, %c0_i32 : i32, i32
  }
  func.func @transform_3(%arg0: i32) -> (i32, i32) {
    %c0_i32 = arith.constant 0 : i32
    %c0_i32_0 = arith.constant 0 : i32
    return %arg0, %c0_i32 : i32, i32
  }
  func.func @transform_4(%arg0: i32) -> (i32, i32) {
    %c0_i32 = arith.constant 0 : i32
    %c0_i32_0 = arith.constant 0 : i32
    %c0_i32_1 = arith.constant 0 : i32
    return %c0_i32, %c0_i32_0 : i32, i32
  }
  func.func @transform_5(%arg0: i32) -> (i32, i32) {
    %c0_i32 = arith.constant 0 : i32
    %c0_i32_0 = arith.constant 0 : i32
    %c0_i32_1 = arith.constant 0 : i32
    return %c0_i32, %c0_i32_0 : i32, i32
  }
  func.func @transform_6(%arg0: i32) -> i32 {
    %c0_i32 = arith.constant 0 : i32
    %c0_i32_0 = arith.constant 0 : i32
    return %c0_i32 : i32
  }
  func.func @transform_7(%arg0: i32) -> (i32, i32) {
    %c0_i32 = arith.constant 0 : i32
    %c0_i32_0 = arith.constant 0 : i32
    return %arg0, %c0_i32 : i32, i32
  }
}

module attributes {stable_mosaic.version = 14 : i64} {
  func.func @body(%arg0: i32, %arg1: memref<2x2000x16xf32, #tpu.memory_space<vmem>>, %arg2: memref<2000x8xf32, #tpu.memory_space<vmem>>, %arg3: memref<2000x16xf32, #tpu.memory_space<vmem>>, %arg4: memref<2000x16xf32, #tpu.memory_space<vmem>>) attributes {dimension_semantics = [#tpu.dimension_semantics<arbitrary>], iteration_bounds = array<i64: 5>, scalar_prefetch = 0 : i64, scratch_operands = 0 : i64, tpu.core_type = #tpu.core_type<tc>, window_params = [{transform_indices = @transform_0, window_bounds = array<i64: 2, 2000, 16>}, {transform_indices = @transform_1, window_bounds = array<i64: 2000, 8>}, {transform_indices = @transform_2, window_bounds = array<i64: 2000, 16>}, {transform_indices = @transform_3, window_bounds = array<i64: 2000, 16>}]} {
    %get3A = arith.constant 0 : index
    %get3A_0 = arith.constant 0 : index
    %get3A_1 = vector.load %arg2[%get3A, %get3A_0] : memref<2000x8xf32, #tpu.memory_space<vmem>>, vector<2000x8xf32>
    %slice3A = vector.extract_strided_slice %get3A_1 {offsets = [0, 0], sizes = [2000, 1], strides = [1, 1]} : vector<2000x8xf32> to vector<2000x1xf32>
    %get3A_2 = arith.constant 0 : index
    %get3A_3 = arith.constant 0 : index
    %get3A_4 = arith.constant 0 : index
    %get3A_5 = vector.load %arg1[%get3A_2, %get3A_3, %get3A_4] : memref<2x2000x16xf32, #tpu.memory_space<vmem>>, vector<1x2000x16xf32>
    %get3A_6 = vector.shape_cast %get3A_5 : vector<1x2000x16xf32> to vector<2000x16xf32>
    %get3A_7 = arith.constant 1 : index
    %get3A_8 = arith.constant 0 : index
    %get3A_9 = arith.constant 0 : index
    %get3A_10 = vector.load %arg1[%get3A_7, %get3A_8, %get3A_9] : memref<2x2000x16xf32, #tpu.memory_space<vmem>>, vector<1x2000x16xf32>
    %get3A_11 = vector.shape_cast %get3A_10 : vector<1x2000x16xf32> to vector<2000x16xf32>
    %add3A = arith.addf %get3A_6, %get3A_11 : vector<2000x16xf32>
    %mul3A = vector.broadcast %slice3A : vector<2000x1xf32> to vector<2000x16xf32>
    %mul3A_12 = arith.mulf %mul3A, %add3A : vector<2000x16xf32>
    %swap3A = arith.constant 0 : index
    %swap3A_13 = arith.constant 0 : index
    %swap3A_14 = vector.load %arg3[%swap3A, %swap3A_13] : memref<2000x16xf32, #tpu.memory_space<vmem>>, vector<2000x16xf32>
    tpu.vector_store %arg3[%swap3A, %swap3A_13], %mul3A_12 {strides = array<i32>} : memref<2000x16xf32, #tpu.memory_space<vmem>>, vector<2000x16xf32>,
    %mul3A_15 = vector.broadcast %slice3A : vector<2000x1xf32> to vector<2000x16xf32>
    %mul3A_16 = arith.mulf %mul3A_15, %mul3A_12 : vector<2000x16xf32>
    %swap3A_17 = arith.constant 0 : index
    %swap3A_18 = arith.constant 0 : index
    %swap3A_19 = vector.load %arg4[%swap3A_17, %swap3A_18] : memref<2000x16xf32, #tpu.memory_space<vmem>>, vector<2000x16xf32>
    tpu.vector_store %arg4[%swap3A_17, %swap3A_18], %mul3A_16 {strides = array<i32>} : memref<2000x16xf32, #tpu.memory_space<vmem>>, vector<2000x16xf32>,
    return
  }
  func.func @transform_0(%arg0: i32) -> (i32, i32, i32) {
    %c0_i32 = arith.constant 0 : i32
    %c0_i32_0 = arith.constant 0 : i32
    %c0_i32_1 = arith.constant 0 : i32
    return %c0_i32, %arg0, %c0_i32_0 : i32, i32, i32
  }
  func.func @transform_1(%arg0: i32) -> (i32, i32) {
    %c0_i32 = arith.constant 0 : i32
    %c0_i32_0 = arith.constant 0 : i32
    return %arg0, %c0_i32 : i32, i32
  }
  func.func @transform_2(%arg0: i32) -> (i32, i32) {
    %c0_i32 = arith.constant 0 : i32
    %c0_i32_0 = arith.constant 0 : i32
    return %arg0, %c0_i32 : i32, i32
  }
  func.func @transform_3(%arg0: i32) -> (i32, i32) {
    %c0_i32 = arith.constant 0 : i32
    %c0_i32_0 = arith.constant 0 : i32
    return %arg0, %c0_i32 : i32, i32
  }
}

module attributes {stable_mosaic.version = 14 : i64} {
  func.func @body(%arg0: i32, %arg1: memref<2x2000x16xf32, #tpu.memory_space<vmem>>, %arg2: memref<2000x16xf32, #tpu.memory_space<vmem>>, %arg3: memref<2000x8xf32, #tpu.memory_space<vmem>>, %arg4: memref<1x16xf32, #tpu.memory_space<vmem>>, %arg5: memref<1xf32, #tpu.memory_space<smem>>, %arg6: memref<2000x16xf32, #tpu.memory_space<vmem>>) attributes {dimension_semantics = [#tpu.dimension_semantics<arbitrary>], iteration_bounds = array<i64: 5>, scalar_prefetch = 0 : i64, scratch_operands = 0 : i64, tpu.core_type = #tpu.core_type<tc>, window_params = [{transform_indices = @transform_0, window_bounds = array<i64: 2, 2000, 16>}, {transform_indices = @transform_1, window_bounds = array<i64: 2000, 16>}, {transform_indices = @transform_2, window_bounds = array<i64: 2000, 8>}, {pipeline_mode = #tpu.pipeline_mode<synchronous>, transform_indices = @transform_3, window_bounds = array<i64: 1, 16>}, {transform_indices = @transform_4, window_bounds = array<i64: 1>}, {transform_indices = @transform_5, window_bounds = array<i64: 2000, 16>}]} {
    %get3A = arith.constant 0 : index
    %get3A_0 = arith.constant 0 : index
    %get3A_1 = vector.load %arg3[%get3A, %get3A_0] : memref<2000x8xf32, #tpu.memory_space<vmem>>, vector<2000x8xf32>
    %slice3A = vector.extract_strided_slice %get3A_1 {offsets = [0, 0], sizes = [2000, 1], strides = [1, 1]} : vector<2000x8xf32> to vector<2000x1xf32>
    %get3A_2 = arith.constant 0 : index
    %get3A_3 = arith.constant 0 : index
    %get3A_4 = arith.constant 0 : index
    %get3A_5 = vector.load %arg1[%get3A_2, %get3A_3, %get3A_4] : memref<2x2000x16xf32, #tpu.memory_space<vmem>>, vector<1x2000x16xf32>
    %get3A_6 = vector.shape_cast %get3A_5 : vector<1x2000x16xf32> to vector<2000x16xf32>
    %get3A_7 = arith.constant 1 : index
    %get3A_8 = arith.constant 0 : index
    %get3A_9 = arith.constant 0 : index
    %get3A_10 = vector.load %arg1[%get3A_7, %get3A_8, %get3A_9] : memref<2x2000x16xf32, #tpu.memory_space<vmem>>, vector<1x2000x16xf32>
    %get3A_11 = vector.shape_cast %get3A_10 : vector<1x2000x16xf32> to vector<2000x16xf32>
    %add3A = arith.addf %get3A_6, %get3A_11 : vector<2000x16xf32>
    %mul3A = vector.broadcast %slice3A : vector<2000x1xf32> to vector<2000x16xf32>
    %mul3A_12 = arith.mulf %mul3A, %add3A : vector<2000x16xf32>
    %get3A_13 = arith.constant 0 : index
    %get3A_14 = arith.constant 0 : index
    %get3A_15 = vector.load %arg2[%get3A_13, %get3A_14] : memref<2000x16xf32, #tpu.memory_space<vmem>>, vector<2000x16xf32>
    %mul3A_16 = arith.constant 5.000000e-01 : f32
    %mul3A_17 = vector.broadcast %mul3A_16 : f32 to vector<2000x16xf32>
    %mul3A_18 = arith.mulf %mul3A_17, %get3A_15 : vector<2000x16xf32>
    %get3A_19 = arith.constant 0 : index
    %get3A_20 = memref.load %arg5[%get3A_19] : memref<1xf32, #tpu.memory_space<smem>>
    %mul3A_21 = arith.constant 2.500000e-01 : f32
    %mul3A_22 = arith.mulf %mul3A_21, %get3A_20 : f32
    %mul3A_23 = vector.broadcast %mul3A_22 : f32 to vector<2000x16xf32>
    %mul3A_24 = arith.mulf %mul3A_23, %mul3A_12 : vector<2000x16xf32>
    %add3A_25 = arith.addf %mul3A_18, %mul3A_24 : vector<2000x16xf32>
    %get3A_26 = arith.constant 0 : index
    %get3A_27 = arith.constant 0 : index
    %get3A_28 = vector.load %arg4[%get3A_26, %get3A_27] : memref<1x16xf32, #tpu.memory_space<vmem>>, vector<1x16xf32>
    %add3A_29 = vector.broadcast %get3A_28 : vector<1x16xf32> to vector<2000x16xf32>
    %add3A_30 = arith.addf %add3A_25, %add3A_29 : vector<2000x16xf32>
    %reduce_max3A = arith.constant dense<0xFF800000> : vector<2000xf32>
    %reduce_max3A_31 = vector.multi_reduction <maximumf>, %add3A_30, %reduce_max3A [1] : vector<2000x16xf32> to vector<2000xf32>
    %broadcast_in_dim3A = vector.shape_cast %reduce_max3A_31 : vector<2000xf32> to vector<2000x1xf32>
    %sub3A = vector.broadcast %broadcast_in_dim3A : vector<2000x1xf32> to vector<2000x16xf32>
    %sub3A_32 = arith.subf %add3A_30, %sub3A : vector<2000x16xf32>
    %exp3A = math.exp %sub3A_32 : vector<2000x16xf32>
    %reduce_sum3A = arith.constant dense<0.000000e+00> : vector<2000xf32>
    %reduce_sum3A_33 = vector.multi_reduction <add>, %exp3A, %reduce_sum3A [1] : vector<2000x16xf32> to vector<2000xf32>
    %broadcast_in_dim3A_34 = vector.shape_cast %reduce_sum3A_33 : vector<2000xf32> to vector<2000x1xf32>
    %log3A = math.log %broadcast_in_dim3A_34 : vector<2000x1xf32>
    %add3A_35 = arith.addf %log3A, %broadcast_in_dim3A : vector<2000x1xf32>
    %sub3A_36 = vector.broadcast %add3A_35 : vector<2000x1xf32> to vector<2000x16xf32>
    %sub3A_37 = arith.subf %add3A_30, %sub3A_36 : vector<2000x16xf32>
    %swap3A = arith.constant 0 : index
    %swap3A_38 = arith.constant 0 : index
    %swap3A_39 = vector.load %arg6[%swap3A, %swap3A_38] : memref<2000x16xf32, #tpu.memory_space<vmem>>, vector<2000x16xf32>
    tpu.vector_store %arg6[%swap3A, %swap3A_38], %sub3A_37 {strides = array<i32>} : memref<2000x16xf32, #tpu.memory_space<vmem>>, vector<2000x16xf32>,
    return
  }
  func.func @transform_0(%arg0: i32) -> (i32, i32, i32) {
    %c0_i32 = arith.constant 0 : i32
    %c0_i32_0 = arith.constant 0 : i32
    %c0_i32_1 = arith.constant 0 : i32
    return %c0_i32, %arg0, %c0_i32_0 : i32, i32, i32
  }
  func.func @transform_1(%arg0: i32) -> (i32, i32) {
    %c0_i32 = arith.constant 0 : i32
    %c0_i32_0 = arith.constant 0 : i32
    return %arg0, %c0_i32 : i32, i32
  }
  func.func @transform_2(%arg0: i32) -> (i32, i32) {
    %c0_i32 = arith.constant 0 : i32
    %c0_i32_0 = arith.constant 0 : i32
    return %arg0, %c0_i32 : i32, i32
  }
  func.func @transform_3(%arg0: i32) -> (i32, i32) {
    %c0_i32 = arith.constant 0 : i32
    %c0_i32_0 = arith.constant 0 : i32
    %c0_i32_1 = arith.constant 0 : i32
    return %c0_i32, %c0_i32_0 : i32, i32
  }
  func.func @transform_4(%arg0: i32) -> i32 {
    %c0_i32 = arith.constant 0 : i32
    %c0_i32_0 = arith.constant 0 : i32
    return %c0_i32 : i32
  }
  func.func @transform_5(%arg0: i32) -> (i32, i32) {
    %c0_i32 = arith.constant 0 : i32
    %c0_i32_0 = arith.constant 0 : i32
    return %arg0, %c0_i32 : i32, i32
  }
}

</mosaic_0001>

<sc_bundles>
// kernel: kernel.12.cloned.1.call-start
scs
__scs_entry_jumppad:
0x0: {  	(pc) =	sbr.rel $0x88, $3  }
0x1: {  	(tag) =	ssettag $0x0;
	lr =	simm.s32 $0x1  }
0x2: {  	[smem:$0x3F99] =	sst lr;
	_ =	strace $0xD0000000  }
0x3: {  	_ = 	snop  }
0x4: {  	_ = 	snop  }
0x5: {  	_ = 	snop  }
0x6: {  	_ = 	snop  }
0x7: {  	_ = 	snop  }
__scs_overlays_trampoline_lowered:
0x8: {  	[smem:$0x3FA8] =	sst s0  }
0x9: {  	[smem:$0x3FA9] =	sst s1  }
0xa: {  	[smem:$0x3FAA] =	sst s2  }
0xb: {  	[smem:$0x3FAB] =	sst s3  }
0xc: {  	[smem:$0x3FAC] =	sst s4  }
0xd: {  	[smem:$0x3FAD] =	sst s5  }
0xe: {  	[smem:$0x3FAE] =	sst s6  }
0xf: {  	[smem:$0x3FAF] =	sst s7  }
0x10: {  	[smem:$0x3FB0] =	sst s8  }
0x11: {  	[smem:$0x3FB1] =	sst s9;
	s0 =	simm.s32 @!p0 $0x0  }
0x12: {  	s1 =	sld [smem:$0x3F97];
	s0 =	simm.s32 @p0 $0x1  }
0x13: {  	[smem:$0x3FB2] =	sst s0;
	s0 =	simm.s32 @!p1 $0x0  }
0x14: {  	s2 =	sld [smem:$0x3F96];
	s0 =	simm.s32 @p1 $0x1  }
0x15: {  	[smem:$0x3FB3] =	sst s0;
	s0 =	simm.s32 @!p2 $0x0  }
0x16: {  	s3 =	sld [smem:$0x3FDB];
	s0 =	simm.s32 @p2 $0x1  }
0x17: {  	s4 =	simm.s32 $0x1BF5;
	[smem:$0x3FB5] =	sst s0  }
0x18: {  	s0 =	sld [smem:$0x3F98];
	_ =	swait.ge [sflag:s4], $0x0  }
0x19: {  	s7 =	sld [smem:$0x3F99]  }
0x1a: {  	s8 =	sadd.s32 $0xFFFFE003, lr  }
0x1b: {  	s9 =	sadd.s32 $0xFFFFFEF7, lr;
	s5 =	simm.s32 $0xFFFFFFFF;
	p2 =	slt.u32 s8, $0xFFFFF086  }
0x1c: {  	p1 =	slt.u32 s9, $0xF7A;
	s5 =	simm.s32 @!p2 $0x0  }
0x1d: {  	s5 =	simm.s32 @p1 $0x1;
	p0 =	seq.s32 s7, s2  }
0x1e: {  	s7 =	smul.u32 @!p0 $0xF7A, s2;
	p2 =	seq.s32 @!p0 s5, $0x0  }
0x1f: {  	s9 =	smul.u32 $0xF7A, s1;
	s8 =	simm.s32 @!p0 $0x1BF5;
	p2 =	por !p2, p0  }
0x20: {  	[sflag:s8] =	ssyncset.s32 @!p0 $0xFFFFF086;
	s6 =	sadd.s32 @!p0 s3, s7;
	s7 =	simm.s32 @!p0 $0x108  }
0x21: {  	s3 =	sadd.s32 s3, s9;
	s6 =	sadd.s32 @!p0 $0x88, s6;
	s7 =	simm.s32 @p2 $0x1082  }
0x22: {  	[simem:s7], [sflag:s8] =	dma.local @!p0 [hbm:s6], $0xF7A  }
0x23: {  	s9 =	sor.u32 $0xD0000000, s2;
	s6 =	simm.s32 $0x108;
	_ =	swait.ge @!p0 [sflag:s8], $0x0  }
0x24: {  	s3 =	sadd.s32 $0x88, s3;
	s6 =	simm.s32 @!p1 $0x1082;
	[sflag:s4] =	ssyncset.s32 $0xFFFFF086  }
0x25: {  	[simem:s6], [sflag:s4] =	dma.local [hbm:s3], $0xF7A  }
0x26: {  	[smem:$0x3F99] =	sst s1;
	(tag) =	ssettag s2;
	_ =	strace s9  }
0x27: {  	s1 =	sld [smem:$0x3FA9]  }
0x28: {  	s2 =	sld [smem:$0x3FAA]  }
0x29: {  	s4 =	sld [smem:$0x3FAC]  }
0x2a: {  	p0 =	seq.s32 s5, $0x0;
	s5 =	sld [smem:$0x3FAD]  }
0x2b: {  	s6 =	sld [smem:$0x3FAE]  }
0x2c: {  	s7 =	sld [smem:$0x3FAF]  }
0x2d: {  	s3 =	simm.s32 $0x108;
	s8 =	sld [smem:$0x3FB0]  }
0x2e: {  	s3 =	simm.s32 @!p0 $0x1082;
	s9 =	sld [smem:$0x3FB1]  }
0x2f: {  	lr =	sadd.s32 s0, s3;
	s0 =	sld [smem:$0x3FA8]  }
0x30: {  	s3 =	sld [smem:$0x3FAB]  }
0x31: {  	[smem:$0x3FB4] =	sst s10  }
0x32: {  	s10 =	sld [smem:$0x3FB2];
	_ =	sdelay $0x3  }
0x33: {  	p0 =	seq.s32 s10, $0x1;
	s10 =	sld [smem:$0x3FB4];
	_ =	sdelay $0x3  }
0x34: {  	[smem:$0x3FB4] =	sst s10  }
0x35: {  	s10 =	sld [smem:$0x3FB3];
	_ =	sdelay $0x3  }
0x36: {  	p1 =	seq.s32 s10, $0x1;
	s10 =	sld [smem:$0x3FB4];
	_ =	sdelay $0x3  }
0x37: {  	[smem:$0x3FB4] =	sst s10  }
0x38: {  	s10 =	sld [smem:$0x3FB5]  }
0x39: {  	_ = 	snop;
	(pc) =	sbr.ind lr, $3  }
0x3a: {  	_ = 	snop  }
0x3b: {  	_ = 	snop  }
0x3c: {  	p2 =	seq.s32 s10, $0x1;
	s10 =	sld [smem:$0x3FB4]  }
0x3d: {  	_ =	shalt  }
0x3e: {  	_ =	shalt  }
0x3f: {  	_ =	shalt  }
0x40: {  	_ =	shalt  }
0x41: {  	_ =	shalt  }
0x42: {  	_ =	shalt  }
0x43: {  	_ =	shalt  }
0x44: {  	_ =	shalt  }
0x45: {  	_ =	shalt  }
0x46: {  	_ =	shalt  }
0x47: {  	_ =	shalt  }
0x48: {  	_ =	shalt  }
0x49: {  	_ =	shalt  }
0x4a: {  	_ =	shalt  }
0x4b: {  	_ =	shalt  }
0x4c: {  	_ =	shalt  }
0x4d: {  	_ =	shalt  }
0x4e: {  	_ =	shalt  }
0x4f: {  	_ =	shalt  }
0x50: {  	_ =	shalt  }
0x51: {  	_ =	shalt  }
0x52: {  	_ =	shalt  }
0x53: {  	_ =	shalt  }
0x54: {  	_ =	shalt  }
0x55: {  	_ =	shalt  }
0x56: {  	_ =	shalt  }
0x57: {  	_ =	shalt  }
0x58: {  	_ =	shalt  }
0x59: {  	_ =	shalt  }
0x5a: {  	_ =	shalt  }
0x5b: {  	_ =	shalt  }
0x5c: {  	_ =	shalt  }
0x5d: {  	_ =	shalt  }
0x5e: {  	_ =	shalt  }
0x5f: {  	_ =	shalt  }
0x60: {  	_ =	shalt  }
0x61: {  	_ =	shalt  }
0x62: {  	_ =	shalt  }
0x63: {  	_ =	shalt  }
0x64: {  	_ =	shalt  }
0x65: {  	_ =	shalt  }
0x66: {  	_ =	shalt  }
0x67: {  	_ =	shalt  }
0x68: {  	_ =	shalt  }
0x69: {  	_ =	shalt  }
0x6a: {  	_ =	shalt  }
0x6b: {  	_ =	shalt  }
0x6c: {  	_ =	shalt  }
0x6d: {  	_ =	shalt  }
0x6e: {  	_ =	shalt  }
0x6f: {  	_ =	shalt  }
0x70: {  	_ =	shalt  }
0x71: {  	_ =	shalt  }
0x72: {  	_ =	shalt  }
0x73: {  	_ =	shalt  }
0x74: {  	_ =	shalt  }
0x75: {  	_ =	shalt  }
0x76: {  	_ =	shalt  }
0x77: {  	_ =	shalt  }
0x78: {  	_ =	shalt  }
0x79: {  	_ =	shalt  }
0x7a: {  	_ =	shalt  }
0x7b: {  	_ =	shalt  }
0x7c: {  	_ =	shalt  }
0x7d: {  	_ =	shalt  }
0x7e: {  	_ =	shalt  }
0x7f: {  	_ =	shalt  }
0x80: {  	_ =	shalt  }
0x81: {  	_ =	shalt  }
0x82: {  	_ =	shalt  }
0x83: {  	_ =	shalt  }
0x84: {  	_ =	shalt  }
0x85: {  	_ =	shalt  }
0x86: {  	_ =	shalt  }
0x87: {  	_ =	shalt  }
.Lfunc_end0:
.L_simem_size_0:
called_computation_lowered:
.L_overlay_start_0:
0x88: {  	s2 =	sld [smem:$0x3FD9]  }
0x89: {  	s3 =	sld [smem:$0x3FFE];
	_ =	sdelay $0x1  }
0x8a: {  	s1 =	srdreg.scid  }
0x8b: {  	s0 =	sand.u32 $0x1, s1  }
0x8c: {  	s17 =	sshll.u32 s0, $0xA;
	s2 =	sadd.s32 s3, s2  }
0x8d: {  	s2 =	sadd.s32 s2, s17  }
0x8e: {  	[smem:$0x3FC0] =	sst s2  }
0x8f: {  	_ = 	snop  }
0x90: {  	s2 =	sld [smem:$0x3FD0];
	(tm) =	ssettm $0x1  }
0x91: {  	s18 =	sld [smem:$0x3FFB];
	_ =	sdelay $0x3  }
0x92: {  	_ =	strace s18  }
0x93: {  	s3 =	sld [smem:$0x3FFC];
	_ =	sdelay $0x3  }
0x94: {  	_ =	strace s3  }
0x95: {  	s3 =	sld [smem:$0x3FFD];
	_ =	sdelay $0x3  }
0x96: {  	_ =	strace s3  }
0x97: {  	_ =	strace $0x8FFFFFFF  }
0x98: {  	s19 =	sld [smem:$0x3FDB];
	_ =	sdelay $0x1  }
0x99: {  	s4 =	simm.s32 $_scs_section_size  }
0x9a: {  	s5 =	simm.s32 $_size__tile_overlayer_lowered;
	s6 =	simm.s32 $_tile_overlayer_lowered  }
0x9b: {  	s22 =	simm.s32 $0x1BFF;
	s21 =	sshll.u32 s6, $0x1;
	s3 =	sadd.s32 s4, s19  }
0x9c: {  	s7 =	simm.s32 $0x0;
	s20 =	sshll.u32 s5, $0x1;
	s5 =	sadd.s32 s21, s3  }
0x9d: {  	[timem:s7], [sflag:s22] =	dma.local [hbm:s5], s20  }
0x9e: {  	_ =	swait.ge [sflag:s22], s20  }
0x9f: {  	s4 =	ssub.s32 $0x0, s20;
	[sflag:s22] =	ssyncset.done $0x0  }
0xa0: {  	[sflag:s22] =	ssyncadd.s32 s4;
	_ =	sdelay $0x1  }
0xa1: {  	s23 =	simm.s32 $0x1B8B  }
0xa2: {  	_ =	swait.ge [sflag:s23], $0x1  }
0xa3: {  	[sflag:s23] =	ssyncset.done $0x0  }
0xa4: {  	s25 =	simm.s32 $0x1B8E;
	s24 =	sld [smem:$0x3FFE];
	[sflag:s23] =	ssyncadd.s32 $0xFFFFFFFF  }
0xa5: {  	s26 =	simm.s32 $execute0_lowered;
	[smem:$0x3FD2] =	sst s25  }
0xa6: {  	s5 =	sshll.u32 s26, $0x1;
	_ =	strace $0x80000046;
	[dreg:$0x1] =	wrdreg $0xFFFFFFFF  }
0xa7: {  	s28 =	simm.s32 $_size_execute0_lowered;
	s3 =	sadd.s32 s3, s5;
	[dreg:$0x0] =	wrdreg $0x0  }
0xa8: {  	s5 =	sshll.u32 s28, $0x1;
	[dreg:$0x2] =	wrdreg s3  }
0xa9: {  	[dreg:$0x3] =	wrdreg s5  }
0xaa: {  	[dreg:$0x4] =	wrdreg $0xC0  }
0xab: {  	_ =	task [dreg:s7], $0x5FFFF  }
0xac: {  	[dreg:$0x1] =	wrdreg $0xFFFFFFFF  }
0xad: {  	[dreg:$0x0] =	wrdreg $0x60  }
0xae: {  	[dreg:$0x2] =	wrdreg s24  }
0xaf: {  	[dreg:$0x3] =	wrdreg s2  }
0xb0: {  	[dreg:$0x4] =	wrdreg $0x48000  }
0xb1: {  	[dreg:$0x5] =	wrdreg $0x9  }
0xb2: {  	_ =	task.clear_ibuf [dreg:s7], $0x6FFFF;
	_ =	strace $0x90000046  }
0xb3: {  	s29 =	simm.s32 $0x9;
	_ =	strace $0x80000048  }
0xb4: {  	_ =	swait.ge [sflag:s29], $0x1  }
0xb5: {  	[sflag:s29] =	ssyncadd.s32 $0xFFFFFFFF  }
0xb6: {  	_ =	strace $0x90000048  }
0xb7: {  	_ =	sfence  }
0xb8: {  	s30 =	sld [smem:$0x0];
	_ =	sdelay $0x2  }
0xb9: {  	s31 =	sshll.u32 s1, $0xD;
	s1 =	sshrl.u32 s1, $0x2  }
0xba: {  	s3 =	sand.u32 $0x4000, s31;
	s1 =	sadd.s32 s1, s30  }
0xbb: {  	s0 =	sor.u32 s3, s0;
	s1 =	sshll.u32 s1, $0x11  }
0xbc: {  	s0 =	sor.u32 s1, s0  }
0xbd: {  	s0 =	sadd.s32 $0x8F2B, s0  }
0xbe: {  	[sflag:s0] =	ssyncadd.remote.s32 $0x1  }
0xbf: {  	_ =	sfence.sel $0xFFFF  }
0xc0: {  	[dreg:$0x0] =	wrdreg $0xFFFFFFFF;
	(pc) =	sbr.abs _section_cstart, $3  }
0xc1: {  	[dreg:$0x1] =	wrdreg $0xFFFFFFFF  }
0xc2: {  	_ =	task.clear_ibuf [dreg:s7], $0x2FFFF;
	_ =	strace $0x9FFFFFFF  }
0xc3: {  	(tm) =	ssettm $0x7FFFFFFF  }
tec
execute0_lowered:
.L_overlay_start_1:
0x0: {  	(tag) =	ssettag $0x1  }
0x1: {  	s20 =	rddreg [dreg:$0x0]  }
0x2: {  	s2 =	rddreg [dreg:$0x1]  }
0x3: {  	s3 =	rddreg [dreg:$0x2]  }
0x4: {  	s0 =	rddreg [dreg:$0x3]  }
0x5: {  	s5 =	srdreg.scid;
	s4 =	simm.s32 $0x0;
	s1 =	stileid.u32  }
0x6: {  	s21 =	sand.u32 $0x1, s5;
	[smem:$0x7FF] =	sst s4;
	s22 =	smul.u32 $0x1400, s1  }
0x7: {  	s6 =	sshll.u32 s1, $0x6;
	s5 =	sshll.u32 s21, $0x4;
	_ =	strace $0x80000047  }
0x8: {  	s6 =	sor.u32 $0x1C01, s6;
	s9 =	sor.u32 s1, s5;
	s7 =	sadd.s32 s22, s3  }
0x9: {  	s5 =	sadd.s32 $0xD200, s20;
	s8 =	sshrl.u32 s7, $0x3;
	s7 =	simm.s32 $0x1  }
0xa: {  	[spmem:s8], [sflag:s6] =	dma.local [hbm:s5], $0x280  }
0xb: {  	s9 =	smul.u32 $0x500, s9;
	_ =	swait.ge [sflag:s7], $0x280  }
0xc: {  	[sflag:s7] =	ssyncset.done $0x0  }
0xd: {  	s9 =	sadd.s32 s9, s20;
	[sflag:s7] =	ssyncadd.s32 $0xFFFFFD80  }
0xe: {  	s9 =	sadd.s32 $0x3200, s9;
	[bflag:$0x0] =	sbarrier.arrive $0xFFFF  }
0xf: {  	[tilespmem:s4], [sflag:$0x1] =	stream.linear.gather [hbm4b:s9+s4], $0x2800, $0x38;
	[tilespmem:$0x5C00] =	vst v63  }
0x10: {  	_ =	swait.ge [sflag:s7], $0x2800  }
0x11: {  	[sflag:s7] =	ssyncset.done $0x0  }
0x12: {  	s10 =	simm.s32 $0x2800;
	[sflag:s7] =	ssyncadd.s32 $0xFFFFD800  }
0x13: {  	[tilespmem:s10], [sflag:$0x1] =	stream.linear.gather [hbm4b:s2+s4], $0x2000, $0x38;
	[tilespmem:$0x5C00] =	vst v63  }
0x14: {  	_ =	swait.ge [sflag:s7], $0x2000  }
0x15: {  	[sflag:s7] =	ssyncset.done $0x0  }
0x16: {  	s11 =	simm.s32 $0x400;
	[sflag:s7] =	ssyncadd.s32 $0xFFFFE000  }
0x17: {  	[spmem:s3] =	stream.indirect.scatter.add.f32 [tilespmem:s10], [sflag:$0x1], $0x8, s4, s11, $0xb8;
	[tilespmem:$0x5C00] =	vst v63  }
0x18: {  	_ =	swait.ge [sflag:s7], $0x2000  }
0x19: {  	[sflag:s7] =	ssyncset.done $0x0  }
0x1a: {  	[sflag:s7] =	ssyncadd.s32 $0xFFFFE000  }
0x1b: {  	[spmem:s3] =	stream.indirect.scatter.add.f32 [tilespmem:s10], [sflag:$0x1], $0x8, s11, s11, $0xb8;
	[tilespmem:$0x5C00] =	vst v63  }
0x1c: {  	_ =	swait.ge [sflag:s7], $0x2000  }
0x1d: {  	[sflag:s7] =	ssyncset.done $0x0  }
0x1e: {  	s12 =	simm.s32 $0x800;
	[sflag:s7] =	ssyncadd.s32 $0xFFFFE000  }
0x1f: {  	[spmem:s3] =	stream.indirect.scatter.add.f32 [tilespmem:s10], [sflag:$0x1], $0x8, s12, s11, $0xb8;
	[tilespmem:$0x5C00] =	vst v63  }
0x20: {  	_ =	swait.ge [sflag:s7], $0x2000  }
0x21: {  	[sflag:s7] =	ssyncset.done $0x0  }
0x22: {  	s13 =	simm.s32 $0xC00;
	[sflag:s7] =	ssyncadd.s32 $0xFFFFE000  }
0x23: {  	[spmem:s3] =	stream.indirect.scatter.add.f32 [tilespmem:s10], [sflag:$0x1], $0x8, s13, s11, $0xb8;
	[tilespmem:$0x5C00] =	vst v63  }
0x24: {  	_ =	swait.ge [sflag:s7], $0x2000  }
0x25: {  	[sflag:s7] =	ssyncset.done $0x0  }
0x26: {  	s14 =	simm.s32 $0x1000;
	[sflag:s7] =	ssyncadd.s32 $0xFFFFE000  }
0x27: {  	[spmem:s3] =	stream.indirect.scatter.add.f32 [tilespmem:s10], [sflag:$0x1], $0x8, s14, s11, $0xb8;
	[tilespmem:$0x5C00] =	vst v63  }
0x28: {  	_ =	swait.ge [sflag:s7], $0x2000  }
0x29: {  	[sflag:s7] =	ssyncset.done $0x0  }
0x2a: {  	s15 =	simm.s32 $0x1400;
	[sflag:s7] =	ssyncadd.s32 $0xFFFFE000  }
0x2b: {  	[spmem:s3] =	stream.indirect.scatter.add.f32 [tilespmem:s10], [sflag:$0x1], $0x8, s15, s11, $0xb8;
	[tilespmem:$0x5C00] =	vst v63  }
0x2c: {  	_ =	swait.ge [sflag:s7], $0x2000  }
0x2d: {  	[sflag:s7] =	ssyncset.done $0x0  }
0x2e: {  	s16 =	simm.s32 $0x1800;
	[sflag:s7] =	ssyncadd.s32 $0xFFFFE000  }
0x2f: {  	[spmem:s3] =	stream.indirect.scatter.add.f32 [tilespmem:s10], [sflag:$0x1], $0x8, s16, s11, $0xb8;
	[tilespmem:$0x5C00] =	vst v63  }
0x30: {  	_ =	swait.ge [sflag:s7], $0x2000  }
0x31: {  	[sflag:s7] =	ssyncset.done $0x0  }
0x32: {  	s17 =	simm.s32 $0x1C00;
	[sflag:s7] =	ssyncadd.s32 $0xFFFFE000  }
0x33: {  	[spmem:s3] =	stream.indirect.scatter.add.f32 [tilespmem:s10], [sflag:$0x1], $0x8, s17, s11, $0xb8;
	[tilespmem:$0x5C00] =	vst v63  }
0x34: {  	_ =	swait.ge [sflag:s7], $0x2000  }
0x35: {  	[sflag:s7] =	ssyncset.done $0x0  }
0x36: {  	s18 =	simm.s32 $0x2000;
	[sflag:s7] =	ssyncadd.s32 $0xFFFFE000  }
0x37: {  	[spmem:s3] =	stream.indirect.scatter.add.f32 [tilespmem:s10], [sflag:$0x1], $0x8, s18, s11, $0xb8;
	[tilespmem:$0x5C00] =	vst v63  }
0x38: {  	s23 =	smul.u32 $0x14000, s21;
	s21 =	ssub.s32 $0x2, s21;
	_ =	swait.ge [sflag:s7], $0x2000  }
0x39: {  	s31 =	sshrl.u32 s21, $0x1;
	[sflag:s7] =	ssyncset.done $0x0  }
0x3a: {  	s19 =	simm.s32 $0x2400;
	s21 =	ssub.s32 s21, s31;
	[sflag:s7] =	ssyncadd.s32 $0xFFFFE000  }
0x3b: {  	[spmem:s3] =	stream.indirect.scatter.add.f32 [tilespmem:s10], [sflag:$0x1], $0x8, s19, s11, $0xb8;
	[tilespmem:$0x5C00] =	vst v63  }
0x3c: {  	s22 =	sadd.s32 s22, s23;
	s21 =	smax.u32 s21, $0x1;
	_ =	swait.ge [sflag:s7], $0x2000  }
0x3d: {  	s22 =	sshrl.u32 s22, $0x3;
	p0 =	sne.s32 s21, $0x1;
	[sflag:s7] =	ssyncset.done $0x0  }
.Ltmp0:
0x3e: {  	s20 =	sadd.s32 s22, s20;
	[sflag:s7] =	ssyncadd.s32 $0xFFFFE000;
	(pc) =	sbr.rel @!p0 .LBB2_2-.Ltmp0, $4  }
0x3f: {  	s20 =	sadd.s32 $0xD600, s20;
	[bflag:$0x0] =	sbarrier.arrive $0xFFFF  }
0x40: {  	[hbm:s20], [sflag:s6] =	dma.local [spmem:s8], $0x280  }
0x41: {  	_ =	swait.ge [sflag:s7], $0x280  }
0x42: {  	s21 =	sadd.s32 $0xFFFFFFFF, s21;
	[sflag:s7] =	ssyncset.done $0x0  }
.LBB2_1:
0x43: {  	p0 =	sne.s32 s21, $0x1;
	s21 =	sadd.s32 $0xFFFFFFFF, s21;
	[sflag:s7] =	ssyncadd.s32 $0xFFFFFD80  }
0x44: {  	[spmem:s8], [sflag:s6] =	dma.local [hbm:s5], $0x280  }
0x45: {  	_ =	swait.ge [sflag:s7], $0x280  }
0x46: {  	[sflag:s7] =	ssyncset.done $0x0  }
0x47: {  	[sflag:s7] =	ssyncadd.s32 $0xFFFFFD80  }
0x48: {  	[bflag:$0x0] =	sbarrier.arrive $0xFFFF  }
0x49: {  	[tilespmem:s4], [sflag:$0x1] =	stream.linear.gather [hbm4b:s9+s4], $0x2800, $0x38;
	[tilespmem:$0x5C00] =	vst v63  }
0x4a: {  	_ =	swait.ge [sflag:s7], $0x2800  }
0x4b: {  	[sflag:s7] =	ssyncset.done $0x0  }
0x4c: {  	[sflag:s7] =	ssyncadd.s32 $0xFFFFD800  }
0x4d: {  	[tilespmem:s10], [sflag:$0x1] =	stream.linear.gather [hbm4b:s2+s4], $0x2000, $0x38;
	[tilespmem:$0x5C00] =	vst v63  }
0x4e: {  	_ =	swait.ge [sflag:s7], $0x2000  }
0x4f: {  	[sflag:s7] =	ssyncset.done $0x0  }
0x50: {  	[sflag:s7] =	ssyncadd.s32 $0xFFFFE000  }
0x51: {  	[spmem:s3] =	stream.indirect.scatter.add.f32 [tilespmem:s10], [sflag:$0x1], $0x8, s4, s11, $0xb8;
	[tilespmem:$0x5C00] =	vst v63  }
0x52: {  	_ =	swait.ge [sflag:s7], $0x2000  }
0x53: {  	[sflag:s7] =	ssyncset.done $0x0  }
0x54: {  	[sflag:s7] =	ssyncadd.s32 $0xFFFFE000  }
0x55: {  	[spmem:s3] =	stream.indirect.scatter.add.f32 [tilespmem:s10], [sflag:$0x1], $0x8, s11, s11, $0xb8;
	[tilespmem:$0x5C00] =	vst v63  }
0x56: {  	_ =	swait.ge [sflag:s7], $0x2000  }
0x57: {  	[sflag:s7] =	ssyncset.done $0x0  }
0x58: {  	[sflag:s7] =	ssyncadd.s32 $0xFFFFE000  }
0x59: {  	[spmem:s3] =	stream.indirect.scatter.add.f32 [tilespmem:s10], [sflag:$0x1], $0x8, s12, s11, $0xb8;
	[tilespmem:$0x5C00] =	vst v63  }
0x5a: {  	_ =	swait.ge [sflag:s7], $0x2000  }
0x5b: {  	[sflag:s7] =	ssyncset.done $0x0  }
0x5c: {  	[sflag:s7] =	ssyncadd.s32 $0xFFFFE000  }
0x5d: {  	[spmem:s3] =	stream.indirect.scatter.add.f32 [tilespmem:s10], [sflag:$0x1], $0x8, s13, s11, $0xb8;
	[tilespmem:$0x5C00] =	vst v63  }
0x5e: {  	_ =	swait.ge [sflag:s7], $0x2000  }
0x5f: {  	[sflag:s7] =	ssyncset.done $0x0  }
0x60: {  	[sflag:s7] =	ssyncadd.s32 $0xFFFFE000  }
0x61: {  	[spmem:s3] =	stream.indirect.scatter.add.f32 [tilespmem:s10], [sflag:$0x1], $0x8, s14, s11, $0xb8;
	[tilespmem:$0x5C00] =	vst v63  }
0x62: {  	_ =	swait.ge [sflag:s7], $0x2000  }
0x63: {  	[sflag:s7] =	ssyncset.done $0x0  }
0x64: {  	[sflag:s7] =	ssyncadd.s32 $0xFFFFE000  }
0x65: {  	[spmem:s3] =	stream.indirect.scatter.add.f32 [tilespmem:s10], [sflag:$0x1], $0x8, s15, s11, $0xb8;
	[tilespmem:$0x5C00] =	vst v63  }
0x66: {  	_ =	swait.ge [sflag:s7], $0x2000  }
0x67: {  	[sflag:s7] =	ssyncset.done $0x0  }
0x68: {  	[sflag:s7] =	ssyncadd.s32 $0xFFFFE000  }
0x69: {  	[spmem:s3] =	stream.indirect.scatter.add.f32 [tilespmem:s10], [sflag:$0x1], $0x8, s16, s11, $0xb8;
	[tilespmem:$0x5C00] =	vst v63  }
0x6a: {  	_ =	swait.ge [sflag:s7], $0x2000  }
0x6b: {  	[sflag:s7] =	ssyncset.done $0x0  }
0x6c: {  	[sflag:s7] =	ssyncadd.s32 $0xFFFFE000  }
0x6d: {  	[spmem:s3] =	stream.indirect.scatter.add.f32 [tilespmem:s10], [sflag:$0x1], $0x8, s17, s11, $0xb8;
	[tilespmem:$0x5C00] =	vst v63  }
0x6e: {  	_ =	swait.ge [sflag:s7], $0x2000  }
0x6f: {  	[sflag:s7] =	ssyncset.done $0x0  }
0x70: {  	[sflag:s7] =	ssyncadd.s32 $0xFFFFE000  }
0x71: {  	[spmem:s3] =	stream.indirect.scatter.add.f32 [tilespmem:s10], [sflag:$0x1], $0x8, s18, s11, $0xb8;
	[tilespmem:$0x5C00] =	vst v63  }
0x72: {  	_ =	swait.ge [sflag:s7], $0x2000  }
0x73: {  	[sflag:s7] =	ssyncset.done $0x0  }
0x74: {  	[sflag:s7] =	ssyncadd.s32 $0xFFFFE000  }
0x75: {  	[spmem:s3] =	stream.indirect.scatter.add.f32 [tilespmem:s10], [sflag:$0x1], $0x8, s19, s11, $0xb8;
	[tilespmem:$0x5C00] =	vst v63  }
0x76: {  	_ =	swait.ge [sflag:s7], $0x2000  }
0x77: {  	[sflag:s7] =	ssyncset.done $0x0  }
.Ltmp1:
0x78: {  	[sflag:s7] =	ssyncadd.s32 $0xFFFFE000;
	(pc) =	sbr.rel @p0 .LBB2_1-.Ltmp1, $4  }
0x79: {  	[bflag:$0x0] =	sbarrier.arrive $0xFFFF  }
0x7a: {  	[hbm:s20], [sflag:s6] =	dma.local [spmem:s8], $0x280  }
0x7b: {  	_ =	swait.ge [sflag:s7], $0x280  }
0x7c: {  	[sflag:s7] =	ssyncset.done $0x0  }
.LBB2_2:
0x7d: {  	[sflag:s7] =	ssyncadd.s32 $0xFFFFFD80  }
0x7e: {  	_ =	sfence.sel $0x180000  }
0x7f: {  	[bflag:$0x0] =	sbarrier.arrive $0xFFFF  }
0x80: {  	p0 =	sne.s32 s1, $0x0;
	_ =	strace $0x90000047  }
0x81: {  	s0 =	sadd.s32 @!p0 $0x100000, s0;
	[bflag:$0x2] =	sbarrier.arrive $0xFFFF  }
0x82: {  	[sflag:s0] =	ssyncadd.tile.s32 @!p0 $0x1;
	_ =	shalt  }
.Lfunc_end2:
_tile_overlayer_lowered:
.L_overlay_start_2:
0x83: {  	(tag) =	ssettag $0x2  }
0x84: {  	s0 =	rddreg [dreg:$0x0];
	s2 =	stileid.u32  }
0x85: {  	s1 =	rddreg [dreg:$0x1];
	p0 =	sne.s32 s2, $0x0  }
0x86: {  	s3 =	rddreg [dreg:$0x2];
	[bflag:$0x3] =	sbarrier.arrive $0xFFFF;
	s2 =	simm.s32 @!p0 $0x1C01  }
0x87: {  	[timem:s3], [sflag:s2] =	dma.local @!p0 [hbm:s0], s1  }
0x88: {  	s0 =	simm.s32 @!p0 $0x1  }
0x89: {  	_ =	swait.ge @!p0 [sflag:s0], s1  }
0x8a: {  	s1 =	ssub.s32 @!p0 $0x0, s1;
	[sflag:s0] =	ssyncset.done @!p0 $0x0  }
0x8b: {  	[sflag:s0] =	ssyncadd.s32 @!p0 s1  }
0x8c: {  	[bflag:$0x3] =	sbarrier.arrive $0xFFFF  }
0x8d: {  	_ =	shalt  }

// kernel: kernel.15.cloned.1.call-start
scs
__scs_entry_jumppad:
0x0: {  	(pc) =	sbr.rel $0x88, $3  }
0x1: {  	(tag) =	ssettag $0x0;
	lr =	simm.s32 $0x1  }
0x2: {  	[smem:$0x3F99] =	sst lr;
	_ =	strace $0xD0000000  }
0x3: {  	_ = 	snop  }
0x4: {  	_ = 	snop  }
0x5: {  	_ = 	snop  }
0x6: {  	_ = 	snop  }
0x7: {  	_ = 	snop  }
__scs_overlays_trampoline_lowered:
0x8: {  	[smem:$0x3FA8] =	sst s0  }
0x9: {  	[smem:$0x3FA9] =	sst s1  }
0xa: {  	[smem:$0x3FAA] =	sst s2  }
0xb: {  	[smem:$0x3FAB] =	sst s3  }
0xc: {  	[smem:$0x3FAC] =	sst s4  }
0xd: {  	[smem:$0x3FAD] =	sst s5  }
0xe: {  	[smem:$0x3FAE] =	sst s6  }
0xf: {  	[smem:$0x3FAF] =	sst s7  }
0x10: {  	[smem:$0x3FB0] =	sst s8  }
0x11: {  	[smem:$0x3FB1] =	sst s9;
	s0 =	simm.s32 @!p0 $0x0  }
0x12: {  	s1 =	sld [smem:$0x3F97];
	s0 =	simm.s32 @p0 $0x1  }
0x13: {  	[smem:$0x3FB2] =	sst s0;
	s0 =	simm.s32 @!p1 $0x0  }
0x14: {  	s2 =	sld [smem:$0x3F96];
	s0 =	simm.s32 @p1 $0x1  }
0x15: {  	[smem:$0x3FB3] =	sst s0;
	s0 =	simm.s32 @!p2 $0x0  }
0x16: {  	s3 =	sld [smem:$0x3FDB];
	s0 =	simm.s32 @p2 $0x1  }
0x17: {  	s4 =	simm.s32 $0x1BF5;
	[smem:$0x3FB5] =	sst s0  }
0x18: {  	s0 =	sld [smem:$0x3F98];
	_ =	swait.ge [sflag:s4], $0x0  }
0x19: {  	s7 =	sld [smem:$0x3F99]  }
0x1a: {  	s8 =	sadd.s32 $0xFFFFE003, lr  }
0x1b: {  	s9 =	sadd.s32 $0xFFFFFEF7, lr;
	s5 =	simm.s32 $0xFFFFFFFF;
	p2 =	slt.u32 s8, $0xFFFFF086  }
0x1c: {  	p1 =	slt.u32 s9, $0xF7A;
	s5 =	simm.s32 @!p2 $0x0  }
0x1d: {  	s5 =	simm.s32 @p1 $0x1;
	p0 =	seq.s32 s7, s2  }
0x1e: {  	s7 =	smul.u32 @!p0 $0xF7A, s2;
	p2 =	seq.s32 @!p0 s5, $0x0  }
0x1f: {  	s9 =	smul.u32 $0xF7A, s1;
	s8 =	simm.s32 @!p0 $0x1BF5;
	p2 =	por !p2, p0  }
0x20: {  	[sflag:s8] =	ssyncset.s32 @!p0 $0xFFFFF086;
	s6 =	sadd.s32 @!p0 s3, s7;
	s7 =	simm.s32 @!p0 $0x108  }
0x21: {  	s3 =	sadd.s32 s3, s9;
	s6 =	sadd.s32 @!p0 $0x88, s6;
	s7 =	simm.s32 @p2 $0x1082  }
0x22: {  	[simem:s7], [sflag:s8] =	dma.local @!p0 [hbm:s6], $0xF7A  }
0x23: {  	s9 =	sor.u32 $0xD0000000, s2;
	s6 =	simm.s32 $0x108;
	_ =	swait.ge @!p0 [sflag:s8], $0x0  }
0x24: {  	s3 =	sadd.s32 $0x88, s3;
	s6 =	simm.s32 @!p1 $0x1082;
	[sflag:s4] =	ssyncset.s32 $0xFFFFF086  }
0x25: {  	[simem:s6], [sflag:s4] =	dma.local [hbm:s3], $0xF7A  }
0x26: {  	[smem:$0x3F99] =	sst s1;
	(tag) =	ssettag s2;
	_ =	strace s9  }
0x27: {  	s1 =	sld [smem:$0x3FA9]  }
0x28: {  	s2 =	sld [smem:$0x3FAA]  }
0x29: {  	s4 =	sld [smem:$0x3FAC]  }
0x2a: {  	p0 =	seq.s32 s5, $0x0;
	s5 =	sld [smem:$0x3FAD]  }
0x2b: {  	s6 =	sld [smem:$0x3FAE]  }
0x2c: {  	s7 =	sld [smem:$0x3FAF]  }
0x2d: {  	s3 =	simm.s32 $0x108;
	s8 =	sld [smem:$0x3FB0]  }
0x2e: {  	s3 =	simm.s32 @!p0 $0x1082;
	s9 =	sld [smem:$0x3FB1]  }
0x2f: {  	lr =	sadd.s32 s0, s3;
	s0 =	sld [smem:$0x3FA8]  }
0x30: {  	s3 =	sld [smem:$0x3FAB]  }
0x31: {  	[smem:$0x3FB4] =	sst s10  }
0x32: {  	s10 =	sld [smem:$0x3FB2];
	_ =	sdelay $0x3  }
0x33: {  	p0 =	seq.s32 s10, $0x1;
	s10 =	sld [smem:$0x3FB4];
	_ =	sdelay $0x3  }
0x34: {  	[smem:$0x3FB4] =	sst s10  }
0x35: {  	s10 =	sld [smem:$0x3FB3];
	_ =	sdelay $0x3  }
0x36: {  	p1 =	seq.s32 s10, $0x1;
	s10 =	sld [smem:$0x3FB4];
	_ =	sdelay $0x3  }
0x37: {  	[smem:$0x3FB4] =	sst s10  }
0x38: {  	s10 =	sld [smem:$0x3FB5]  }
0x39: {  	_ = 	snop;
	(pc) =	sbr.ind lr, $3  }
0x3a: {  	_ = 	snop  }
0x3b: {  	_ = 	snop  }
0x3c: {  	p2 =	seq.s32 s10, $0x1;
	s10 =	sld [smem:$0x3FB4]  }
0x3d: {  	_ =	shalt  }
0x3e: {  	_ =	shalt  }
0x3f: {  	_ =	shalt  }
0x40: {  	_ =	shalt  }
0x41: {  	_ =	shalt  }
0x42: {  	_ =	shalt  }
0x43: {  	_ =	shalt  }
0x44: {  	_ =	shalt  }
0x45: {  	_ =	shalt  }
0x46: {  	_ =	shalt  }
0x47: {  	_ =	shalt  }
0x48: {  	_ =	shalt  }
0x49: {  	_ =	shalt  }
0x4a: {  	_ =	shalt  }
0x4b: {  	_ =	shalt  }
0x4c: {  	_ =	shalt  }
0x4d: {  	_ =	shalt  }
0x4e: {  	_ =	shalt  }
0x4f: {  	_ =	shalt  }
0x50: {  	_ =	shalt  }
0x51: {  	_ =	shalt  }
0x52: {  	_ =	shalt  }
0x53: {  	_ =	shalt  }
0x54: {  	_ =	shalt  }
0x55: {  	_ =	shalt  }
0x56: {  	_ =	shalt  }
0x57: {  	_ =	shalt  }
0x58: {  	_ =	shalt  }
0x59: {  	_ =	shalt  }
0x5a: {  	_ =	shalt  }
0x5b: {  	_ =	shalt  }
0x5c: {  	_ =	shalt  }
0x5d: {  	_ =	shalt  }
0x5e: {  	_ =	shalt  }
0x5f: {  	_ =	shalt  }
0x60: {  	_ =	shalt  }
0x61: {  	_ =	shalt  }
0x62: {  	_ =	shalt  }
0x63: {  	_ =	shalt  }
0x64: {  	_ =	shalt  }
0x65: {  	_ =	shalt  }
0x66: {  	_ =	shalt  }
0x67: {  	_ =	shalt  }
0x68: {  	_ =	shalt  }
0x69: {  	_ =	shalt  }
0x6a: {  	_ =	shalt  }
0x6b: {  	_ =	shalt  }
0x6c: {  	_ =	shalt  }
0x6d: {  	_ =	shalt  }
0x6e: {  	_ =	shalt  }
0x6f: {  	_ =	shalt  }
0x70: {  	_ =	shalt  }
0x71: {  	_ =	shalt  }
0x72: {  	_ =	shalt  }
0x73: {  	_ =	shalt  }
0x74: {  	_ =	shalt  }
0x75: {  	_ =	shalt  }
0x76: {  	_ =	shalt  }
0x77: {  	_ =	shalt  }
0x78: {  	_ =	shalt  }
0x79: {  	_ =	shalt  }
0x7a: {  	_ =	shalt  }
0x7b: {  	_ =	shalt  }
0x7c: {  	_ =	shalt  }
0x7d: {  	_ =	shalt  }
0x7e: {  	_ =	shalt  }
0x7f: {  	_ =	shalt  }
0x80: {  	_ =	shalt  }
0x81: {  	_ =	shalt  }
0x82: {  	_ =	shalt  }
0x83: {  	_ =	shalt  }
0x84: {  	_ =	shalt  }
0x85: {  	_ =	shalt  }
0x86: {  	_ =	shalt  }
0x87: {  	_ =	shalt  }
.Lfunc_end0:
.L_simem_size_0:
called_computation.1_lowered:
.L_overlay_start_0:
0x88: {  	s2 =	sld [smem:$0x3FD9]  }
0x89: {  	s3 =	sld [smem:$0x3FFE];
	_ =	sdelay $0x1  }
0x8a: {  	s1 =	srdreg.scid  }
0x8b: {  	s0 =	sand.u32 $0x1, s1  }
0x8c: {  	s17 =	sshll.u32 s0, $0xA;
	s2 =	sadd.s32 s3, s2  }
0x8d: {  	s2 =	sadd.s32 s2, s17  }
0x8e: {  	[smem:$0x3FC0] =	sst s2  }
0x8f: {  	_ = 	snop  }
0x90: {  	s2 =	sld [smem:$0x3FD0];
	(tm) =	ssettm $0x1  }
0x91: {  	s18 =	sld [smem:$0x3FFB];
	_ =	sdelay $0x3  }
0x92: {  	_ =	strace s18  }
0x93: {  	s3 =	sld [smem:$0x3FFC];
	_ =	sdelay $0x3  }
0x94: {  	_ =	strace s3  }
0x95: {  	s3 =	sld [smem:$0x3FFD];
	_ =	sdelay $0x3  }
0x96: {  	_ =	strace s3  }
0x97: {  	_ =	strace $0x8FFFFFFF  }
0x98: {  	s19 =	sld [smem:$0x3FDB];
	_ =	sdelay $0x1  }
0x99: {  	s4 =	simm.s32 $_scs_section_size  }
0x9a: {  	s5 =	simm.s32 $_size__tile_overlayer_lowered;
	s6 =	simm.s32 $_tile_overlayer_lowered  }
0x9b: {  	s22 =	simm.s32 $0x1BFF;
	s21 =	sshll.u32 s6, $0x1;
	s3 =	sadd.s32 s4, s19  }
0x9c: {  	s7 =	simm.s32 $0x0;
	s20 =	sshll.u32 s5, $0x1;
	s5 =	sadd.s32 s21, s3  }
0x9d: {  	[timem:s7], [sflag:s22] =	dma.local [hbm:s5], s20  }
0x9e: {  	_ =	swait.ge [sflag:s22], s20  }
0x9f: {  	s4 =	ssub.s32 $0x0, s20;
	[sflag:s22] =	ssyncset.done $0x0  }
0xa0: {  	[sflag:s22] =	ssyncadd.s32 s4;
	_ =	sdelay $0x1  }
0xa1: {  	s23 =	simm.s32 $0x1B8B  }
0xa2: {  	_ =	swait.ge [sflag:s23], $0x1  }
0xa3: {  	[sflag:s23] =	ssyncset.done $0x0  }
0xa4: {  	s25 =	simm.s32 $0x1B8E;
	s24 =	sld [smem:$0x3FFE];
	[sflag:s23] =	ssyncadd.s32 $0xFFFFFFFF  }
0xa5: {  	s26 =	simm.s32 $execute0_lowered;
	[smem:$0x3FD2] =	sst s25  }
0xa6: {  	s5 =	sshll.u32 s26, $0x1;
	_ =	strace $0x80000049;
	[dreg:$0x1] =	wrdreg $0xFFFFFFFF  }
0xa7: {  	s28 =	simm.s32 $_size_execute0_lowered;
	s3 =	sadd.s32 s3, s5;
	[dreg:$0x0] =	wrdreg $0x0  }
0xa8: {  	s5 =	sshll.u32 s28, $0x1;
	[dreg:$0x2] =	wrdreg s3  }
0xa9: {  	[dreg:$0x3] =	wrdreg s5  }
0xaa: {  	[dreg:$0x4] =	wrdreg $0xC0  }
0xab: {  	_ =	task [dreg:s7], $0x5FFFF  }
0xac: {  	[dreg:$0x1] =	wrdreg $0xFFFFFFFF  }
0xad: {  	[dreg:$0x0] =	wrdreg $0x60  }
0xae: {  	[dreg:$0x2] =	wrdreg s24  }
0xaf: {  	[dreg:$0x3] =	wrdreg s2  }
0xb0: {  	[dreg:$0x4] =	wrdreg $0x120000  }
0xb1: {  	[dreg:$0x5] =	wrdreg $0x170000  }
0xb2: {  	[dreg:$0x6] =	wrdreg $0x9  }
0xb3: {  	_ =	task.clear_ibuf [dreg:s7], $0x7FFFF;
	_ =	strace $0x90000049  }
0xb4: {  	s29 =	simm.s32 $0x9;
	_ =	strace $0x8000004B  }
0xb5: {  	_ =	swait.ge [sflag:s29], $0x1  }
0xb6: {  	[sflag:s29] =	ssyncadd.s32 $0xFFFFFFFF  }
0xb7: {  	_ =	strace $0x9000004B  }
0xb8: {  	_ =	sfence  }
0xb9: {  	s30 =	sld [smem:$0x0];
	_ =	sdelay $0x2  }
0xba: {  	s31 =	sshll.u32 s1, $0xD;
	s1 =	sshrl.u32 s1, $0x2  }
0xbb: {  	s3 =	sand.u32 $0x4000, s31;
	s1 =	sadd.s32 s1, s30  }
0xbc: {  	s0 =	sor.u32 s3, s0;
	s1 =	sshll.u32 s1, $0x11  }
0xbd: {  	s0 =	sor.u32 s1, s0  }
0xbe: {  	s0 =	sadd.s32 $0x8F2B, s0  }
0xbf: {  	[sflag:s0] =	ssyncadd.remote.s32 $0x1  }
0xc0: {  	_ =	sfence.sel $0xFFFF  }
0xc1: {  	[dreg:$0x0] =	wrdreg $0xFFFFFFFF;
	(pc) =	sbr.abs _section_cstart, $3  }
0xc2: {  	[dreg:$0x1] =	wrdreg $0xFFFFFFFF  }
0xc3: {  	_ =	task.clear_ibuf [dreg:s7], $0x2FFFF;
	_ =	strace $0x9FFFFFFF  }
0xc4: {  	(tm) =	ssettm $0x7FFFFFFF  }
0xc5: {  	_ =	shalt  }
tec
execute0_lowered:
.L_overlay_start_1:
0x0: {  	(tag) =	ssettag $0x1  }
0x1: {  	s1 =	rddreg [dreg:$0x0]  }
0x2: {  	s2 =	rddreg [dreg:$0x1]  }
0x3: {  	s0 =	srdreg.scid;
	[dreg:$0x5] =	wrdreg s2  }
0x4: {  	s22 =	stileid.u32;
	s14 =	simm.s32 $0x0;
	s2 =	rddreg [dreg:$0x2]  }
0x5: {  	s6 =	sand.u32 $0x1, s0;
	s9 =	smul.u32 $0x4E20, s22;
	[smem:$0x7FF] =	sst s14  }
0x6: {  	s8 =	smul.u32 $0x5000, s22;
	[dreg:$0x10] =	wrdreg s6;
	s3 =	sshll.u32 s6, $0x4  }
0x7: {  	s6 =	smul.u32 $0x50000, s6;
	s4 =	sor.u32 s22, s3;
	s7 =	sshrl.u32 s9, $0x3  }
0x8: {  	s3 =	rddreg [dreg:$0x3];
	s5 =	smul.u32 $0x500, s4;
	s7 =	sadd.s32 s7, s1  }
0x9: {  	_ =	strace $0x8000004A;
	s6 =	sadd.s32 s8, s6;
	s23 =	sadd.s32 $0x4D600, s7  }
0xa: {  	s25 =	sadd.s32 $0x43800, s7;
	s5 =	sadd.s32 s5, s1;
	[dreg:$0x8] =	wrdreg s23  }
0xb: {  	s6 =	sshrl.u32 s6, $0x3;
	[dreg:$0xa] =	wrdreg s25;
	s10 =	sadd.s32 $0x12600, s5  }
0xc: {  	s1 =	sadd.s32 s6, s1;
	s5 =	sadd.s32 $0x3200, s5;
	[dreg:$0x6] =	wrdreg s10  }
0xd: {  	s24 =	sadd.s32 $0x57400, s1;
	[dreg:$0x7] =	wrdreg s5  }
0xe: {  	s1 =	sadd.s32 $0x6B400, s1;
	[dreg:$0x9] =	wrdreg s24  }
0xf: {  	[dreg:$0xb] =	wrdreg s1  }
0x10: {  	s5 =	simm.s32 $0x2;
	s26 =	rddreg [dreg:$0x6]  }
0x11: {  	[tilespmem:s14], [sflag:$0x2] =	stream.linear.gather [hbm4b:s26+s14], $0x2800, $0x38;
	[tilespmem:$0x1BE20] =	vst v63  }
0x12: {  	_ =	swait.ge [sflag:s5], $0x2800  }
0x13: {  	[sflag:s5] =	ssyncset.done $0x0  }
0x14: {  	s7 =	simm.s32 $0x2800;
	s28 =	rddreg [dreg:$0x7];
	[sflag:s5] =	ssyncadd.s32 $0xFFFFD800  }
0x15: {  	[tilespmem:s7], [sflag:$0x2] =	stream.linear.gather [hbm4b:s28+s14], $0x2800, $0x38;
	[tilespmem:$0x1BE20] =	vst v63  }
0x16: {  	_ =	swait.ge [sflag:s5], $0x2800  }
0x17: {  	[sflag:s5] =	ssyncset.done $0x0  }
0x18: {  	s31 =	simm.s32 $0xD000;
	s29 =	rddreg [dreg:$0x5];
	[sflag:s5] =	ssyncadd.s32 $0xFFFFD800  }
0x19: {  	[tilespmem:s31], [sflag:$0x2] =	stream.linear.gather [hbm4b:s29+s14], $0x5000, $0x38;
	[tilespmem:$0x1BE20] =	vst v63  }
0x1a: {  	_ =	swait.ge [sflag:s5], $0x5000  }
0x1b: {  	[sflag:s5] =	ssyncset.done $0x0  }
0x1c: {  	s8 =	sadd.s32 s8, s2;
	[sflag:s5] =	ssyncadd.s32 $0xFFFFB000  }
0x1d: {  	[spmem:s8] =	stream.linear.scatter [tilespmem:s31], [sflag:$0x2], $0x5000, $0x38;
	[tilespmem:$0x1BE20] =	vst v63  }
0x1e: {  	s4 =	sadd.s32 s9, s3;
	_ =	swait.ge [sflag:s5], $0x5000  }
0x1f: {  	s4 =	sshrl.u32 s4, $0x3;
	s6 =	sshll.u32 s22, $0x6;
	[sflag:s5] =	ssyncset.done $0x0  }
0x20: {  	s15 =	sor.u32 $0x1C02, s6;
	s30 =	rddreg [dreg:$0x8];
	[sflag:s5] =	ssyncadd.s32 $0xFFFFB000  }
0x21: {  	[spmem:s4], [sflag:s15] =	dma.local [hbm:s30], $0x9C4  }
0x22: {  	_ =	swait.ge [sflag:s5], $0x9C4  }
0x23: {  	[sflag:s5] =	ssyncset.done $0x0  }
0x24: {  	s11 =	simm.s32 $0x400;
	[sflag:s5] =	ssyncadd.s32 $0xFFFFF63C  }
0x25: {  	s12 =	simm.s32 $0x5000;
	s13 =	simm.s32 $0x1;
	[bflag:$0x0] =	sbarrier.arrive $0xFFFF  }
0x26: {  	[tilespmem:s12], [sflag:$0x1] =	stream.indirect.gather [spmem:s3], $0x20, s14, s11, $0xb8;
	[tilespmem:$0x1BE20] =	vst v63  }
0x27: {  	_ =	swait.ge [sflag:s13], $0x8000  }
0x28: {  	[sflag:s13] =	ssyncset.done $0x0  }
0x29: {  	[sflag:s13] =	ssyncadd.s32 $0xFFFF8000  }
0x2a: {  	[spmem:s2] =	stream.indirect.scatter.add.f32 [tilespmem:s12], [sflag:$0x2], $0x20, s7, s11, $0xb8;
	[tilespmem:$0x1BE20] =	vst v63  }
0x2b: {  	_ =	swait.ge [sflag:s5], $0x8000  }
0x2c: {  	[sflag:s5] =	ssyncset.done $0x0  }
0x2d: {  	[sflag:s5] =	ssyncadd.s32 $0xFFFF8000  }
0x2e: {  	[tilespmem:s12], [sflag:$0x1] =	stream.indirect.gather [spmem:s3], $0x20, s11, s11, $0xb8;
	[tilespmem:$0x1BE20] =	vst v63  }
0x2f: {  	_ =	swait.ge [sflag:s13], $0x8000  }
0x30: {  	[sflag:s13] =	ssyncset.done $0x0  }
0x31: {  	s1 =	simm.s32 $0x2C00;
	[sflag:s13] =	ssyncadd.s32 $0xFFFF8000  }
0x32: {  	[spmem:s2] =	stream.indirect.scatter.add.f32 [tilespmem:s12], [sflag:$0x2], $0x20, s1, s11, $0xb8;
	[tilespmem:$0x1BE20] =	vst v63  }
0x33: {  	_ =	swait.ge [sflag:s5], $0x8000  }
0x34: {  	[sflag:s5] =	ssyncset.done $0x0  }
0x35: {  	s10 =	simm.s32 $0x800;
	[sflag:s5] =	ssyncadd.s32 $0xFFFF8000  }
0x36: {  	[tilespmem:s12], [sflag:$0x1] =	stream.indirect.gather [spmem:s3], $0x20, s10, s11, $0xb8;
	[tilespmem:$0x1BE20] =	vst v63  }
0x37: {  	_ =	swait.ge [sflag:s13], $0x8000  }
0x38: {  	[sflag:s13] =	ssyncset.done $0x0  }
0x39: {  	s16 =	simm.s32 $0x3000;
	[sflag:s13] =	ssyncadd.s32 $0xFFFF8000  }
0x3a: {  	[spmem:s2] =	stream.indirect.scatter.add.f32 [tilespmem:s12], [sflag:$0x2], $0x20, s16, s11, $0xb8;
	[tilespmem:$0x1BE20] =	vst v63  }
0x3b: {  	_ =	swait.ge [sflag:s5], $0x8000  }
0x3c: {  	[sflag:s5] =	ssyncset.done $0x0  }
0x3d: {  	s17 =	simm.s32 $0xC00;
	[sflag:s5] =	ssyncadd.s32 $0xFFFF8000  }
0x3e: {  	[tilespmem:s12], [sflag:$0x1] =	stream.indirect.gather [spmem:s3], $0x20, s17, s11, $0xb8;
	[tilespmem:$0x1BE20] =	vst v63  }
0x3f: {  	_ =	swait.ge [sflag:s13], $0x8000  }
0x40: {  	[sflag:s13] =	ssyncset.done $0x0  }
0x41: {  	s18 =	simm.s32 $0x3400;
	[sflag:s13] =	ssyncadd.s32 $0xFFFF8000  }
0x42: {  	[spmem:s2] =	stream.indirect.scatter.add.f32 [tilespmem:s12], [sflag:$0x2], $0x20, s18, s11, $0xb8;
	[tilespmem:$0x1BE20] =	vst v63  }
0x43: {  	_ =	swait.ge [sflag:s5], $0x8000  }
0x44: {  	[sflag:s5] =	ssyncset.done $0x0  }
0x45: {  	s19 =	simm.s32 $0x1000;
	[sflag:s5] =	ssyncadd.s32 $0xFFFF8000  }
0x46: {  	[tilespmem:s12], [sflag:$0x1] =	stream.indirect.gather [spmem:s3], $0x20, s19, s11, $0xb8;
	[tilespmem:$0x1BE20] =	vst v63  }
0x47: {  	_ =	swait.ge [sflag:s13], $0x8000  }
0x48: {  	[sflag:s13] =	ssyncset.done $0x0  }
0x49: {  	s20 =	simm.s32 $0x3800;
	[sflag:s13] =	ssyncadd.s32 $0xFFFF8000  }
0x4a: {  	[spmem:s2] =	stream.indirect.scatter.add.f32 [tilespmem:s12], [sflag:$0x2], $0x20, s20, s11, $0xb8;
	[tilespmem:$0x1BE20] =	vst v63  }
0x4b: {  	_ =	swait.ge [sflag:s5], $0x8000  }
0x4c: {  	[sflag:s5] =	ssyncset.done $0x0  }
0x4d: {  	s21 =	simm.s32 $0x1400;
	[sflag:s5] =	ssyncadd.s32 $0xFFFF8000  }
0x4e: {  	[tilespmem:s12], [sflag:$0x1] =	stream.indirect.gather [spmem:s3], $0x20, s21, s11, $0xb8;
	[tilespmem:$0x1BE20] =	vst v63  }
0x4f: {  	_ =	swait.ge [sflag:s13], $0x8000  }
0x50: {  	[sflag:s13] =	ssyncset.done $0x0  }
0x51: {  	s22 =	simm.s32 $0x3C00;
	[sflag:s13] =	ssyncadd.s32 $0xFFFF8000  }
0x52: {  	[spmem:s2] =	stream.indirect.scatter.add.f32 [tilespmem:s12], [sflag:$0x2], $0x20, s22, s11, $0xb8;
	[tilespmem:$0x1BE20] =	vst v63  }
0x53: {  	_ =	swait.ge [sflag:s5], $0x8000  }
0x54: {  	[sflag:s5] =	ssyncset.done $0x0  }
0x55: {  	s23 =	simm.s32 $0x1800;
	[sflag:s5] =	ssyncadd.s32 $0xFFFF8000  }
0x56: {  	[tilespmem:s12], [sflag:$0x1] =	stream.indirect.gather [spmem:s3], $0x20, s23, s11, $0xb8;
	[tilespmem:$0x1BE20] =	vst v63  }
0x57: {  	_ =	swait.ge [sflag:s13], $0x8000  }
0x58: {  	[sflag:s13] =	ssyncset.done $0x0  }
0x59: {  	s24 =	simm.s32 $0x4000;
	[sflag:s13] =	ssyncadd.s32 $0xFFFF8000  }
0x5a: {  	[spmem:s2] =	stream.indirect.scatter.add.f32 [tilespmem:s12], [sflag:$0x2], $0x20, s24, s11, $0xb8;
	[tilespmem:$0x1BE20] =	vst v63  }
0x5b: {  	_ =	swait.ge [sflag:s5], $0x8000  }
0x5c: {  	[sflag:s5] =	ssyncset.done $0x0  }
0x5d: {  	s25 =	simm.s32 $0x1C00;
	[sflag:s5] =	ssyncadd.s32 $0xFFFF8000  }
0x5e: {  	[tilespmem:s12], [sflag:$0x1] =	stream.indirect.gather [spmem:s3], $0x20, s25, s11, $0xb8;
	[tilespmem:$0x1BE20] =	vst v63  }
0x5f: {  	_ =	swait.ge [sflag:s13], $0x8000  }
0x60: {  	[sflag:s13] =	ssyncset.done $0x0  }
0x61: {  	s26 =	simm.s32 $0x4400;
	[sflag:s13] =	ssyncadd.s32 $0xFFFF8000  }
0x62: {  	[spmem:s2] =	stream.indirect.scatter.add.f32 [tilespmem:s12], [sflag:$0x2], $0x20, s26, s11, $0xb8;
	[tilespmem:$0x1BE20] =	vst v63  }
0x63: {  	_ =	swait.ge [sflag:s5], $0x8000  }
0x64: {  	[sflag:s5] =	ssyncset.done $0x0  }
0x65: {  	s28 =	simm.s32 $0x2000;
	[sflag:s5] =	ssyncadd.s32 $0xFFFF8000  }
0x66: {  	[tilespmem:s12], [sflag:$0x1] =	stream.indirect.gather [spmem:s3], $0x20, s28, s11, $0xb8;
	[tilespmem:$0x1BE20] =	vst v63  }
0x67: {  	_ =	swait.ge [sflag:s13], $0x8000  }
0x68: {  	[sflag:s13] =	ssyncset.done $0x0  }
0x69: {  	s29 =	simm.s32 $0x4800;
	[sflag:s13] =	ssyncadd.s32 $0xFFFF8000  }
0x6a: {  	[spmem:s2] =	stream.indirect.scatter.add.f32 [tilespmem:s12], [sflag:$0x2], $0x20, s29, s11, $0xb8;
	[tilespmem:$0x1BE20] =	vst v63  }
0x6b: {  	_ =	swait.ge [sflag:s5], $0x8000  }
0x6c: {  	[sflag:s5] =	ssyncset.done $0x0  }
0x6d: {  	s30 =	simm.s32 $0x2400;
	[sflag:s5] =	ssyncadd.s32 $0xFFFF8000  }
0x6e: {  	[tilespmem:s12], [sflag:$0x1] =	stream.indirect.gather [spmem:s3], $0x20, s30, s11, $0xb8;
	[tilespmem:$0x1BE20] =	vst v63  }
0x6f: {  	_ =	swait.ge [sflag:s13], $0x8000  }
0x70: {  	[sflag:s13] =	ssyncset.done $0x0  }
0x71: {  	s6 =	simm.s32 $0x4C00;
	[sflag:s13] =	ssyncadd.s32 $0xFFFF8000  }
0x72: {  	[spmem:s2] =	stream.indirect.scatter.add.f32 [tilespmem:s12], [sflag:$0x2], $0x20, s6, s11, $0xb8;
	[tilespmem:$0x1BE20] =	vst v63  }
0x73: {  	_ =	swait.ge [sflag:s5], $0x8000  }
0x74: {  	[sflag:s5] =	ssyncset.done $0x0  }
0x75: {  	[sflag:s5] =	ssyncadd.s32 $0xFFFF8000  }
0x76: {  	[bflag:$0x0] =	sbarrier.arrive $0xFFFF  }
0x77: {  	s9 =	sshrl.u32 s8, $0x3;
	s0 =	rddreg [dreg:$0x9]  }
0x78: {  	[hbm:s0], [sflag:s15] =	dma.local [spmem:s9], $0xA00  }
0x79: {  	_ =	swait.ge [sflag:s5], $0xA00  }
0x7a: {  	[sflag:s5] =	ssyncset.done $0x0  }
0x7b: {  	[dreg:$0xc] =	wrdreg s8;
	[sflag:s5] =	ssyncadd.s32 $0xFFFFF600  }
0x7c: {  	[spmem:s8] =	stream.linear.scatter [tilespmem:s31], [sflag:$0x2], $0x5000, $0x38;
	[tilespmem:$0x1BE20] =	vst v63  }
0x7d: {  	_ =	swait.ge [sflag:s5], $0x5000  }
0x7e: {  	[dreg:$0xd] =	wrdreg s4;
	[sflag:s5] =	ssyncset.done $0x0  }
0x7f: {  	s8 =	rddreg [dreg:$0xa];
	[sflag:s5] =	ssyncadd.s32 $0xFFFFB000  }
0x80: {  	[spmem:s4], [sflag:s15] =	dma.local [hbm:s8], $0x9C4  }
0x81: {  	_ =	swait.ge [sflag:s5], $0x9C4  }
0x82: {  	[sflag:s5] =	ssyncset.done $0x0  }
0x83: {  	[sflag:s5] =	ssyncadd.s32 $0xFFFFF63C  }
0x84: {  	[bflag:$0x0] =	sbarrier.arrive $0xFFFF  }
0x85: {  	[tilespmem:s12], [sflag:$0x1] =	stream.indirect.gather [spmem:s3], $0x20, s14, s11, $0xb8;
	[tilespmem:$0x1BE20] =	vst v63  }
0x86: {  	_ =	swait.ge [sflag:s13], $0x8000  }
0x87: {  	[sflag:s13] =	ssyncset.done $0x0  }
0x88: {  	[sflag:s13] =	ssyncadd.s32 $0xFFFF8000  }
0x89: {  	[spmem:s2] =	stream.indirect.scatter.add.f32 [tilespmem:s12], [sflag:$0x2], $0x20, s7, s11, $0xb8;
	[tilespmem:$0x1BE20] =	vst v63  }
0x8a: {  	_ =	swait.ge [sflag:s5], $0x8000  }
0x8b: {  	[sflag:s5] =	ssyncset.done $0x0  }
0x8c: {  	[sflag:s5] =	ssyncadd.s32 $0xFFFF8000  }
0x8d: {  	[tilespmem:s12], [sflag:$0x1] =	stream.indirect.gather [spmem:s3], $0x20, s11, s11, $0xb8;
	[tilespmem:$0x1BE20] =	vst v63  }
0x8e: {  	_ =	swait.ge [sflag:s13], $0x8000  }
0x8f: {  	[sflag:s13] =	ssyncset.done $0x0  }
0x90: {  	[sflag:s13] =	ssyncadd.s32 $0xFFFF8000  }
0x91: {  	[spmem:s2] =	stream.indirect.scatter.add.f32 [tilespmem:s12], [sflag:$0x2], $0x20, s1, s11, $0xb8;
	[tilespmem:$0x1BE20] =	vst v63  }
0x92: {  	_ =	swait.ge [sflag:s5], $0x8000  }
0x93: {  	[sflag:s5] =	ssyncset.done $0x0  }
0x94: {  	[sflag:s5] =	ssyncadd.s32 $0xFFFF8000  }
0x95: {  	[tilespmem:s12], [sflag:$0x1] =	stream.indirect.gather [spmem:s3], $0x20, s10, s11, $0xb8;
	[tilespmem:$0x1BE20] =	vst v63  }
0x96: {  	_ =	swait.ge [sflag:s13], $0x8000  }
0x97: {  	[sflag:s13] =	ssyncset.done $0x0  }
0x98: {  	[sflag:s13] =	ssyncadd.s32 $0xFFFF8000  }
0x99: {  	[spmem:s2] =	stream.indirect.scatter.add.f32 [tilespmem:s12], [sflag:$0x2], $0x20, s16, s11, $0xb8;
	[tilespmem:$0x1BE20] =	vst v63  }
0x9a: {  	_ =	swait.ge [sflag:s5], $0x8000  }
0x9b: {  	[sflag:s5] =	ssyncset.done $0x0  }
0x9c: {  	[sflag:s5] =	ssyncadd.s32 $0xFFFF8000  }
0x9d: {  	[tilespmem:s12], [sflag:$0x1] =	stream.indirect.gather [spmem:s3], $0x20, s17, s11, $0xb8;
	[tilespmem:$0x1BE20] =	vst v63  }
0x9e: {  	_ =	swait.ge [sflag:s13], $0x8000  }
0x9f: {  	[sflag:s13] =	ssyncset.done $0x0  }
0xa0: {  	[sflag:s13] =	ssyncadd.s32 $0xFFFF8000  }
0xa1: {  	[spmem:s2] =	stream.indirect.scatter.add.f32 [tilespmem:s12], [sflag:$0x2], $0x20, s18, s11, $0xb8;
	[tilespmem:$0x1BE20] =	vst v63  }
0xa2: {  	_ =	swait.ge [sflag:s5], $0x8000  }
0xa3: {  	[sflag:s5] =	ssyncset.done $0x0  }
0xa4: {  	[sflag:s5] =	ssyncadd.s32 $0xFFFF8000  }
0xa5: {  	[tilespmem:s12], [sflag:$0x1] =	stream.indirect.gather [spmem:s3], $0x20, s19, s11, $0xb8;
	[tilespmem:$0x1BE20] =	vst v63  }
0xa6: {  	_ =	swait.ge [sflag:s13], $0x8000  }
0xa7: {  	[sflag:s13] =	ssyncset.done $0x0  }
0xa8: {  	[sflag:s13] =	ssyncadd.s32 $0xFFFF8000  }
0xa9: {  	[spmem:s2] =	stream.indirect.scatter.add.f32 [tilespmem:s12], [sflag:$0x2], $0x20, s20, s11, $0xb8;
	[tilespmem:$0x1BE20] =	vst v63  }
0xaa: {  	_ =	swait.ge [sflag:s5], $0x8000  }
0xab: {  	[sflag:s5] =	ssyncset.done $0x0  }
0xac: {  	[sflag:s5] =	ssyncadd.s32 $0xFFFF8000  }
0xad: {  	[tilespmem:s12], [sflag:$0x1] =	stream.indirect.gather [spmem:s3], $0x20, s21, s11, $0xb8;
	[tilespmem:$0x1BE20] =	vst v63  }
0xae: {  	_ =	swait.ge [sflag:s13], $0x8000  }
0xaf: {  	[sflag:s13] =	ssyncset.done $0x0  }
0xb0: {  	[sflag:s13] =	ssyncadd.s32 $0xFFFF8000  }
0xb1: {  	[spmem:s2] =	stream.indirect.scatter.add.f32 [tilespmem:s12], [sflag:$0x2], $0x20, s22, s11, $0xb8;
	[tilespmem:$0x1BE20] =	vst v63  }
0xb2: {  	_ =	swait.ge [sflag:s5], $0x8000  }
0xb3: {  	[sflag:s5] =	ssyncset.done $0x0  }
0xb4: {  	[sflag:s5] =	ssyncadd.s32 $0xFFFF8000  }
0xb5: {  	[tilespmem:s12], [sflag:$0x1] =	stream.indirect.gather [spmem:s3], $0x20, s23, s11, $0xb8;
	[tilespmem:$0x1BE20] =	vst v63  }
0xb6: {  	_ =	swait.ge [sflag:s13], $0x8000  }
0xb7: {  	[sflag:s13] =	ssyncset.done $0x0  }
0xb8: {  	[sflag:s13] =	ssyncadd.s32 $0xFFFF8000  }
0xb9: {  	[spmem:s2] =	stream.indirect.scatter.add.f32 [tilespmem:s12], [sflag:$0x2], $0x20, s24, s11, $0xb8;
	[tilespmem:$0x1BE20] =	vst v63  }
0xba: {  	_ =	swait.ge [sflag:s5], $0x8000  }
0xbb: {  	[sflag:s5] =	ssyncset.done $0x0  }
0xbc: {  	[sflag:s5] =	ssyncadd.s32 $0xFFFF8000  }
0xbd: {  	[tilespmem:s12], [sflag:$0x1] =	stream.indirect.gather [spmem:s3], $0x20, s25, s11, $0xb8;
	[tilespmem:$0x1BE20] =	vst v63  }
0xbe: {  	_ =	swait.ge [sflag:s13], $0x8000  }
0xbf: {  	[sflag:s13] =	ssyncset.done $0x0  }
0xc0: {  	[sflag:s13] =	ssyncadd.s32 $0xFFFF8000  }
0xc1: {  	[spmem:s2] =	stream.indirect.scatter.add.f32 [tilespmem:s12], [sflag:$0x2], $0x20, s26, s11, $0xb8;
	[tilespmem:$0x1BE20] =	vst v63  }
0xc2: {  	_ =	swait.ge [sflag:s5], $0x8000  }
0xc3: {  	[sflag:s5] =	ssyncset.done $0x0  }
0xc4: {  	[sflag:s5] =	ssyncadd.s32 $0xFFFF8000  }
0xc5: {  	[tilespmem:s12], [sflag:$0x1] =	stream.indirect.gather [spmem:s3], $0x20, s28, s11, $0xb8;
	[tilespmem:$0x1BE20] =	vst v63  }
0xc6: {  	_ =	swait.ge [sflag:s13], $0x8000  }
0xc7: {  	[sflag:s13] =	ssyncset.done $0x0  }
0xc8: {  	[sflag:s13] =	ssyncadd.s32 $0xFFFF8000  }
0xc9: {  	[spmem:s2] =	stream.indirect.scatter.add.f32 [tilespmem:s12], [sflag:$0x2], $0x20, s29, s11, $0xb8;
	[tilespmem:$0x1BE20] =	vst v63  }
0xca: {  	_ =	swait.ge [sflag:s5], $0x8000  }
0xcb: {  	[sflag:s5] =	ssyncset.done $0x0  }
0xcc: {  	[sflag:s5] =	ssyncadd.s32 $0xFFFF8000  }
0xcd: {  	[tilespmem:s12], [sflag:$0x1] =	stream.indirect.gather [spmem:s3], $0x20, s30, s11, $0xb8;
	[tilespmem:$0x1BE20] =	vst v63  }
0xce: {  	_ =	swait.ge [sflag:s13], $0x8000  }
0xcf: {  	[sflag:s13] =	ssyncset.done $0x0  }
0xd0: {  	[sflag:s13] =	ssyncadd.s32 $0xFFFF8000  }
0xd1: {  	[spmem:s2] =	stream.indirect.scatter.add.f32 [tilespmem:s12], [sflag:$0x2], $0x20, s6, s11, $0xb8;
	[tilespmem:$0x1BE20] =	vst v63  }
0xd2: {  	_ =	swait.ge [sflag:s5], $0x8000  }
0xd3: {  	[sflag:s5] =	ssyncset.done $0x0  }
0xd4: {  	[sflag:s5] =	ssyncadd.s32 $0xFFFF8000  }
0xd5: {  	[bflag:$0x0] =	sbarrier.arrive $0xFFFF  }
0xd6: {  	s29 =	rddreg [dreg:$0x10]  }
0xd7: {  	s30 =	ssub.s32 $0x2, s29  }
0xd8: {  	s0 =	sshrl.u32 s30, $0x1  }
0xd9: {  	s0 =	ssub.s32 s30, s0  }
0xda: {  	s0 =	smax.u32 s0, $0x1  }
0xdb: {  	p0 =	sne.s32 s0, $0x1  }
.Ltmp0:
0xdc: {  	s31 =	rddreg [dreg:$0xb];
	(pc) =	sbr.rel @!p0 .LBB2_3-.Ltmp0, $4  }
0xdd: {  	[dreg:$0xe] =	wrdreg s9  }
0xde: {  	[dreg:$0xf] =	wrdreg s15  }
0xdf: {  	[hbm:s31], [sflag:s15] =	dma.local [spmem:s9], $0xA00  }
0xe0: {  	_ =	swait.ge [sflag:s5], $0xA00;
	s0 =	sadd.s32 $0xFFFFFFFF, s0  }
0xe1: {  	s6 =	simm.s32 $0x0  }
0xe2: {  	s7 =	simm.s32 $0x2800;
	s8 =	simm.s32 $0xD000;
	s15 =	simm.s32 $0x2C00  }
0xe3: {  	s16 =	simm.s32 $0x800;
	s17 =	simm.s32 $0x3000;
	s18 =	simm.s32 $0xC00  }
0xe4: {  	s19 =	simm.s32 $0x3400;
	s20 =	simm.s32 $0x1000;
	s21 =	simm.s32 $0x3800  }
0xe5: {  	s22 =	simm.s32 $0x1400;
	s23 =	simm.s32 $0x3C00;
	s24 =	simm.s32 $0x1800  }
0xe6: {  	s25 =	simm.s32 $0x4000;
	s26 =	simm.s32 $0x1C00;
	s28 =	simm.s32 $0x4400  }
0xe7: {  	s29 =	simm.s32 $0x2000;
	s30 =	simm.s32 $0x4800;
	s31 =	simm.s32 $0x2400  }
.LBB2_2:
0xe8: {  	[sflag:s5] =	ssyncset.done $0x0  }
0xe9: {  	s14 =	rddreg [dreg:$0x6];
	[sflag:s5] =	ssyncadd.s32 $0xFFFFF600  }
0xea: {  	[tilespmem:s6], [sflag:$0x2] =	stream.linear.gather [hbm4b:s14+s6], $0x2800, $0x38;
	[tilespmem:$0x1BE20] =	vst v63  }
0xeb: {  	_ =	swait.ge [sflag:s5], $0x2800  }
0xec: {  	[sflag:s5] =	ssyncset.done $0x0  }
0xed: {  	s1 =	rddreg [dreg:$0x7];
	[sflag:s5] =	ssyncadd.s32 $0xFFFFD800  }
0xee: {  	[tilespmem:s7], [sflag:$0x2] =	stream.linear.gather [hbm4b:s1+s6], $0x2800, $0x38;
	[tilespmem:$0x1BE20] =	vst v63  }
0xef: {  	_ =	swait.ge [sflag:s5], $0x2800  }
0xf0: {  	[sflag:s5] =	ssyncset.done $0x0  }
0xf1: {  	s4 =	rddreg [dreg:$0x5];
	[sflag:s5] =	ssyncadd.s32 $0xFFFFD800  }
0xf2: {  	[tilespmem:s8], [sflag:$0x2] =	stream.linear.gather [hbm4b:s4+s6], $0x5000, $0x38;
	[tilespmem:$0x1BE20] =	vst v63  }
0xf3: {  	_ =	swait.ge [sflag:s5], $0x5000  }
0xf4: {  	[sflag:s5] =	ssyncset.done $0x0  }
0xf5: {  	s10 =	rddreg [dreg:$0xc];
	[sflag:s5] =	ssyncadd.s32 $0xFFFFB000  }
0xf6: {  	[spmem:s10] =	stream.linear.scatter [tilespmem:s8], [sflag:$0x2], $0x5000, $0x38;
	[tilespmem:$0x1BE20] =	vst v63  }
0xf7: {  	_ =	swait.ge [sflag:s5], $0x5000  }
0xf8: {  	s9 =	rddreg [dreg:$0x8]  }
0xf9: {  	[sflag:s5] =	ssyncset.done $0x0;
	s4 =	rddreg [dreg:$0xd]  }
0xfa: {  	s1 =	rddreg [dreg:$0xf];
	[sflag:s5] =	ssyncadd.s32 $0xFFFFB000  }
0xfb: {  	[spmem:s4], [sflag:s1] =	dma.local [hbm:s9], $0x9C4  }
0xfc: {  	_ =	swait.ge [sflag:s5], $0x9C4  }
0xfd: {  	[sflag:s5] =	ssyncset.done $0x0  }
0xfe: {  	[sflag:s5] =	ssyncadd.s32 $0xFFFFF63C  }
0xff: {  	[bflag:$0x0] =	sbarrier.arrive $0xFFFF  }
0x100: {  	[tilespmem:s12], [sflag:$0x1] =	stream.indirect.gather [spmem:s3], $0x20, s6, s11, $0xb8;
	[tilespmem:$0x1BE20] =	vst v63  }
0x101: {  	_ =	swait.ge [sflag:s13], $0x8000  }
0x102: {  	[sflag:s13] =	ssyncset.done $0x0  }
0x103: {  	[sflag:s13] =	ssyncadd.s32 $0xFFFF8000  }
0x104: {  	[spmem:s2] =	stream.indirect.scatter.add.f32 [tilespmem:s12], [sflag:$0x2], $0x20, s7, s11, $0xb8;
	[tilespmem:$0x1BE20] =	vst v63  }
0x105: {  	_ =	swait.ge [sflag:s5], $0x8000  }
0x106: {  	[sflag:s5] =	ssyncset.done $0x0  }
0x107: {  	[sflag:s5] =	ssyncadd.s32 $0xFFFF8000  }
0x108: {  	[tilespmem:s12], [sflag:$0x1] =	stream.indirect.gather [spmem:s3], $0x20, s11, s11, $0xb8;
	[tilespmem:$0x1BE20] =	vst v63  }
0x109: {  	_ =	swait.ge [sflag:s13], $0x8000  }
0x10a: {  	[sflag:s13] =	ssyncset.done $0x0  }
0x10b: {  	[sflag:s13] =	ssyncadd.s32 $0xFFFF8000  }
0x10c: {  	[spmem:s2] =	stream.indirect.scatter.add.f32 [tilespmem:s12], [sflag:$0x2], $0x20, s15, s11, $0xb8;
	[tilespmem:$0x1BE20] =	vst v63  }
0x10d: {  	_ =	swait.ge [sflag:s5], $0x8000  }
0x10e: {  	[sflag:s5] =	ssyncset.done $0x0  }
0x10f: {  	[sflag:s5] =	ssyncadd.s32 $0xFFFF8000  }
0x110: {  	[tilespmem:s12], [sflag:$0x1] =	stream.indirect.gather [spmem:s3], $0x20, s16, s11, $0xb8;
	[tilespmem:$0x1BE20] =	vst v63  }
0x111: {  	_ =	swait.ge [sflag:s13], $0x8000  }
0x112: {  	[sflag:s13] =	ssyncset.done $0x0  }
0x113: {  	[sflag:s13] =	ssyncadd.s32 $0xFFFF8000  }
0x114: {  	[spmem:s2] =	stream.indirect.scatter.add.f32 [tilespmem:s12], [sflag:$0x2], $0x20, s17, s11, $0xb8;
	[tilespmem:$0x1BE20] =	vst v63  }
0x115: {  	_ =	swait.ge [sflag:s5], $0x8000  }
0x116: {  	[sflag:s5] =	ssyncset.done $0x0  }
0x117: {  	[sflag:s5] =	ssyncadd.s32 $0xFFFF8000  }
0x118: {  	[tilespmem:s12], [sflag:$0x1] =	stream.indirect.gather [spmem:s3], $0x20, s18, s11, $0xb8;
	[tilespmem:$0x1BE20] =	vst v63  }
0x119: {  	_ =	swait.ge [sflag:s13], $0x8000  }
0x11a: {  	[sflag:s13] =	ssyncset.done $0x0  }
0x11b: {  	[sflag:s13] =	ssyncadd.s32 $0xFFFF8000  }
0x11c: {  	[spmem:s2] =	stream.indirect.scatter.add.f32 [tilespmem:s12], [sflag:$0x2], $0x20, s19, s11, $0xb8;
	[tilespmem:$0x1BE20] =	vst v63  }
0x11d: {  	_ =	swait.ge [sflag:s5], $0x8000  }
0x11e: {  	[sflag:s5] =	ssyncset.done $0x0  }
0x11f: {  	[sflag:s5] =	ssyncadd.s32 $0xFFFF8000  }
0x120: {  	[tilespmem:s12], [sflag:$0x1] =	stream.indirect.gather [spmem:s3], $0x20, s20, s11, $0xb8;
	[tilespmem:$0x1BE20] =	vst v63  }
0x121: {  	_ =	swait.ge [sflag:s13], $0x8000  }
0x122: {  	[sflag:s13] =	ssyncset.done $0x0  }
0x123: {  	[sflag:s13] =	ssyncadd.s32 $0xFFFF8000  }
0x124: {  	[spmem:s2] =	stream.indirect.scatter.add.f32 [tilespmem:s12], [sflag:$0x2], $0x20, s21, s11, $0xb8;
	[tilespmem:$0x1BE20] =	vst v63  }
0x125: {  	_ =	swait.ge [sflag:s5], $0x8000  }
0x126: {  	[sflag:s5] =	ssyncset.done $0x0  }
0x127: {  	[sflag:s5] =	ssyncadd.s32 $0xFFFF8000  }
0x128: {  	[tilespmem:s12], [sflag:$0x1] =	stream.indirect.gather [spmem:s3], $0x20, s22, s11, $0xb8;
	[tilespmem:$0x1BE20] =	vst v63  }
0x129: {  	_ =	swait.ge [sflag:s13], $0x8000  }
0x12a: {  	[sflag:s13] =	ssyncset.done $0x0  }
0x12b: {  	[sflag:s13] =	ssyncadd.s32 $0xFFFF8000  }
0x12c: {  	[spmem:s2] =	stream.indirect.scatter.add.f32 [tilespmem:s12], [sflag:$0x2], $0x20, s23, s11, $0xb8;
	[tilespmem:$0x1BE20] =	vst v63  }
0x12d: {  	_ =	swait.ge [sflag:s5], $0x8000  }
0x12e: {  	[sflag:s5] =	ssyncset.done $0x0  }
0x12f: {  	[sflag:s5] =	ssyncadd.s32 $0xFFFF8000  }
0x130: {  	[tilespmem:s12], [sflag:$0x1] =	stream.indirect.gather [spmem:s3], $0x20, s24, s11, $0xb8;
	[tilespmem:$0x1BE20] =	vst v63  }
0x131: {  	_ =	swait.ge [sflag:s13], $0x8000  }
0x132: {  	[sflag:s13] =	ssyncset.done $0x0  }
0x133: {  	[sflag:s13] =	ssyncadd.s32 $0xFFFF8000  }
0x134: {  	[spmem:s2] =	stream.indirect.scatter.add.f32 [tilespmem:s12], [sflag:$0x2], $0x20, s25, s11, $0xb8;
	[tilespmem:$0x1BE20] =	vst v63  }
0x135: {  	_ =	swait.ge [sflag:s5], $0x8000  }
0x136: {  	[sflag:s5] =	ssyncset.done $0x0  }
0x137: {  	[sflag:s5] =	ssyncadd.s32 $0xFFFF8000  }
0x138: {  	[tilespmem:s12], [sflag:$0x1] =	stream.indirect.gather [spmem:s3], $0x20, s26, s11, $0xb8;
	[tilespmem:$0x1BE20] =	vst v63  }
0x139: {  	_ =	swait.ge [sflag:s13], $0x8000  }
0x13a: {  	[sflag:s13] =	ssyncset.done $0x0  }
0x13b: {  	[sflag:s13] =	ssyncadd.s32 $0xFFFF8000  }
0x13c: {  	[spmem:s2] =	stream.indirect.scatter.add.f32 [tilespmem:s12], [sflag:$0x2], $0x20, s28, s11, $0xb8;
	[tilespmem:$0x1BE20] =	vst v63  }
0x13d: {  	_ =	swait.ge [sflag:s5], $0x8000  }
0x13e: {  	[sflag:s5] =	ssyncset.done $0x0  }
0x13f: {  	[sflag:s5] =	ssyncadd.s32 $0xFFFF8000  }
0x140: {  	[tilespmem:s12], [sflag:$0x1] =	stream.indirect.gather [spmem:s3], $0x20, s29, s11, $0xb8;
	[tilespmem:$0x1BE20] =	vst v63  }
0x141: {  	_ =	swait.ge [sflag:s13], $0x8000  }
0x142: {  	[sflag:s13] =	ssyncset.done $0x0  }
0x143: {  	[sflag:s13] =	ssyncadd.s32 $0xFFFF8000  }
0x144: {  	[spmem:s2] =	stream.indirect.scatter.add.f32 [tilespmem:s12], [sflag:$0x2], $0x20, s30, s11, $0xb8;
	[tilespmem:$0x1BE20] =	vst v63  }
0x145: {  	_ =	swait.ge [sflag:s5], $0x8000  }
0x146: {  	[sflag:s5] =	ssyncset.done $0x0  }
0x147: {  	[sflag:s5] =	ssyncadd.s32 $0xFFFF8000  }
0x148: {  	[tilespmem:s12], [sflag:$0x1] =	stream.indirect.gather [spmem:s3], $0x20, s31, s11, $0xb8;
	[tilespmem:$0x1BE20] =	vst v63  }
0x149: {  	_ =	swait.ge [sflag:s13], $0x8000  }
0x14a: {  	[sflag:s13] =	ssyncset.done $0x0  }
0x14b: {  	s9 =	simm.s32 $0x4C00;
	[sflag:s13] =	ssyncadd.s32 $0xFFFF8000  }
0x14c: {  	[spmem:s2] =	stream.indirect.scatter.add.f32 [tilespmem:s12], [sflag:$0x2], $0x20, s9, s11, $0xb8;
	[tilespmem:$0x1BE20] =	vst v63  }
0x14d: {  	_ =	swait.ge [sflag:s5], $0x8000  }
0x14e: {  	[sflag:s5] =	ssyncset.done $0x0  }
0x14f: {  	[sflag:s5] =	ssyncadd.s32 $0xFFFF8000  }
0x150: {  	[bflag:$0x0] =	sbarrier.arrive $0xFFFF  }
0x151: {  	s14 =	rddreg [dreg:$0x9]  }
0x152: {  	s9 =	rddreg [dreg:$0xe]  }
0x153: {  	[hbm:s14], [sflag:s1] =	dma.local [spmem:s9], $0xA00  }
0x154: {  	_ =	swait.ge [sflag:s5], $0xA00  }
0x155: {  	[sflag:s5] =	ssyncset.done $0x0  }
0x156: {  	[sflag:s5] =	ssyncadd.s32 $0xFFFFF600  }
0x157: {  	[spmem:s10] =	stream.linear.scatter [tilespmem:s8], [sflag:$0x2], $0x5000, $0x38;
	[tilespmem:$0x1BE20] =	vst v63  }
0x158: {  	_ =	swait.ge [sflag:s5], $0x5000  }
0x159: {  	[sflag:s5] =	ssyncset.done $0x0  }
0x15a: {  	s10 =	rddreg [dreg:$0xa];
	[sflag:s5] =	ssyncadd.s32 $0xFFFFB000  }
0x15b: {  	[spmem:s4], [sflag:s1] =	dma.local [hbm:s10], $0x9C4  }
0x15c: {  	_ =	swait.ge [sflag:s5], $0x9C4  }
0x15d: {  	[sflag:s5] =	ssyncset.done $0x0  }
0x15e: {  	[sflag:s5] =	ssyncadd.s32 $0xFFFFF63C  }
0x15f: {  	[bflag:$0x0] =	sbarrier.arrive $0xFFFF  }
0x160: {  	[tilespmem:s12], [sflag:$0x1] =	stream.indirect.gather [spmem:s3], $0x20, s6, s11, $0xb8;
	[tilespmem:$0x1BE20] =	vst v63  }
0x161: {  	_ =	swait.ge [sflag:s13], $0x8000  }
0x162: {  	[sflag:s13] =	ssyncset.done $0x0  }
0x163: {  	[sflag:s13] =	ssyncadd.s32 $0xFFFF8000  }
0x164: {  	[spmem:s2] =	stream.indirect.scatter.add.f32 [tilespmem:s12], [sflag:$0x2], $0x20, s7, s11, $0xb8;
	[tilespmem:$0x1BE20] =	vst v63  }
0x165: {  	_ =	swait.ge [sflag:s5], $0x8000  }
0x166: {  	[sflag:s5] =	ssyncset.done $0x0  }
0x167: {  	[sflag:s5] =	ssyncadd.s32 $0xFFFF8000  }
0x168: {  	[tilespmem:s12], [sflag:$0x1] =	stream.indirect.gather [spmem:s3], $0x20, s11, s11, $0xb8;
	[tilespmem:$0x1BE20] =	vst v63  }
0x169: {  	_ =	swait.ge [sflag:s13], $0x8000  }
0x16a: {  	[sflag:s13] =	ssyncset.done $0x0  }
0x16b: {  	[sflag:s13] =	ssyncadd.s32 $0xFFFF8000  }
0x16c: {  	[spmem:s2] =	stream.indirect.scatter.add.f32 [tilespmem:s12], [sflag:$0x2], $0x20, s15, s11, $0xb8;
	[tilespmem:$0x1BE20] =	vst v63  }
0x16d: {  	_ =	swait.ge [sflag:s5], $0x8000  }
0x16e: {  	[sflag:s5] =	ssyncset.done $0x0  }
0x16f: {  	[sflag:s5] =	ssyncadd.s32 $0xFFFF8000  }
0x170: {  	[tilespmem:s12], [sflag:$0x1] =	stream.indirect.gather [spmem:s3], $0x20, s16, s11, $0xb8;
	[tilespmem:$0x1BE20] =	vst v63  }
0x171: {  	_ =	swait.ge [sflag:s13], $0x8000  }
0x172: {  	[sflag:s13] =	ssyncset.done $0x0  }
0x173: {  	[sflag:s13] =	ssyncadd.s32 $0xFFFF8000  }
0x174: {  	[spmem:s2] =	stream.indirect.scatter.add.f32 [tilespmem:s12], [sflag:$0x2], $0x20, s17, s11, $0xb8;
	[tilespmem:$0x1BE20] =	vst v63  }
0x175: {  	_ =	swait.ge [sflag:s5], $0x8000  }
0x176: {  	[sflag:s5] =	ssyncset.done $0x0  }
0x177: {  	[sflag:s5] =	ssyncadd.s32 $0xFFFF8000  }
0x178: {  	[tilespmem:s12], [sflag:$0x1] =	stream.indirect.gather [spmem:s3], $0x20, s18, s11, $0xb8;
	[tilespmem:$0x1BE20] =	vst v63  }
0x179: {  	_ =	swait.ge [sflag:s13], $0x8000  }
0x17a: {  	[sflag:s13] =	ssyncset.done $0x0  }
0x17b: {  	[sflag:s13] =	ssyncadd.s32 $0xFFFF8000  }
0x17c: {  	[spmem:s2] =	stream.indirect.scatter.add.f32 [tilespmem:s12], [sflag:$0x2], $0x20, s19, s11, $0xb8;
	[tilespmem:$0x1BE20] =	vst v63  }
0x17d: {  	_ =	swait.ge [sflag:s5], $0x8000  }
0x17e: {  	[sflag:s5] =	ssyncset.done $0x0  }
0x17f: {  	[sflag:s5] =	ssyncadd.s32 $0xFFFF8000  }
0x180: {  	[tilespmem:s12], [sflag:$0x1] =	stream.indirect.gather [spmem:s3], $0x20, s20, s11, $0xb8;
	[tilespmem:$0x1BE20] =	vst v63  }
0x181: {  	_ =	swait.ge [sflag:s13], $0x8000  }
0x182: {  	[sflag:s13] =	ssyncset.done $0x0  }
0x183: {  	[sflag:s13] =	ssyncadd.s32 $0xFFFF8000  }
0x184: {  	[spmem:s2] =	stream.indirect.scatter.add.f32 [tilespmem:s12], [sflag:$0x2], $0x20, s21, s11, $0xb8;
	[tilespmem:$0x1BE20] =	vst v63  }
0x185: {  	_ =	swait.ge [sflag:s5], $0x8000  }
0x186: {  	[sflag:s5] =	ssyncset.done $0x0  }
0x187: {  	[sflag:s5] =	ssyncadd.s32 $0xFFFF8000  }
0x188: {  	[tilespmem:s12], [sflag:$0x1] =	stream.indirect.gather [spmem:s3], $0x20, s22, s11, $0xb8;
	[tilespmem:$0x1BE20] =	vst v63  }
0x189: {  	_ =	swait.ge [sflag:s13], $0x8000  }
0x18a: {  	[sflag:s13] =	ssyncset.done $0x0  }
0x18b: {  	[sflag:s13] =	ssyncadd.s32 $0xFFFF8000  }
0x18c: {  	[spmem:s2] =	stream.indirect.scatter.add.f32 [tilespmem:s12], [sflag:$0x2], $0x20, s23, s11, $0xb8;
	[tilespmem:$0x1BE20] =	vst v63  }
0x18d: {  	_ =	swait.ge [sflag:s5], $0x8000  }
0x18e: {  	[sflag:s5] =	ssyncset.done $0x0  }
0x18f: {  	[sflag:s5] =	ssyncadd.s32 $0xFFFF8000  }
0x190: {  	[tilespmem:s12], [sflag:$0x1] =	stream.indirect.gather [spmem:s3], $0x20, s24, s11, $0xb8;
	[tilespmem:$0x1BE20] =	vst v63  }
0x191: {  	_ =	swait.ge [sflag:s13], $0x8000  }
0x192: {  	[sflag:s13] =	ssyncset.done $0x0  }
0x193: {  	[sflag:s13] =	ssyncadd.s32 $0xFFFF8000  }
0x194: {  	[spmem:s2] =	stream.indirect.scatter.add.f32 [tilespmem:s12], [sflag:$0x2], $0x20, s25, s11, $0xb8;
	[tilespmem:$0x1BE20] =	vst v63  }
0x195: {  	_ =	swait.ge [sflag:s5], $0x8000  }
0x196: {  	[sflag:s5] =	ssyncset.done $0x0  }
0x197: {  	[sflag:s5] =	ssyncadd.s32 $0xFFFF8000  }
0x198: {  	[tilespmem:s12], [sflag:$0x1] =	stream.indirect.gather [spmem:s3], $0x20, s26, s11, $0xb8;
	[tilespmem:$0x1BE20] =	vst v63  }
0x199: {  	_ =	swait.ge [sflag:s13], $0x8000  }
0x19a: {  	[sflag:s13] =	ssyncset.done $0x0  }
0x19b: {  	[sflag:s13] =	ssyncadd.s32 $0xFFFF8000  }
0x19c: {  	[spmem:s2] =	stream.indirect.scatter.add.f32 [tilespmem:s12], [sflag:$0x2], $0x20, s28, s11, $0xb8;
	[tilespmem:$0x1BE20] =	vst v63  }
0x19d: {  	_ =	swait.ge [sflag:s5], $0x8000  }
0x19e: {  	[sflag:s5] =	ssyncset.done $0x0  }
0x19f: {  	[sflag:s5] =	ssyncadd.s32 $0xFFFF8000  }
0x1a0: {  	[tilespmem:s12], [sflag:$0x1] =	stream.indirect.gather [spmem:s3], $0x20, s29, s11, $0xb8;
	[tilespmem:$0x1BE20] =	vst v63  }
0x1a1: {  	_ =	swait.ge [sflag:s13], $0x8000  }
0x1a2: {  	[sflag:s13] =	ssyncset.done $0x0  }
0x1a3: {  	[sflag:s13] =	ssyncadd.s32 $0xFFFF8000  }
0x1a4: {  	[spmem:s2] =	stream.indirect.scatter.add.f32 [tilespmem:s12], [sflag:$0x2], $0x20, s30, s11, $0xb8;
	[tilespmem:$0x1BE20] =	vst v63  }
0x1a5: {  	_ =	swait.ge [sflag:s5], $0x8000  }
0x1a6: {  	[sflag:s5] =	ssyncset.done $0x0  }
0x1a7: {  	[sflag:s5] =	ssyncadd.s32 $0xFFFF8000  }
0x1a8: {  	[tilespmem:s12], [sflag:$0x1] =	stream.indirect.gather [spmem:s3], $0x20, s31, s11, $0xb8;
	[tilespmem:$0x1BE20] =	vst v63  }
0x1a9: {  	_ =	swait.ge [sflag:s13], $0x8000  }
0x1aa: {  	[sflag:s13] =	ssyncset.done $0x0  }
0x1ab: {  	s14 =	simm.s32 $0x4C00;
	[sflag:s13] =	ssyncadd.s32 $0xFFFF8000  }
0x1ac: {  	[spmem:s2] =	stream.indirect.scatter.add.f32 [tilespmem:s12], [sflag:$0x2], $0x20, s14, s11, $0xb8;
	[tilespmem:$0x1BE20] =	vst v63  }
0x1ad: {  	_ =	swait.ge [sflag:s5], $0x8000  }
0x1ae: {  	p0 =	sne.s32 s0, $0x1;
	[sflag:s5] =	ssyncset.done $0x0  }
.Ltmp1:
0x1af: {  	[sflag:s5] =	ssyncadd.s32 $0xFFFF8000;
	(pc) =	sbr.rel @p0 .LBB2_2-.Ltmp1, $4  }
0x1b0: {  	[bflag:$0x0] =	sbarrier.arrive $0xFFFF  }
0x1b1: {  	s10 =	rddreg [dreg:$0xb]  }
0x1b2: {  	[hbm:s10], [sflag:s1] =	dma.local [spmem:s9], $0xA00  }
0x1b3: {  	s0 =	sadd.s32 $0xFFFFFFFF, s0;
	_ =	swait.ge [sflag:s5], $0xA00  }
.LBB2_3:
0x1b4: {  	[sflag:s5] =	ssyncset.done $0x0  }
0x1b5: {  	[sflag:s5] =	ssyncadd.s32 $0xFFFFF600  }
0x1b6: {  	_ =	sfence.sel $0x180000  }
0x1b7: {  	[bflag:$0x0] =	sbarrier.arrive $0xFFFF  }
0x1b8: {  	_ =	strace $0x9000004A  }
0x1b9: {  	s0 =	stileid.u32;
	[bflag:$0x2] =	sbarrier.arrive $0xFFFF  }
0x1ba: {  	p0 =	sne.s32 s0, $0x0;
	s0 =	rddreg [dreg:$0x4]  }
0x1bb: {  	s0 =	sadd.s32 @!p0 $0x100000, s0  }
0x1bc: {  	[sflag:s0] =	ssyncadd.tile.s32 @!p0 $0x1;
	_ =	shalt  }
.Lfunc_end2:
_tile_overlayer_lowered:
.L_overlay_start_2:
0x1bd: {  	(tag) =	ssettag $0x2  }
0x1be: {  	s0 =	rddreg [dreg:$0x0];
	s2 =	stileid.u32  }
0x1bf: {  	s1 =	rddreg [dreg:$0x1];
	p0 =	sne.s32 s2, $0x0  }
0x1c0: {  	s3 =	rddreg [dreg:$0x2];
	[bflag:$0x3] =	sbarrier.arrive $0xFFFF;
	s2 =	simm.s32 @!p0 $0x1C02  }
0x1c1: {  	[timem:s3], [sflag:s2] =	dma.local @!p0 [hbm:s0], s1  }
0x1c2: {  	s0 =	simm.s32 @!p0 $0x2  }
0x1c3: {  	_ =	swait.ge @!p0 [sflag:s0], s1  }
0x1c4: {  	s1 =	ssub.s32 @!p0 $0x0, s1;
	[sflag:s0] =	ssyncset.done @!p0 $0x0  }
0x1c5: {  	[sflag:s0] =	ssyncadd.s32 @!p0 s1  }
0x1c6: {  	[bflag:$0x3] =	sbarrier.arrive $0xFFFF  }
0x1c7: {  	_ =	shalt  }

// kernel: kernel.18.cloned.1.call-start
scs
__scs_entry_jumppad:
0x0: {  	(pc) =	sbr.rel $0x88, $3  }
0x1: {  	(tag) =	ssettag $0x0;
	lr =	simm.s32 $0x1  }
0x2: {  	[smem:$0x3F99] =	sst lr;
	_ =	strace $0xD0000000  }
0x3: {  	_ = 	snop  }
0x4: {  	_ = 	snop  }
0x5: {  	_ = 	snop  }
0x6: {  	_ = 	snop  }
0x7: {  	_ = 	snop  }
__scs_overlays_trampoline_lowered:
0x8: {  	[smem:$0x3FA8] =	sst s0  }
0x9: {  	[smem:$0x3FA9] =	sst s1  }
0xa: {  	[smem:$0x3FAA] =	sst s2  }
0xb: {  	[smem:$0x3FAB] =	sst s3  }
0xc: {  	[smem:$0x3FAC] =	sst s4  }
0xd: {  	[smem:$0x3FAD] =	sst s5  }
0xe: {  	[smem:$0x3FAE] =	sst s6  }
0xf: {  	[smem:$0x3FAF] =	sst s7  }
0x10: {  	[smem:$0x3FB0] =	sst s8  }
0x11: {  	[smem:$0x3FB1] =	sst s9;
	s0 =	simm.s32 @!p0 $0x0  }
0x12: {  	s1 =	sld [smem:$0x3F97];
	s0 =	simm.s32 @p0 $0x1  }
0x13: {  	[smem:$0x3FB2] =	sst s0;
	s0 =	simm.s32 @!p1 $0x0  }
0x14: {  	s2 =	sld [smem:$0x3F96];
	s0 =	simm.s32 @p1 $0x1  }
0x15: {  	[smem:$0x3FB3] =	sst s0;
	s0 =	simm.s32 @!p2 $0x0  }
0x16: {  	s3 =	sld [smem:$0x3FDB];
	s0 =	simm.s32 @p2 $0x1  }
0x17: {  	s4 =	simm.s32 $0x1BF5;
	[smem:$0x3FB5] =	sst s0  }
0x18: {  	s0 =	sld [smem:$0x3F98];
	_ =	swait.ge [sflag:s4], $0x0  }
0x19: {  	s7 =	sld [smem:$0x3F99]  }
0x1a: {  	s8 =	sadd.s32 $0xFFFFE003, lr  }
0x1b: {  	s9 =	sadd.s32 $0xFFFFFEF7, lr;
	s5 =	simm.s32 $0xFFFFFFFF;
	p2 =	slt.u32 s8, $0xFFFFF086  }
0x1c: {  	p1 =	slt.u32 s9, $0xF7A;
	s5 =	simm.s32 @!p2 $0x0  }
0x1d: {  	s5 =	simm.s32 @p1 $0x1;
	p0 =	seq.s32 s7, s2  }
0x1e: {  	s7 =	smul.u32 @!p0 $0xF7A, s2;
	p2 =	seq.s32 @!p0 s5, $0x0  }
0x1f: {  	s9 =	smul.u32 $0xF7A, s1;
	s8 =	simm.s32 @!p0 $0x1BF5;
	p2 =	por !p2, p0  }
0x20: {  	[sflag:s8] =	ssyncset.s32 @!p0 $0xFFFFF086;
	s6 =	sadd.s32 @!p0 s3, s7;
	s7 =	simm.s32 @!p0 $0x108  }
0x21: {  	s3 =	sadd.s32 s3, s9;
	s6 =	sadd.s32 @!p0 $0x88, s6;
	s7 =	simm.s32 @p2 $0x1082  }
0x22: {  	[simem:s7], [sflag:s8] =	dma.local @!p0 [hbm:s6], $0xF7A  }
0x23: {  	s9 =	sor.u32 $0xD0000000, s2;
	s6 =	simm.s32 $0x108;
	_ =	swait.ge @!p0 [sflag:s8], $0x0  }
0x24: {  	s3 =	sadd.s32 $0x88, s3;
	s6 =	simm.s32 @!p1 $0x1082;
	[sflag:s4] =	ssyncset.s32 $0xFFFFF086  }
0x25: {  	[simem:s6], [sflag:s4] =	dma.local [hbm:s3], $0xF7A  }
0x26: {  	[smem:$0x3F99] =	sst s1;
	(tag) =	ssettag s2;
	_ =	strace s9  }
0x27: {  	s1 =	sld [smem:$0x3FA9]  }
0x28: {  	s2 =	sld [smem:$0x3FAA]  }
0x29: {  	s4 =	sld [smem:$0x3FAC]  }
0x2a: {  	p0 =	seq.s32 s5, $0x0;
	s5 =	sld [smem:$0x3FAD]  }
0x2b: {  	s6 =	sld [smem:$0x3FAE]  }
0x2c: {  	s7 =	sld [smem:$0x3FAF]  }
0x2d: {  	s3 =	simm.s32 $0x108;
	s8 =	sld [smem:$0x3FB0]  }
0x2e: {  	s3 =	simm.s32 @!p0 $0x1082;
	s9 =	sld [smem:$0x3FB1]  }
0x2f: {  	lr =	sadd.s32 s0, s3;
	s0 =	sld [smem:$0x3FA8]  }
0x30: {  	s3 =	sld [smem:$0x3FAB]  }
0x31: {  	[smem:$0x3FB4] =	sst s10  }
0x32: {  	s10 =	sld [smem:$0x3FB2];
	_ =	sdelay $0x3  }
0x33: {  	p0 =	seq.s32 s10, $0x1;
	s10 =	sld [smem:$0x3FB4];
	_ =	sdelay $0x3  }
0x34: {  	[smem:$0x3FB4] =	sst s10  }
0x35: {  	s10 =	sld [smem:$0x3FB3];
	_ =	sdelay $0x3  }
0x36: {  	p1 =	seq.s32 s10, $0x1;
	s10 =	sld [smem:$0x3FB4];
	_ =	sdelay $0x3  }
0x37: {  	[smem:$0x3FB4] =	sst s10  }
0x38: {  	s10 =	sld [smem:$0x3FB5]  }
0x39: {  	_ = 	snop;
	(pc) =	sbr.ind lr, $3  }
0x3a: {  	_ = 	snop  }
0x3b: {  	_ = 	snop  }
0x3c: {  	p2 =	seq.s32 s10, $0x1;
	s10 =	sld [smem:$0x3FB4]  }
0x3d: {  	_ =	shalt  }
0x3e: {  	_ =	shalt  }
0x3f: {  	_ =	shalt  }
0x40: {  	_ =	shalt  }
0x41: {  	_ =	shalt  }
0x42: {  	_ =	shalt  }
0x43: {  	_ =	shalt  }
0x44: {  	_ =	shalt  }
0x45: {  	_ =	shalt  }
0x46: {  	_ =	shalt  }
0x47: {  	_ =	shalt  }
0x48: {  	_ =	shalt  }
0x49: {  	_ =	shalt  }
0x4a: {  	_ =	shalt  }
0x4b: {  	_ =	shalt  }
0x4c: {  	_ =	shalt  }
0x4d: {  	_ =	shalt  }
0x4e: {  	_ =	shalt  }
0x4f: {  	_ =	shalt  }
0x50: {  	_ =	shalt  }
0x51: {  	_ =	shalt  }
0x52: {  	_ =	shalt  }
0x53: {  	_ =	shalt  }
0x54: {  	_ =	shalt  }
0x55: {  	_ =	shalt  }
0x56: {  	_ =	shalt  }
0x57: {  	_ =	shalt  }
0x58: {  	_ =	shalt  }
0x59: {  	_ =	shalt  }
0x5a: {  	_ =	shalt  }
0x5b: {  	_ =	shalt  }
0x5c: {  	_ =	shalt  }
0x5d: {  	_ =	shalt  }
0x5e: {  	_ =	shalt  }
0x5f: {  	_ =	shalt  }
0x60: {  	_ =	shalt  }
0x61: {  	_ =	shalt  }
0x62: {  	_ =	shalt  }
0x63: {  	_ =	shalt  }
0x64: {  	_ =	shalt  }
0x65: {  	_ =	shalt  }
0x66: {  	_ =	shalt  }
0x67: {  	_ =	shalt  }
0x68: {  	_ =	shalt  }
0x69: {  	_ =	shalt  }
0x6a: {  	_ =	shalt  }
0x6b: {  	_ =	shalt  }
0x6c: {  	_ =	shalt  }
0x6d: {  	_ =	shalt  }
0x6e: {  	_ =	shalt  }
0x6f: {  	_ =	shalt  }
0x70: {  	_ =	shalt  }
0x71: {  	_ =	shalt  }
0x72: {  	_ =	shalt  }
0x73: {  	_ =	shalt  }
0x74: {  	_ =	shalt  }
0x75: {  	_ =	shalt  }
0x76: {  	_ =	shalt  }
0x77: {  	_ =	shalt  }
0x78: {  	_ =	shalt  }
0x79: {  	_ =	shalt  }
0x7a: {  	_ =	shalt  }
0x7b: {  	_ =	shalt  }
0x7c: {  	_ =	shalt  }
0x7d: {  	_ =	shalt  }
0x7e: {  	_ =	shalt  }
0x7f: {  	_ =	shalt  }
0x80: {  	_ =	shalt  }
0x81: {  	_ =	shalt  }
0x82: {  	_ =	shalt  }
0x83: {  	_ =	shalt  }
0x84: {  	_ =	shalt  }
0x85: {  	_ =	shalt  }
0x86: {  	_ =	shalt  }
0x87: {  	_ =	shalt  }
.Lfunc_end0:
.L_simem_size_0:
called_computation.2_lowered:
.L_overlay_start_0:
0x88: {  	s2 =	sld [smem:$0x3FD9]  }
0x89: {  	s3 =	sld [smem:$0x3FFE];
	_ =	sdelay $0x1  }
0x8a: {  	s1 =	srdreg.scid  }
0x8b: {  	s0 =	sand.u32 $0x1, s1  }
0x8c: {  	s17 =	sshll.u32 s0, $0xA;
	s2 =	sadd.s32 s3, s2  }
0x8d: {  	s2 =	sadd.s32 s2, s17  }
0x8e: {  	[smem:$0x3FC0] =	sst s2  }
0x8f: {  	_ = 	snop  }
0x90: {  	s2 =	sld [smem:$0x3FD0];
	(tm) =	ssettm $0x1  }
0x91: {  	s18 =	sld [smem:$0x3FFB];
	_ =	sdelay $0x3  }
0x92: {  	_ =	strace s18  }
0x93: {  	s3 =	sld [smem:$0x3FFC];
	_ =	sdelay $0x3  }
0x94: {  	_ =	strace s3  }
0x95: {  	s3 =	sld [smem:$0x3FFD];
	_ =	sdelay $0x3  }
0x96: {  	_ =	strace s3  }
0x97: {  	_ =	strace $0x8FFFFFFF  }
0x98: {  	s19 =	sld [smem:$0x3FDB];
	_ =	sdelay $0x1  }
0x99: {  	s4 =	simm.s32 $_scs_section_size  }
0x9a: {  	s5 =	simm.s32 $_size__tile_overlayer_lowered;
	s6 =	simm.s32 $_tile_overlayer_lowered  }
0x9b: {  	s22 =	simm.s32 $0x1BFF;
	s21 =	sshll.u32 s6, $0x1;
	s3 =	sadd.s32 s4, s19  }
0x9c: {  	s7 =	simm.s32 $0x0;
	s20 =	sshll.u32 s5, $0x1;
	s5 =	sadd.s32 s21, s3  }
0x9d: {  	[timem:s7], [sflag:s22] =	dma.local [hbm:s5], s20  }
0x9e: {  	_ =	swait.ge [sflag:s22], s20  }
0x9f: {  	s4 =	ssub.s32 $0x0, s20;
	[sflag:s22] =	ssyncset.done $0x0  }
0xa0: {  	[sflag:s22] =	ssyncadd.s32 s4;
	_ =	sdelay $0x1  }
0xa1: {  	s23 =	simm.s32 $0x1B8B  }
0xa2: {  	_ =	swait.ge [sflag:s23], $0x1  }
0xa3: {  	[sflag:s23] =	ssyncset.done $0x0  }
0xa4: {  	s25 =	simm.s32 $0x1B8E;
	s24 =	sld [smem:$0x3FFE];
	[sflag:s23] =	ssyncadd.s32 $0xFFFFFFFF  }
0xa5: {  	s26 =	simm.s32 $execute0_lowered;
	[smem:$0x3FD2] =	sst s25  }
0xa6: {  	s5 =	sshll.u32 s26, $0x1;
	_ =	strace $0x8000004C;
	[dreg:$0x1] =	wrdreg $0xFFFFFFFF  }
0xa7: {  	s28 =	simm.s32 $_size_execute0_lowered;
	s3 =	sadd.s32 s3, s5;
	[dreg:$0x0] =	wrdreg $0x0  }
0xa8: {  	s5 =	sshll.u32 s28, $0x1;
	[dreg:$0x2] =	wrdreg s3  }
0xa9: {  	[dreg:$0x3] =	wrdreg s5  }
0xaa: {  	[dreg:$0x4] =	wrdreg $0xC0  }
0xab: {  	_ =	task [dreg:s7], $0x5FFFF  }
0xac: {  	[dreg:$0x1] =	wrdreg $0xFFFFFFFF  }
0xad: {  	[dreg:$0x0] =	wrdreg $0x60  }
0xae: {  	[dreg:$0x2] =	wrdreg s24  }
0xaf: {  	[dreg:$0x3] =	wrdreg s2  }
0xb0: {  	[dreg:$0x4] =	wrdreg $0x120000  }
0xb1: {  	[dreg:$0x5] =	wrdreg $0x170000  }
0xb2: {  	[dreg:$0x6] =	wrdreg $0x9  }
0xb3: {  	_ =	task.clear_ibuf [dreg:s7], $0x7FFFF;
	_ =	strace $0x9000004C  }
0xb4: {  	s29 =	simm.s32 $0x9;
	_ =	strace $0x8000004E  }
0xb5: {  	_ =	swait.ge [sflag:s29], $0x1  }
0xb6: {  	[sflag:s29] =	ssyncadd.s32 $0xFFFFFFFF  }
0xb7: {  	_ =	strace $0x9000004E  }
0xb8: {  	_ =	sfence  }
0xb9: {  	s30 =	sld [smem:$0x0];
	_ =	sdelay $0x2  }
0xba: {  	s31 =	sshll.u32 s1, $0xD;
	s1 =	sshrl.u32 s1, $0x2  }
0xbb: {  	s3 =	sand.u32 $0x4000, s31;
	s1 =	sadd.s32 s1, s30  }
0xbc: {  	s0 =	sor.u32 s3, s0;
	s1 =	sshll.u32 s1, $0x11  }
0xbd: {  	s0 =	sor.u32 s1, s0  }
0xbe: {  	s0 =	sadd.s32 $0x8F2B, s0  }
0xbf: {  	[sflag:s0] =	ssyncadd.remote.s32 $0x1  }
0xc0: {  	_ =	sfence.sel $0xFFFF  }
0xc1: {  	[dreg:$0x0] =	wrdreg $0xFFFFFFFF;
	(pc) =	sbr.abs _section_cstart, $3  }
0xc2: {  	[dreg:$0x1] =	wrdreg $0xFFFFFFFF  }
0xc3: {  	_ =	task.clear_ibuf [dreg:s7], $0x2FFFF;
	_ =	strace $0x9FFFFFFF  }
0xc4: {  	(tm) =	ssettm $0x7FFFFFFF  }
0xc5: {  	_ =	shalt  }
tec
execute0_lowered:
.L_overlay_start_1:
0x0: {  	(tag) =	ssettag $0x1  }
0x1: {  	s1 =	rddreg [dreg:$0x0]  }
0x2: {  	s2 =	rddreg [dreg:$0x1]  }
0x3: {  	s0 =	srdreg.scid;
	[dreg:$0x5] =	wrdreg s2  }
0x4: {  	s22 =	stileid.u32;
	s14 =	simm.s32 $0x0;
	s2 =	rddreg [dreg:$0x2]  }
0x5: {  	s6 =	sand.u32 $0x1, s0;
	s9 =	smul.u32 $0x4E20, s22;
	[smem:$0x7FF] =	sst s14  }
0x6: {  	s8 =	smul.u32 $0x5000, s22;
	[dreg:$0x10] =	wrdreg s6;
	s3 =	sshll.u32 s6, $0x4  }
0x7: {  	s6 =	smul.u32 $0x50000, s6;
	s4 =	sor.u32 s22, s3;
	s7 =	sshrl.u32 s9, $0x3  }
0x8: {  	s3 =	rddreg [dreg:$0x3];
	s5 =	smul.u32 $0x500, s4;
	s7 =	sadd.s32 s7, s1  }
0x9: {  	_ =	strace $0x8000004D;
	s6 =	sadd.s32 s8, s6;
	s23 =	sadd.s32 $0x4D600, s7  }
0xa: {  	s25 =	sadd.s32 $0x43800, s7;
	s5 =	sadd.s32 s5, s1;
	[dreg:$0x8] =	wrdreg s23  }
0xb: {  	s6 =	sshrl.u32 s6, $0x3;
	[dreg:$0xa] =	wrdreg s25;
	s10 =	sadd.s32 $0x12600, s5  }
0xc: {  	s1 =	sadd.s32 s6, s1;
	s5 =	sadd.s32 $0x3200, s5;
	[dreg:$0x6] =	wrdreg s10  }
0xd: {  	s24 =	sadd.s32 $0x57400, s1;
	[dreg:$0x7] =	wrdreg s5  }
0xe: {  	s1 =	sadd.s32 $0x6B400, s1;
	[dreg:$0x9] =	wrdreg s24  }
0xf: {  	[dreg:$0xb] =	wrdreg s1  }
0x10: {  	s5 =	simm.s32 $0x2;
	s26 =	rddreg [dreg:$0x6]  }
0x11: {  	[tilespmem:s14], [sflag:$0x2] =	stream.linear.gather [hbm4b:s26+s14], $0x2800, $0x38;
	[tilespmem:$0x1BE20] =	vst v63  }
0x12: {  	_ =	swait.ge [sflag:s5], $0x2800  }
0x13: {  	[sflag:s5] =	ssyncset.done $0x0  }
0x14: {  	s7 =	simm.s32 $0x2800;
	s28 =	rddreg [dreg:$0x7];
	[sflag:s5] =	ssyncadd.s32 $0xFFFFD800  }
0x15: {  	[tilespmem:s7], [sflag:$0x2] =	stream.linear.gather [hbm4b:s28+s14], $0x2800, $0x38;
	[tilespmem:$0x1BE20] =	vst v63  }
0x16: {  	_ =	swait.ge [sflag:s5], $0x2800  }
0x17: {  	[sflag:s5] =	ssyncset.done $0x0  }
0x18: {  	s31 =	simm.s32 $0xD000;
	s29 =	rddreg [dreg:$0x5];
	[sflag:s5] =	ssyncadd.s32 $0xFFFFD800  }
0x19: {  	[tilespmem:s31], [sflag:$0x2] =	stream.linear.gather [hbm4b:s29+s14], $0x5000, $0x38;
	[tilespmem:$0x1BE20] =	vst v63  }
0x1a: {  	_ =	swait.ge [sflag:s5], $0x5000  }
0x1b: {  	[sflag:s5] =	ssyncset.done $0x0  }
0x1c: {  	s8 =	sadd.s32 s8, s2;
	[sflag:s5] =	ssyncadd.s32 $0xFFFFB000  }
0x1d: {  	[spmem:s8] =	stream.linear.scatter [tilespmem:s31], [sflag:$0x2], $0x5000, $0x38;
	[tilespmem:$0x1BE20] =	vst v63  }
0x1e: {  	s4 =	sadd.s32 s9, s3;
	_ =	swait.ge [sflag:s5], $0x5000  }
0x1f: {  	s4 =	sshrl.u32 s4, $0x3;
	s6 =	sshll.u32 s22, $0x6;
	[sflag:s5] =	ssyncset.done $0x0  }
0x20: {  	s15 =	sor.u32 $0x1C02, s6;
	s30 =	rddreg [dreg:$0x8];
	[sflag:s5] =	ssyncadd.s32 $0xFFFFB000  }
0x21: {  	[spmem:s4], [sflag:s15] =	dma.local [hbm:s30], $0x9C4  }
0x22: {  	_ =	swait.ge [sflag:s5], $0x9C4  }
0x23: {  	[sflag:s5] =	ssyncset.done $0x0  }
0x24: {  	s11 =	simm.s32 $0x400;
	[sflag:s5] =	ssyncadd.s32 $0xFFFFF63C  }
0x25: {  	s12 =	simm.s32 $0x5000;
	s13 =	simm.s32 $0x1;
	[bflag:$0x0] =	sbarrier.arrive $0xFFFF  }
0x26: {  	[tilespmem:s12], [sflag:$0x1] =	stream.indirect.gather [spmem:s3], $0x20, s14, s11, $0xb8;
	[tilespmem:$0x1BE20] =	vst v63  }
0x27: {  	_ =	swait.ge [sflag:s13], $0x8000  }
0x28: {  	[sflag:s13] =	ssyncset.done $0x0  }
0x29: {  	[sflag:s13] =	ssyncadd.s32 $0xFFFF8000  }
0x2a: {  	[spmem:s2] =	stream.indirect.scatter.add.f32 [tilespmem:s12], [sflag:$0x2], $0x20, s7, s11, $0xb8;
	[tilespmem:$0x1BE20] =	vst v63  }
0x2b: {  	_ =	swait.ge [sflag:s5], $0x8000  }
0x2c: {  	[sflag:s5] =	ssyncset.done $0x0  }
0x2d: {  	[sflag:s5] =	ssyncadd.s32 $0xFFFF8000  }
0x2e: {  	[tilespmem:s12], [sflag:$0x1] =	stream.indirect.gather [spmem:s3], $0x20, s11, s11, $0xb8;
	[tilespmem:$0x1BE20] =	vst v63  }
0x2f: {  	_ =	swait.ge [sflag:s13], $0x8000  }
0x30: {  	[sflag:s13] =	ssyncset.done $0x0  }
0x31: {  	s1 =	simm.s32 $0x2C00;
	[sflag:s13] =	ssyncadd.s32 $0xFFFF8000  }
0x32: {  	[spmem:s2] =	stream.indirect.scatter.add.f32 [tilespmem:s12], [sflag:$0x2], $0x20, s1, s11, $0xb8;
	[tilespmem:$0x1BE20] =	vst v63  }
0x33: {  	_ =	swait.ge [sflag:s5], $0x8000  }
0x34: {  	[sflag:s5] =	ssyncset.done $0x0  }
0x35: {  	s10 =	simm.s32 $0x800;
	[sflag:s5] =	ssyncadd.s32 $0xFFFF8000  }
0x36: {  	[tilespmem:s12], [sflag:$0x1] =	stream.indirect.gather [spmem:s3], $0x20, s10, s11, $0xb8;
	[tilespmem:$0x1BE20] =	vst v63  }
0x37: {  	_ =	swait.ge [sflag:s13], $0x8000  }
0x38: {  	[sflag:s13] =	ssyncset.done $0x0  }
0x39: {  	s16 =	simm.s32 $0x3000;
	[sflag:s13] =	ssyncadd.s32 $0xFFFF8000  }
0x3a: {  	[spmem:s2] =	stream.indirect.scatter.add.f32 [tilespmem:s12], [sflag:$0x2], $0x20, s16, s11, $0xb8;
	[tilespmem:$0x1BE20] =	vst v63  }
0x3b: {  	_ =	swait.ge [sflag:s5], $0x8000  }
0x3c: {  	[sflag:s5] =	ssyncset.done $0x0  }
0x3d: {  	s17 =	simm.s32 $0xC00;
	[sflag:s5] =	ssyncadd.s32 $0xFFFF8000  }
0x3e: {  	[tilespmem:s12], [sflag:$0x1] =	stream.indirect.gather [spmem:s3], $0x20, s17, s11, $0xb8;
	[tilespmem:$0x1BE20] =	vst v63  }
0x3f: {  	_ =	swait.ge [sflag:s13], $0x8000  }
0x40: {  	[sflag:s13] =	ssyncset.done $0x0  }
0x41: {  	s18 =	simm.s32 $0x3400;
	[sflag:s13] =	ssyncadd.s32 $0xFFFF8000  }
0x42: {  	[spmem:s2] =	stream.indirect.scatter.add.f32 [tilespmem:s12], [sflag:$0x2], $0x20, s18, s11, $0xb8;
	[tilespmem:$0x1BE20] =	vst v63  }
0x43: {  	_ =	swait.ge [sflag:s5], $0x8000  }
0x44: {  	[sflag:s5] =	ssyncset.done $0x0  }
0x45: {  	s19 =	simm.s32 $0x1000;
	[sflag:s5] =	ssyncadd.s32 $0xFFFF8000  }
0x46: {  	[tilespmem:s12], [sflag:$0x1] =	stream.indirect.gather [spmem:s3], $0x20, s19, s11, $0xb8;
	[tilespmem:$0x1BE20] =	vst v63  }
0x47: {  	_ =	swait.ge [sflag:s13], $0x8000  }
0x48: {  	[sflag:s13] =	ssyncset.done $0x0  }
0x49: {  	s20 =	simm.s32 $0x3800;
	[sflag:s13] =	ssyncadd.s32 $0xFFFF8000  }
0x4a: {  	[spmem:s2] =	stream.indirect.scatter.add.f32 [tilespmem:s12], [sflag:$0x2], $0x20, s20, s11, $0xb8;
	[tilespmem:$0x1BE20] =	vst v63  }
0x4b: {  	_ =	swait.ge [sflag:s5], $0x8000  }
0x4c: {  	[sflag:s5] =	ssyncset.done $0x0  }
0x4d: {  	s21 =	simm.s32 $0x1400;
	[sflag:s5] =	ssyncadd.s32 $0xFFFF8000  }
0x4e: {  	[tilespmem:s12], [sflag:$0x1] =	stream.indirect.gather [spmem:s3], $0x20, s21, s11, $0xb8;
	[tilespmem:$0x1BE20] =	vst v63  }
0x4f: {  	_ =	swait.ge [sflag:s13], $0x8000  }
0x50: {  	[sflag:s13] =	ssyncset.done $0x0  }
0x51: {  	s22 =	simm.s32 $0x3C00;
	[sflag:s13] =	ssyncadd.s32 $0xFFFF8000  }
0x52: {  	[spmem:s2] =	stream.indirect.scatter.add.f32 [tilespmem:s12], [sflag:$0x2], $0x20, s22, s11, $0xb8;
	[tilespmem:$0x1BE20] =	vst v63  }
0x53: {  	_ =	swait.ge [sflag:s5], $0x8000  }
0x54: {  	[sflag:s5] =	ssyncset.done $0x0  }
0x55: {  	s23 =	simm.s32 $0x1800;
	[sflag:s5] =	ssyncadd.s32 $0xFFFF8000  }
0x56: {  	[tilespmem:s12], [sflag:$0x1] =	stream.indirect.gather [spmem:s3], $0x20, s23, s11, $0xb8;
	[tilespmem:$0x1BE20] =	vst v63  }
0x57: {  	_ =	swait.ge [sflag:s13], $0x8000  }
0x58: {  	[sflag:s13] =	ssyncset.done $0x0  }
0x59: {  	s24 =	simm.s32 $0x4000;
	[sflag:s13] =	ssyncadd.s32 $0xFFFF8000  }
0x5a: {  	[spmem:s2] =	stream.indirect.scatter.add.f32 [tilespmem:s12], [sflag:$0x2], $0x20, s24, s11, $0xb8;
	[tilespmem:$0x1BE20] =	vst v63  }
0x5b: {  	_ =	swait.ge [sflag:s5], $0x8000  }
0x5c: {  	[sflag:s5] =	ssyncset.done $0x0  }
0x5d: {  	s25 =	simm.s32 $0x1C00;
	[sflag:s5] =	ssyncadd.s32 $0xFFFF8000  }
0x5e: {  	[tilespmem:s12], [sflag:$0x1] =	stream.indirect.gather [spmem:s3], $0x20, s25, s11, $0xb8;
	[tilespmem:$0x1BE20] =	vst v63  }
0x5f: {  	_ =	swait.ge [sflag:s13], $0x8000  }
0x60: {  	[sflag:s13] =	ssyncset.done $0x0  }
0x61: {  	s26 =	simm.s32 $0x4400;
	[sflag:s13] =	ssyncadd.s32 $0xFFFF8000  }
0x62: {  	[spmem:s2] =	stream.indirect.scatter.add.f32 [tilespmem:s12], [sflag:$0x2], $0x20, s26, s11, $0xb8;
	[tilespmem:$0x1BE20] =	vst v63  }
0x63: {  	_ =	swait.ge [sflag:s5], $0x8000  }
0x64: {  	[sflag:s5] =	ssyncset.done $0x0  }
0x65: {  	s28 =	simm.s32 $0x2000;
	[sflag:s5] =	ssyncadd.s32 $0xFFFF8000  }
0x66: {  	[tilespmem:s12], [sflag:$0x1] =	stream.indirect.gather [spmem:s3], $0x20, s28, s11, $0xb8;
	[tilespmem:$0x1BE20] =	vst v63  }
0x67: {  	_ =	swait.ge [sflag:s13], $0x8000  }
0x68: {  	[sflag:s13] =	ssyncset.done $0x0  }
0x69: {  	s29 =	simm.s32 $0x4800;
	[sflag:s13] =	ssyncadd.s32 $0xFFFF8000  }
0x6a: {  	[spmem:s2] =	stream.indirect.scatter.add.f32 [tilespmem:s12], [sflag:$0x2], $0x20, s29, s11, $0xb8;
	[tilespmem:$0x1BE20] =	vst v63  }
0x6b: {  	_ =	swait.ge [sflag:s5], $0x8000  }
0x6c: {  	[sflag:s5] =	ssyncset.done $0x0  }
0x6d: {  	s30 =	simm.s32 $0x2400;
	[sflag:s5] =	ssyncadd.s32 $0xFFFF8000  }
0x6e: {  	[tilespmem:s12], [sflag:$0x1] =	stream.indirect.gather [spmem:s3], $0x20, s30, s11, $0xb8;
	[tilespmem:$0x1BE20] =	vst v63  }
0x6f: {  	_ =	swait.ge [sflag:s13], $0x8000  }
0x70: {  	[sflag:s13] =	ssyncset.done $0x0  }
0x71: {  	s6 =	simm.s32 $0x4C00;
	[sflag:s13] =	ssyncadd.s32 $0xFFFF8000  }
0x72: {  	[spmem:s2] =	stream.indirect.scatter.add.f32 [tilespmem:s12], [sflag:$0x2], $0x20, s6, s11, $0xb8;
	[tilespmem:$0x1BE20] =	vst v63  }
0x73: {  	_ =	swait.ge [sflag:s5], $0x8000  }
0x74: {  	[sflag:s5] =	ssyncset.done $0x0  }
0x75: {  	[sflag:s5] =	ssyncadd.s32 $0xFFFF8000  }
0x76: {  	[bflag:$0x0] =	sbarrier.arrive $0xFFFF  }
0x77: {  	s9 =	sshrl.u32 s8, $0x3;
	s0 =	rddreg [dreg:$0x9]  }
0x78: {  	[hbm:s0], [sflag:s15] =	dma.local [spmem:s9], $0xA00  }
0x79: {  	_ =	swait.ge [sflag:s5], $0xA00  }
0x7a: {  	[sflag:s5] =	ssyncset.done $0x0  }
0x7b: {  	[dreg:$0xc] =	wrdreg s8;
	[sflag:s5] =	ssyncadd.s32 $0xFFFFF600  }
0x7c: {  	[spmem:s8] =	stream.linear.scatter [tilespmem:s31], [sflag:$0x2], $0x5000, $0x38;
	[tilespmem:$0x1BE20] =	vst v63  }
0x7d: {  	_ =	swait.ge [sflag:s5], $0x5000  }
0x7e: {  	[dreg:$0xd] =	wrdreg s4;
	[sflag:s5] =	ssyncset.done $0x0  }
0x7f: {  	s8 =	rddreg [dreg:$0xa];
	[sflag:s5] =	ssyncadd.s32 $0xFFFFB000  }
0x80: {  	[spmem:s4], [sflag:s15] =	dma.local [hbm:s8], $0x9C4  }
0x81: {  	_ =	swait.ge [sflag:s5], $0x9C4  }
0x82: {  	[sflag:s5] =	ssyncset.done $0x0  }
0x83: {  	[sflag:s5] =	ssyncadd.s32 $0xFFFFF63C  }
0x84: {  	[bflag:$0x0] =	sbarrier.arrive $0xFFFF  }
0x85: {  	[tilespmem:s12], [sflag:$0x1] =	stream.indirect.gather [spmem:s3], $0x20, s14, s11, $0xb8;
	[tilespmem:$0x1BE20] =	vst v63  }
0x86: {  	_ =	swait.ge [sflag:s13], $0x8000  }
0x87: {  	[sflag:s13] =	ssyncset.done $0x0  }
0x88: {  	[sflag:s13] =	ssyncadd.s32 $0xFFFF8000  }
0x89: {  	[spmem:s2] =	stream.indirect.scatter.add.f32 [tilespmem:s12], [sflag:$0x2], $0x20, s7, s11, $0xb8;
	[tilespmem:$0x1BE20] =	vst v63  }
0x8a: {  	_ =	swait.ge [sflag:s5], $0x8000  }
0x8b: {  	[sflag:s5] =	ssyncset.done $0x0  }
0x8c: {  	[sflag:s5] =	ssyncadd.s32 $0xFFFF8000  }
0x8d: {  	[tilespmem:s12], [sflag:$0x1] =	stream.indirect.gather [spmem:s3], $0x20, s11, s11, $0xb8;
	[tilespmem:$0x1BE20] =	vst v63  }
0x8e: {  	_ =	swait.ge [sflag:s13], $0x8000  }
0x8f: {  	[sflag:s13] =	ssyncset.done $0x0  }
0x90: {  	[sflag:s13] =	ssyncadd.s32 $0xFFFF8000  }
0x91: {  	[spmem:s2] =	stream.indirect.scatter.add.f32 [tilespmem:s12], [sflag:$0x2], $0x20, s1, s11, $0xb8;
	[tilespmem:$0x1BE20] =	vst v63  }
0x92: {  	_ =	swait.ge [sflag:s5], $0x8000  }
0x93: {  	[sflag:s5] =	ssyncset.done $0x0  }
0x94: {  	[sflag:s5] =	ssyncadd.s32 $0xFFFF8000  }
0x95: {  	[tilespmem:s12], [sflag:$0x1] =	stream.indirect.gather [spmem:s3], $0x20, s10, s11, $0xb8;
	[tilespmem:$0x1BE20] =	vst v63  }
0x96: {  	_ =	swait.ge [sflag:s13], $0x8000  }
0x97: {  	[sflag:s13] =	ssyncset.done $0x0  }
0x98: {  	[sflag:s13] =	ssyncadd.s32 $0xFFFF8000  }
0x99: {  	[spmem:s2] =	stream.indirect.scatter.add.f32 [tilespmem:s12], [sflag:$0x2], $0x20, s16, s11, $0xb8;
	[tilespmem:$0x1BE20] =	vst v63  }
0x9a: {  	_ =	swait.ge [sflag:s5], $0x8000  }
0x9b: {  	[sflag:s5] =	ssyncset.done $0x0  }
0x9c: {  	[sflag:s5] =	ssyncadd.s32 $0xFFFF8000  }
0x9d: {  	[tilespmem:s12], [sflag:$0x1] =	stream.indirect.gather [spmem:s3], $0x20, s17, s11, $0xb8;
	[tilespmem:$0x1BE20] =	vst v63  }
0x9e: {  	_ =	swait.ge [sflag:s13], $0x8000  }
0x9f: {  	[sflag:s13] =	ssyncset.done $0x0  }
0xa0: {  	[sflag:s13] =	ssyncadd.s32 $0xFFFF8000  }
0xa1: {  	[spmem:s2] =	stream.indirect.scatter.add.f32 [tilespmem:s12], [sflag:$0x2], $0x20, s18, s11, $0xb8;
	[tilespmem:$0x1BE20] =	vst v63  }
0xa2: {  	_ =	swait.ge [sflag:s5], $0x8000  }
0xa3: {  	[sflag:s5] =	ssyncset.done $0x0  }
0xa4: {  	[sflag:s5] =	ssyncadd.s32 $0xFFFF8000  }
0xa5: {  	[tilespmem:s12], [sflag:$0x1] =	stream.indirect.gather [spmem:s3], $0x20, s19, s11, $0xb8;
	[tilespmem:$0x1BE20] =	vst v63  }
0xa6: {  	_ =	swait.ge [sflag:s13], $0x8000  }
0xa7: {  	[sflag:s13] =	ssyncset.done $0x0  }
0xa8: {  	[sflag:s13] =	ssyncadd.s32 $0xFFFF8000  }
0xa9: {  	[spmem:s2] =	stream.indirect.scatter.add.f32 [tilespmem:s12], [sflag:$0x2], $0x20, s20, s11, $0xb8;
	[tilespmem:$0x1BE20] =	vst v63  }
0xaa: {  	_ =	swait.ge [sflag:s5], $0x8000  }
0xab: {  	[sflag:s5] =	ssyncset.done $0x0  }
0xac: {  	[sflag:s5] =	ssyncadd.s32 $0xFFFF8000  }
0xad: {  	[tilespmem:s12], [sflag:$0x1] =	stream.indirect.gather [spmem:s3], $0x20, s21, s11, $0xb8;
	[tilespmem:$0x1BE20] =	vst v63  }
0xae: {  	_ =	swait.ge [sflag:s13], $0x8000  }
0xaf: {  	[sflag:s13] =	ssyncset.done $0x0  }
0xb0: {  	[sflag:s13] =	ssyncadd.s32 $0xFFFF8000  }
0xb1: {  	[spmem:s2] =	stream.indirect.scatter.add.f32 [tilespmem:s12], [sflag:$0x2], $0x20, s22, s11, $0xb8;
	[tilespmem:$0x1BE20] =	vst v63  }
0xb2: {  	_ =	swait.ge [sflag:s5], $0x8000  }
0xb3: {  	[sflag:s5] =	ssyncset.done $0x0  }
0xb4: {  	[sflag:s5] =	ssyncadd.s32 $0xFFFF8000  }
0xb5: {  	[tilespmem:s12], [sflag:$0x1] =	stream.indirect.gather [spmem:s3], $0x20, s23, s11, $0xb8;
	[tilespmem:$0x1BE20] =	vst v63  }
0xb6: {  	_ =	swait.ge [sflag:s13], $0x8000  }
0xb7: {  	[sflag:s13] =	ssyncset.done $0x0  }
0xb8: {  	[sflag:s13] =	ssyncadd.s32 $0xFFFF8000  }
0xb9: {  	[spmem:s2] =	stream.indirect.scatter.add.f32 [tilespmem:s12], [sflag:$0x2], $0x20, s24, s11, $0xb8;
	[tilespmem:$0x1BE20] =	vst v63  }
0xba: {  	_ =	swait.ge [sflag:s5], $0x8000  }
0xbb: {  	[sflag:s5] =	ssyncset.done $0x0  }
0xbc: {  	[sflag:s5] =	ssyncadd.s32 $0xFFFF8000  }
0xbd: {  	[tilespmem:s12], [sflag:$0x1] =	stream.indirect.gather [spmem:s3], $0x20, s25, s11, $0xb8;
	[tilespmem:$0x1BE20] =	vst v63  }
0xbe: {  	_ =	swait.ge [sflag:s13], $0x8000  }
0xbf: {  	[sflag:s13] =	ssyncset.done $0x0  }
0xc0: {  	[sflag:s13] =	ssyncadd.s32 $0xFFFF8000  }
0xc1: {  	[spmem:s2] =	stream.indirect.scatter.add.f32 [tilespmem:s12], [sflag:$0x2], $0x20, s26, s11, $0xb8;
	[tilespmem:$0x1BE20] =	vst v63  }
0xc2: {  	_ =	swait.ge [sflag:s5], $0x8000  }
0xc3: {  	[sflag:s5] =	ssyncset.done $0x0  }
0xc4: {  	[sflag:s5] =	ssyncadd.s32 $0xFFFF8000  }
0xc5: {  	[tilespmem:s12], [sflag:$0x1] =	stream.indirect.gather [spmem:s3], $0x20, s28, s11, $0xb8;
	[tilespmem:$0x1BE20] =	vst v63  }
0xc6: {  	_ =	swait.ge [sflag:s13], $0x8000  }
0xc7: {  	[sflag:s13] =	ssyncset.done $0x0  }
0xc8: {  	[sflag:s13] =	ssyncadd.s32 $0xFFFF8000  }
0xc9: {  	[spmem:s2] =	stream.indirect.scatter.add.f32 [tilespmem:s12], [sflag:$0x2], $0x20, s29, s11, $0xb8;
	[tilespmem:$0x1BE20] =	vst v63  }
0xca: {  	_ =	swait.ge [sflag:s5], $0x8000  }
0xcb: {  	[sflag:s5] =	ssyncset.done $0x0  }
0xcc: {  	[sflag:s5] =	ssyncadd.s32 $0xFFFF8000  }
0xcd: {  	[tilespmem:s12], [sflag:$0x1] =	stream.indirect.gather [spmem:s3], $0x20, s30, s11, $0xb8;
	[tilespmem:$0x1BE20] =	vst v63  }
0xce: {  	_ =	swait.ge [sflag:s13], $0x8000  }
0xcf: {  	[sflag:s13] =	ssyncset.done $0x0  }
0xd0: {  	[sflag:s13] =	ssyncadd.s32 $0xFFFF8000  }
0xd1: {  	[spmem:s2] =	stream.indirect.scatter.add.f32 [tilespmem:s12], [sflag:$0x2], $0x20, s6, s11, $0xb8;
	[tilespmem:$0x1BE20] =	vst v63  }
0xd2: {  	_ =	swait.ge [sflag:s5], $0x8000  }
0xd3: {  	[sflag:s5] =	ssyncset.done $0x0  }
0xd4: {  	[sflag:s5] =	ssyncadd.s32 $0xFFFF8000  }
0xd5: {  	[bflag:$0x0] =	sbarrier.arrive $0xFFFF  }
0xd6: {  	s29 =	rddreg [dreg:$0x10]  }
0xd7: {  	s30 =	ssub.s32 $0x2, s29  }
0xd8: {  	s0 =	sshrl.u32 s30, $0x1  }
0xd9: {  	s0 =	ssub.s32 s30, s0  }
0xda: {  	s0 =	smax.u32 s0, $0x1  }
0xdb: {  	p0 =	sne.s32 s0, $0x1  }
.Ltmp0:
0xdc: {  	s31 =	rddreg [dreg:$0xb];
	(pc) =	sbr.rel @!p0 .LBB2_3-.Ltmp0, $4  }
0xdd: {  	[dreg:$0xe] =	wrdreg s9  }
0xde: {  	[dreg:$0xf] =	wrdreg s15  }
0xdf: {  	[hbm:s31], [sflag:s15] =	dma.local [spmem:s9], $0xA00  }
0xe0: {  	_ =	swait.ge [sflag:s5], $0xA00;
	s0 =	sadd.s32 $0xFFFFFFFF, s0  }
0xe1: {  	s6 =	simm.s32 $0x0  }
0xe2: {  	s7 =	simm.s32 $0x2800;
	s8 =	simm.s32 $0xD000;
	s15 =	simm.s32 $0x2C00  }
0xe3: {  	s16 =	simm.s32 $0x800;
	s17 =	simm.s32 $0x3000;
	s18 =	simm.s32 $0xC00  }
0xe4: {  	s19 =	simm.s32 $0x3400;
	s20 =	simm.s32 $0x1000;
	s21 =	simm.s32 $0x3800  }
0xe5: {  	s22 =	simm.s32 $0x1400;
	s23 =	simm.s32 $0x3C00;
	s24 =	simm.s32 $0x1800  }
0xe6: {  	s25 =	simm.s32 $0x4000;
	s26 =	simm.s32 $0x1C00;
	s28 =	simm.s32 $0x4400  }
0xe7: {  	s29 =	simm.s32 $0x2000;
	s30 =	simm.s32 $0x4800;
	s31 =	simm.s32 $0x2400  }
.LBB2_2:
0xe8: {  	[sflag:s5] =	ssyncset.done $0x0  }
0xe9: {  	s14 =	rddreg [dreg:$0x6];
	[sflag:s5] =	ssyncadd.s32 $0xFFFFF600  }
0xea: {  	[tilespmem:s6], [sflag:$0x2] =	stream.linear.gather [hbm4b:s14+s6], $0x2800, $0x38;
	[tilespmem:$0x1BE20] =	vst v63  }
0xeb: {  	_ =	swait.ge [sflag:s5], $0x2800  }
0xec: {  	[sflag:s5] =	ssyncset.done $0x0  }
0xed: {  	s1 =	rddreg [dreg:$0x7];
	[sflag:s5] =	ssyncadd.s32 $0xFFFFD800  }
0xee: {  	[tilespmem:s7], [sflag:$0x2] =	stream.linear.gather [hbm4b:s1+s6], $0x2800, $0x38;
	[tilespmem:$0x1BE20] =	vst v63  }
0xef: {  	_ =	swait.ge [sflag:s5], $0x2800  }
0xf0: {  	[sflag:s5] =	ssyncset.done $0x0  }
0xf1: {  	s4 =	rddreg [dreg:$0x5];
	[sflag:s5] =	ssyncadd.s32 $0xFFFFD800  }
0xf2: {  	[tilespmem:s8], [sflag:$0x2] =	stream.linear.gather [hbm4b:s4+s6], $0x5000, $0x38;
	[tilespmem:$0x1BE20] =	vst v63  }
0xf3: {  	_ =	swait.ge [sflag:s5], $0x5000  }
0xf4: {  	[sflag:s5] =	ssyncset.done $0x0  }
0xf5: {  	s10 =	rddreg [dreg:$0xc];
	[sflag:s5] =	ssyncadd.s32 $0xFFFFB000  }
0xf6: {  	[spmem:s10] =	stream.linear.scatter [tilespmem:s8], [sflag:$0x2], $0x5000, $0x38;
	[tilespmem:$0x1BE20] =	vst v63  }
0xf7: {  	_ =	swait.ge [sflag:s5], $0x5000  }
0xf8: {  	s9 =	rddreg [dreg:$0x8]  }
0xf9: {  	[sflag:s5] =	ssyncset.done $0x0;
	s4 =	rddreg [dreg:$0xd]  }
0xfa: {  	s1 =	rddreg [dreg:$0xf];
	[sflag:s5] =	ssyncadd.s32 $0xFFFFB000  }
0xfb: {  	[spmem:s4], [sflag:s1] =	dma.local [hbm:s9], $0x9C4  }
0xfc: {  	_ =	swait.ge [sflag:s5], $0x9C4  }
0xfd: {  	[sflag:s5] =	ssyncset.done $0x0  }
0xfe: {  	[sflag:s5] =	ssyncadd.s32 $0xFFFFF63C  }
0xff: {  	[bflag:$0x0] =	sbarrier.arrive $0xFFFF  }
0x100: {  	[tilespmem:s12], [sflag:$0x1] =	stream.indirect.gather [spmem:s3], $0x20, s6, s11, $0xb8;
	[tilespmem:$0x1BE20] =	vst v63  }
0x101: {  	_ =	swait.ge [sflag:s13], $0x8000  }
0x102: {  	[sflag:s13] =	ssyncset.done $0x0  }
0x103: {  	[sflag:s13] =	ssyncadd.s32 $0xFFFF8000  }
0x104: {  	[spmem:s2] =	stream.indirect.scatter.add.f32 [tilespmem:s12], [sflag:$0x2], $0x20, s7, s11, $0xb8;
	[tilespmem:$0x1BE20] =	vst v63  }
0x105: {  	_ =	swait.ge [sflag:s5], $0x8000  }
0x106: {  	[sflag:s5] =	ssyncset.done $0x0  }
0x107: {  	[sflag:s5] =	ssyncadd.s32 $0xFFFF8000  }
0x108: {  	[tilespmem:s12], [sflag:$0x1] =	stream.indirect.gather [spmem:s3], $0x20, s11, s11, $0xb8;
	[tilespmem:$0x1BE20] =	vst v63  }
0x109: {  	_ =	swait.ge [sflag:s13], $0x8000  }
0x10a: {  	[sflag:s13] =	ssyncset.done $0x0  }
0x10b: {  	[sflag:s13] =	ssyncadd.s32 $0xFFFF8000  }
0x10c: {  	[spmem:s2] =	stream.indirect.scatter.add.f32 [tilespmem:s12], [sflag:$0x2], $0x20, s15, s11, $0xb8;
	[tilespmem:$0x1BE20] =	vst v63  }
0x10d: {  	_ =	swait.ge [sflag:s5], $0x8000  }
0x10e: {  	[sflag:s5] =	ssyncset.done $0x0  }
0x10f: {  	[sflag:s5] =	ssyncadd.s32 $0xFFFF8000  }
0x110: {  	[tilespmem:s12], [sflag:$0x1] =	stream.indirect.gather [spmem:s3], $0x20, s16, s11, $0xb8;
	[tilespmem:$0x1BE20] =	vst v63  }
0x111: {  	_ =	swait.ge [sflag:s13], $0x8000  }
0x112: {  	[sflag:s13] =	ssyncset.done $0x0  }
0x113: {  	[sflag:s13] =	ssyncadd.s32 $0xFFFF8000  }
0x114: {  	[spmem:s2] =	stream.indirect.scatter.add.f32 [tilespmem:s12], [sflag:$0x2], $0x20, s17, s11, $0xb8;
	[tilespmem:$0x1BE20] =	vst v63  }
0x115: {  	_ =	swait.ge [sflag:s5], $0x8000  }
0x116: {  	[sflag:s5] =	ssyncset.done $0x0  }
0x117: {  	[sflag:s5] =	ssyncadd.s32 $0xFFFF8000  }
0x118: {  	[tilespmem:s12], [sflag:$0x1] =	stream.indirect.gather [spmem:s3], $0x20, s18, s11, $0xb8;
	[tilespmem:$0x1BE20] =	vst v63  }
0x119: {  	_ =	swait.ge [sflag:s13], $0x8000  }
0x11a: {  	[sflag:s13] =	ssyncset.done $0x0  }
0x11b: {  	[sflag:s13] =	ssyncadd.s32 $0xFFFF8000  }
0x11c: {  	[spmem:s2] =	stream.indirect.scatter.add.f32 [tilespmem:s12], [sflag:$0x2], $0x20, s19, s11, $0xb8;
	[tilespmem:$0x1BE20] =	vst v63  }
0x11d: {  	_ =	swait.ge [sflag:s5], $0x8000  }
0x11e: {  	[sflag:s5] =	ssyncset.done $0x0  }
0x11f: {  	[sflag:s5] =	ssyncadd.s32 $0xFFFF8000  }
0x120: {  	[tilespmem:s12], [sflag:$0x1] =	stream.indirect.gather [spmem:s3], $0x20, s20, s11, $0xb8;
	[tilespmem:$0x1BE20] =	vst v63  }
0x121: {  	_ =	swait.ge [sflag:s13], $0x8000  }
0x122: {  	[sflag:s13] =	ssyncset.done $0x0  }
0x123: {  	[sflag:s13] =	ssyncadd.s32 $0xFFFF8000  }
0x124: {  	[spmem:s2] =	stream.indirect.scatter.add.f32 [tilespmem:s12], [sflag:$0x2], $0x20, s21, s11, $0xb8;
	[tilespmem:$0x1BE20] =	vst v63  }
0x125: {  	_ =	swait.ge [sflag:s5], $0x8000  }
0x126: {  	[sflag:s5] =	ssyncset.done $0x0  }
0x127: {  	[sflag:s5] =	ssyncadd.s32 $0xFFFF8000  }
0x128: {  	[tilespmem:s12], [sflag:$0x1] =	stream.indirect.gather [spmem:s3], $0x20, s22, s11, $0xb8;
	[tilespmem:$0x1BE20] =	vst v63  }
0x129: {  	_ =	swait.ge [sflag:s13], $0x8000  }
0x12a: {  	[sflag:s13] =	ssyncset.done $0x0  }
0x12b: {  	[sflag:s13] =	ssyncadd.s32 $0xFFFF8000  }
0x12c: {  	[spmem:s2] =	stream.indirect.scatter.add.f32 [tilespmem:s12], [sflag:$0x2], $0x20, s23, s11, $0xb8;
	[tilespmem:$0x1BE20] =	vst v63  }
0x12d: {  	_ =	swait.ge [sflag:s5], $0x8000  }
0x12e: {  	[sflag:s5] =	ssyncset.done $0x0  }
0x12f: {  	[sflag:s5] =	ssyncadd.s32 $0xFFFF8000  }
0x130: {  	[tilespmem:s12], [sflag:$0x1] =	stream.indirect.gather [spmem:s3], $0x20, s24, s11, $0xb8;
	[tilespmem:$0x1BE20] =	vst v63  }
0x131: {  	_ =	swait.ge [sflag:s13], $0x8000  }
0x132: {  	[sflag:s13] =	ssyncset.done $0x0  }
0x133: {  	[sflag:s13] =	ssyncadd.s32 $0xFFFF8000  }
0x134: {  	[spmem:s2] =	stream.indirect.scatter.add.f32 [tilespmem:s12], [sflag:$0x2], $0x20, s25, s11, $0xb8;
	[tilespmem:$0x1BE20] =	vst v63  }
0x135: {  	_ =	swait.ge [sflag:s5], $0x8000  }
0x136: {  	[sflag:s5] =	ssyncset.done $0x0  }
0x137: {  	[sflag:s5] =	ssyncadd.s32 $0xFFFF8000  }
0x138: {  	[tilespmem:s12], [sflag:$0x1] =	stream.indirect.gather [spmem:s3], $0x20, s26, s11, $0xb8;
	[tilespmem:$0x1BE20] =	vst v63  }
0x139: {  	_ =	swait.ge [sflag:s13], $0x8000  }
0x13a: {  	[sflag:s13] =	ssyncset.done $0x0  }
0x13b: {  	[sflag:s13] =	ssyncadd.s32 $0xFFFF8000  }
0x13c: {  	[spmem:s2] =	stream.indirect.scatter.add.f32 [tilespmem:s12], [sflag:$0x2], $0x20, s28, s11, $0xb8;
	[tilespmem:$0x1BE20] =	vst v63  }
0x13d: {  	_ =	swait.ge [sflag:s5], $0x8000  }
0x13e: {  	[sflag:s5] =	ssyncset.done $0x0  }
0x13f: {  	[sflag:s5] =	ssyncadd.s32 $0xFFFF8000  }
0x140: {  	[tilespmem:s12], [sflag:$0x1] =	stream.indirect.gather [spmem:s3], $0x20, s29, s11, $0xb8;
	[tilespmem:$0x1BE20] =	vst v63  }
0x141: {  	_ =	swait.ge [sflag:s13], $0x8000  }
0x142: {  	[sflag:s13] =	ssyncset.done $0x0  }
0x143: {  	[sflag:s13] =	ssyncadd.s32 $0xFFFF8000  }
0x144: {  	[spmem:s2] =	stream.indirect.scatter.add.f32 [tilespmem:s12], [sflag:$0x2], $0x20, s30, s11, $0xb8;
	[tilespmem:$0x1BE20] =	vst v63  }
0x145: {  	_ =	swait.ge [sflag:s5], $0x8000  }
0x146: {  	[sflag:s5] =	ssyncset.done $0x0  }
0x147: {  	[sflag:s5] =	ssyncadd.s32 $0xFFFF8000  }
0x148: {  	[tilespmem:s12], [sflag:$0x1] =	stream.indirect.gather [spmem:s3], $0x20, s31, s11, $0xb8;
	[tilespmem:$0x1BE20] =	vst v63  }
0x149: {  	_ =	swait.ge [sflag:s13], $0x8000  }
0x14a: {  	[sflag:s13] =	ssyncset.done $0x0  }
0x14b: {  	s9 =	simm.s32 $0x4C00;
	[sflag:s13] =	ssyncadd.s32 $0xFFFF8000  }
0x14c: {  	[spmem:s2] =	stream.indirect.scatter.add.f32 [tilespmem:s12], [sflag:$0x2], $0x20, s9, s11, $0xb8;
	[tilespmem:$0x1BE20] =	vst v63  }
0x14d: {  	_ =	swait.ge [sflag:s5], $0x8000  }
0x14e: {  	[sflag:s5] =	ssyncset.done $0x0  }
0x14f: {  	[sflag:s5] =	ssyncadd.s32 $0xFFFF8000  }
0x150: {  	[bflag:$0x0] =	sbarrier.arrive $0xFFFF  }
0x151: {  	s14 =	rddreg [dreg:$0x9]  }
0x152: {  	s9 =	rddreg [dreg:$0xe]  }
0x153: {  	[hbm:s14], [sflag:s1] =	dma.local [spmem:s9], $0xA00  }
0x154: {  	_ =	swait.ge [sflag:s5], $0xA00  }
0x155: {  	[sflag:s5] =	ssyncset.done $0x0  }
0x156: {  	[sflag:s5] =	ssyncadd.s32 $0xFFFFF600  }
0x157: {  	[spmem:s10] =	stream.linear.scatter [tilespmem:s8], [sflag:$0x2], $0x5000, $0x38;
	[tilespmem:$0x1BE20] =	vst v63  }
0x158: {  	_ =	swait.ge [sflag:s5], $0x5000  }
0x159: {  	[sflag:s5] =	ssyncset.done $0x0  }
0x15a: {  	s10 =	rddreg [dreg:$0xa];
	[sflag:s5] =	ssyncadd.s32 $0xFFFFB000  }
0x15b: {  	[spmem:s4], [sflag:s1] =	dma.local [hbm:s10], $0x9C4  }
0x15c: {  	_ =	swait.ge [sflag:s5], $0x9C4  }
0x15d: {  	[sflag:s5] =	ssyncset.done $0x0  }
0x15e: {  	[sflag:s5] =	ssyncadd.s32 $0xFFFFF63C  }
0x15f: {  	[bflag:$0x0] =	sbarrier.arrive $0xFFFF  }
0x160: {  	[tilespmem:s12], [sflag:$0x1] =	stream.indirect.gather [spmem:s3], $0x20, s6, s11, $0xb8;
	[tilespmem:$0x1BE20] =	vst v63  }
0x161: {  	_ =	swait.ge [sflag:s13], $0x8000  }
0x162: {  	[sflag:s13] =	ssyncset.done $0x0  }
0x163: {  	[sflag:s13] =	ssyncadd.s32 $0xFFFF8000  }
0x164: {  	[spmem:s2] =	stream.indirect.scatter.add.f32 [tilespmem:s12], [sflag:$0x2], $0x20, s7, s11, $0xb8;
	[tilespmem:$0x1BE20] =	vst v63  }
0x165: {  	_ =	swait.ge [sflag:s5], $0x8000  }
0x166: {  	[sflag:s5] =	ssyncset.done $0x0  }
0x167: {  	[sflag:s5] =	ssyncadd.s32 $0xFFFF8000  }
0x168: {  	[tilespmem:s12], [sflag:$0x1] =	stream.indirect.gather [spmem:s3], $0x20, s11, s11, $0xb8;
	[tilespmem:$0x1BE20] =	vst v63  }
0x169: {  	_ =	swait.ge [sflag:s13], $0x8000  }
0x16a: {  	[sflag:s13] =	ssyncset.done $0x0  }
0x16b: {  	[sflag:s13] =	ssyncadd.s32 $0xFFFF8000  }
0x16c: {  	[spmem:s2] =	stream.indirect.scatter.add.f32 [tilespmem:s12], [sflag:$0x2], $0x20, s15, s11, $0xb8;
	[tilespmem:$0x1BE20] =	vst v63  }
0x16d: {  	_ =	swait.ge [sflag:s5], $0x8000  }
0x16e: {  	[sflag:s5] =	ssyncset.done $0x0  }
0x16f: {  	[sflag:s5] =	ssyncadd.s32 $0xFFFF8000  }
0x170: {  	[tilespmem:s12], [sflag:$0x1] =	stream.indirect.gather [spmem:s3], $0x20, s16, s11, $0xb8;
	[tilespmem:$0x1BE20] =	vst v63  }
0x171: {  	_ =	swait.ge [sflag:s13], $0x8000  }
0x172: {  	[sflag:s13] =	ssyncset.done $0x0  }
0x173: {  	[sflag:s13] =	ssyncadd.s32 $0xFFFF8000  }
0x174: {  	[spmem:s2] =	stream.indirect.scatter.add.f32 [tilespmem:s12], [sflag:$0x2], $0x20, s17, s11, $0xb8;
	[tilespmem:$0x1BE20] =	vst v63  }
0x175: {  	_ =	swait.ge [sflag:s5], $0x8000  }
0x176: {  	[sflag:s5] =	ssyncset.done $0x0  }
0x177: {  	[sflag:s5] =	ssyncadd.s32 $0xFFFF8000  }
0x178: {  	[tilespmem:s12], [sflag:$0x1] =	stream.indirect.gather [spmem:s3], $0x20, s18, s11, $0xb8;
	[tilespmem:$0x1BE20] =	vst v63  }
0x179: {  	_ =	swait.ge [sflag:s13], $0x8000  }
0x17a: {  	[sflag:s13] =	ssyncset.done $0x0  }
0x17b: {  	[sflag:s13] =	ssyncadd.s32 $0xFFFF8000  }
0x17c: {  	[spmem:s2] =	stream.indirect.scatter.add.f32 [tilespmem:s12], [sflag:$0x2], $0x20, s19, s11, $0xb8;
	[tilespmem:$0x1BE20] =	vst v63  }
0x17d: {  	_ =	swait.ge [sflag:s5], $0x8000  }
0x17e: {  	[sflag:s5] =	ssyncset.done $0x0  }
0x17f: {  	[sflag:s5] =	ssyncadd.s32 $0xFFFF8000  }
0x180: {  	[tilespmem:s12], [sflag:$0x1] =	stream.indirect.gather [spmem:s3], $0x20, s20, s11, $0xb8;
	[tilespmem:$0x1BE20] =	vst v63  }
0x181: {  	_ =	swait.ge [sflag:s13], $0x8000  }
0x182: {  	[sflag:s13] =	ssyncset.done $0x0  }
0x183: {  	[sflag:s13] =	ssyncadd.s32 $0xFFFF8000  }
0x184: {  	[spmem:s2] =	stream.indirect.scatter.add.f32 [tilespmem:s12], [sflag:$0x2], $0x20, s21, s11, $0xb8;
	[tilespmem:$0x1BE20] =	vst v63  }
0x185: {  	_ =	swait.ge [sflag:s5], $0x8000  }
0x186: {  	[sflag:s5] =	ssyncset.done $0x0  }
0x187: {  	[sflag:s5] =	ssyncadd.s32 $0xFFFF8000  }
0x188: {  	[tilespmem:s12], [sflag:$0x1] =	stream.indirect.gather [spmem:s3], $0x20, s22, s11, $0xb8;
	[tilespmem:$0x1BE20] =	vst v63  }
0x189: {  	_ =	swait.ge [sflag:s13], $0x8000  }
0x18a: {  	[sflag:s13] =	ssyncset.done $0x0  }
0x18b: {  	[sflag:s13] =	ssyncadd.s32 $0xFFFF8000  }
0x18c: {  	[spmem:s2] =	stream.indirect.scatter.add.f32 [tilespmem:s12], [sflag:$0x2], $0x20, s23, s11, $0xb8;
	[tilespmem:$0x1BE20] =	vst v63  }
0x18d: {  	_ =	swait.ge [sflag:s5], $0x8000  }
0x18e: {  	[sflag:s5] =	ssyncset.done $0x0  }
0x18f: {  	[sflag:s5] =	ssyncadd.s32 $0xFFFF8000  }
0x190: {  	[tilespmem:s12], [sflag:$0x1] =	stream.indirect.gather [spmem:s3], $0x20, s24, s11, $0xb8;
	[tilespmem:$0x1BE20] =	vst v63  }
0x191: {  	_ =	swait.ge [sflag:s13], $0x8000  }
0x192: {  	[sflag:s13] =	ssyncset.done $0x0  }
0x193: {  	[sflag:s13] =	ssyncadd.s32 $0xFFFF8000  }
0x194: {  	[spmem:s2] =	stream.indirect.scatter.add.f32 [tilespmem:s12], [sflag:$0x2], $0x20, s25, s11, $0xb8;
	[tilespmem:$0x1BE20] =	vst v63  }
0x195: {  	_ =	swait.ge [sflag:s5], $0x8000  }
0x196: {  	[sflag:s5] =	ssyncset.done $0x0  }
0x197: {  	[sflag:s5] =	ssyncadd.s32 $0xFFFF8000  }
0x198: {  	[tilespmem:s12], [sflag:$0x1] =	stream.indirect.gather [spmem:s3], $0x20, s26, s11, $0xb8;
	[tilespmem:$0x1BE20] =	vst v63  }
0x199: {  	_ =	swait.ge [sflag:s13], $0x8000  }
0x19a: {  	[sflag:s13] =	ssyncset.done $0x0  }
0x19b: {  	[sflag:s13] =	ssyncadd.s32 $0xFFFF8000  }
0x19c: {  	[spmem:s2] =	stream.indirect.scatter.add.f32 [tilespmem:s12], [sflag:$0x2], $0x20, s28, s11, $0xb8;
	[tilespmem:$0x1BE20] =	vst v63  }
0x19d: {  	_ =	swait.ge [sflag:s5], $0x8000  }
0x19e: {  	[sflag:s5] =	ssyncset.done $0x0  }
0x19f: {  	[sflag:s5] =	ssyncadd.s32 $0xFFFF8000  }
0x1a0: {  	[tilespmem:s12], [sflag:$0x1] =	stream.indirect.gather [spmem:s3], $0x20, s29, s11, $0xb8;
	[tilespmem:$0x1BE20] =	vst v63  }
0x1a1: {  	_ =	swait.ge [sflag:s13], $0x8000  }
0x1a2: {  	[sflag:s13] =	ssyncset.done $0x0  }
0x1a3: {  	[sflag:s13] =	ssyncadd.s32 $0xFFFF8000  }
0x1a4: {  	[spmem:s2] =	stream.indirect.scatter.add.f32 [tilespmem:s12], [sflag:$0x2], $0x20, s30, s11, $0xb8;
	[tilespmem:$0x1BE20] =	vst v63  }
0x1a5: {  	_ =	swait.ge [sflag:s5], $0x8000  }
0x1a6: {  	[sflag:s5] =	ssyncset.done $0x0  }
0x1a7: {  	[sflag:s5] =	ssyncadd.s32 $0xFFFF8000  }
0x1a8: {  	[tilespmem:s12], [sflag:$0x1] =	stream.indirect.gather [spmem:s3], $0x20, s31, s11, $0xb8;
	[tilespmem:$0x1BE20] =	vst v63  }
0x1a9: {  	_ =	swait.ge [sflag:s13], $0x8000  }
0x1aa: {  	[sflag:s13] =	ssyncset.done $0x0  }
0x1ab: {  	s14 =	simm.s32 $0x4C00;
	[sflag:s13] =	ssyncadd.s32 $0xFFFF8000  }
0x1ac: {  	[spmem:s2] =	stream.indirect.scatter.add.f32 [tilespmem:s12], [sflag:$0x2], $0x20, s14, s11, $0xb8;
	[tilespmem:$0x1BE20] =	vst v63  }
0x1ad: {  	_ =	swait.ge [sflag:s5], $0x8000  }
0x1ae: {  	p0 =	sne.s32 s0, $0x1;
	[sflag:s5] =	ssyncset.done $0x0  }
.Ltmp1:
0x1af: {  	[sflag:s5] =	ssyncadd.s32 $0xFFFF8000;
	(pc) =	sbr.rel @p0 .LBB2_2-.Ltmp1, $4  }
0x1b0: {  	[bflag:$0x0] =	sbarrier.arrive $0xFFFF  }
0x1b1: {  	s10 =	rddreg [dreg:$0xb]  }
0x1b2: {  	[hbm:s10], [sflag:s1] =	dma.local [spmem:s9], $0xA00  }
0x1b3: {  	s0 =	sadd.s32 $0xFFFFFFFF, s0;
	_ =	swait.ge [sflag:s5], $0xA00  }
.LBB2_3:
0x1b4: {  	[sflag:s5] =	ssyncset.done $0x0  }
0x1b5: {  	[sflag:s5] =	ssyncadd.s32 $0xFFFFF600  }
0x1b6: {  	_ =	sfence.sel $0x180000  }
0x1b7: {  	[bflag:$0x0] =	sbarrier.arrive $0xFFFF  }
0x1b8: {  	_ =	strace $0x9000004D  }
0x1b9: {  	s0 =	stileid.u32;
	[bflag:$0x2] =	sbarrier.arrive $0xFFFF  }
0x1ba: {  	p0 =	sne.s32 s0, $0x0;
	s0 =	rddreg [dreg:$0x4]  }
0x1bb: {  	s0 =	sadd.s32 @!p0 $0x100000, s0  }
0x1bc: {  	[sflag:s0] =	ssyncadd.tile.s32 @!p0 $0x1;
	_ =	shalt  }
.Lfunc_end2:
_tile_overlayer_lowered:
.L_overlay_start_2:
0x1bd: {  	(tag) =	ssettag $0x2  }
0x1be: {  	s0 =	rddreg [dreg:$0x0];
	s2 =	stileid.u32  }
0x1bf: {  	s1 =	rddreg [dreg:$0x1];
	p0 =	sne.s32 s2, $0x0  }
0x1c0: {  	s3 =	rddreg [dreg:$0x2];
	[bflag:$0x3] =	sbarrier.arrive $0xFFFF;
	s2 =	simm.s32 @!p0 $0x1C02  }
0x1c1: {  	[timem:s3], [sflag:s2] =	dma.local @!p0 [hbm:s0], s1  }
0x1c2: {  	s0 =	simm.s32 @!p0 $0x2  }
0x1c3: {  	_ =	swait.ge @!p0 [sflag:s0], s1  }
0x1c4: {  	s1 =	ssub.s32 @!p0 $0x0, s1;
	[sflag:s0] =	ssyncset.done @!p0 $0x0  }
0x1c5: {  	[sflag:s0] =	ssyncadd.s32 @!p0 s1  }
0x1c6: {  	[bflag:$0x3] =	sbarrier.arrive $0xFFFF  }
0x1c7: {  	_ =	shalt  }

// kernel: kernel.21.cloned.1.call-start
scs
__scs_entry_jumppad:
0x0: {  	(pc) =	sbr.rel $0x88, $3  }
0x1: {  	(tag) =	ssettag $0x0;
	lr =	simm.s32 $0x1  }
0x2: {  	[smem:$0x3F99] =	sst lr;
	_ =	strace $0xD0000000  }
0x3: {  	_ = 	snop  }
0x4: {  	_ = 	snop  }
0x5: {  	_ = 	snop  }
0x6: {  	_ = 	snop  }
0x7: {  	_ = 	snop  }
__scs_overlays_trampoline_lowered:
0x8: {  	[smem:$0x3FA8] =	sst s0  }
0x9: {  	[smem:$0x3FA9] =	sst s1  }
0xa: {  	[smem:$0x3FAA] =	sst s2  }
0xb: {  	[smem:$0x3FAB] =	sst s3  }
0xc: {  	[smem:$0x3FAC] =	sst s4  }
0xd: {  	[smem:$0x3FAD] =	sst s5  }
0xe: {  	[smem:$0x3FAE] =	sst s6  }
0xf: {  	[smem:$0x3FAF] =	sst s7  }
0x10: {  	[smem:$0x3FB0] =	sst s8  }
0x11: {  	[smem:$0x3FB1] =	sst s9;
	s0 =	simm.s32 @!p0 $0x0  }
0x12: {  	s1 =	sld [smem:$0x3F97];
	s0 =	simm.s32 @p0 $0x1  }
0x13: {  	[smem:$0x3FB2] =	sst s0;
	s0 =	simm.s32 @!p1 $0x0  }
0x14: {  	s2 =	sld [smem:$0x3F96];
	s0 =	simm.s32 @p1 $0x1  }
0x15: {  	[smem:$0x3FB3] =	sst s0;
	s0 =	simm.s32 @!p2 $0x0  }
0x16: {  	s3 =	sld [smem:$0x3FDB];
	s0 =	simm.s32 @p2 $0x1  }
0x17: {  	s4 =	simm.s32 $0x1BF5;
	[smem:$0x3FB5] =	sst s0  }
0x18: {  	s0 =	sld [smem:$0x3F98];
	_ =	swait.ge [sflag:s4], $0x0  }
0x19: {  	s7 =	sld [smem:$0x3F99]  }
0x1a: {  	s8 =	sadd.s32 $0xFFFFE003, lr  }
0x1b: {  	s9 =	sadd.s32 $0xFFFFFEF7, lr;
	s5 =	simm.s32 $0xFFFFFFFF;
	p2 =	slt.u32 s8, $0xFFFFF086  }
0x1c: {  	p1 =	slt.u32 s9, $0xF7A;
	s5 =	simm.s32 @!p2 $0x0  }
0x1d: {  	s5 =	simm.s32 @p1 $0x1;
	p0 =	seq.s32 s7, s2  }
0x1e: {  	s7 =	smul.u32 @!p0 $0xF7A, s2;
	p2 =	seq.s32 @!p0 s5, $0x0  }
0x1f: {  	s9 =	smul.u32 $0xF7A, s1;
	s8 =	simm.s32 @!p0 $0x1BF5;
	p2 =	por !p2, p0  }
0x20: {  	[sflag:s8] =	ssyncset.s32 @!p0 $0xFFFFF086;
	s6 =	sadd.s32 @!p0 s3, s7;
	s7 =	simm.s32 @!p0 $0x108  }
0x21: {  	s3 =	sadd.s32 s3, s9;
	s6 =	sadd.s32 @!p0 $0x88, s6;
	s7 =	simm.s32 @p2 $0x1082  }
0x22: {  	[simem:s7], [sflag:s8] =	dma.local @!p0 [hbm:s6], $0xF7A  }
0x23: {  	s9 =	sor.u32 $0xD0000000, s2;
	s6 =	simm.s32 $0x108;
	_ =	swait.ge @!p0 [sflag:s8], $0x0  }
0x24: {  	s3 =	sadd.s32 $0x88, s3;
	s6 =	simm.s32 @!p1 $0x1082;
	[sflag:s4] =	ssyncset.s32 $0xFFFFF086  }
0x25: {  	[simem:s6], [sflag:s4] =	dma.local [hbm:s3], $0xF7A  }
0x26: {  	[smem:$0x3F99] =	sst s1;
	(tag) =	ssettag s2;
	_ =	strace s9  }
0x27: {  	s1 =	sld [smem:$0x3FA9]  }
0x28: {  	s2 =	sld [smem:$0x3FAA]  }
0x29: {  	s4 =	sld [smem:$0x3FAC]  }
0x2a: {  	p0 =	seq.s32 s5, $0x0;
	s5 =	sld [smem:$0x3FAD]  }
0x2b: {  	s6 =	sld [smem:$0x3FAE]  }
0x2c: {  	s7 =	sld [smem:$0x3FAF]  }
0x2d: {  	s3 =	simm.s32 $0x108;
	s8 =	sld [smem:$0x3FB0]  }
0x2e: {  	s3 =	simm.s32 @!p0 $0x1082;
	s9 =	sld [smem:$0x3FB1]  }
0x2f: {  	lr =	sadd.s32 s0, s3;
	s0 =	sld [smem:$0x3FA8]  }
0x30: {  	s3 =	sld [smem:$0x3FAB]  }
0x31: {  	[smem:$0x3FB4] =	sst s10  }
0x32: {  	s10 =	sld [smem:$0x3FB2];
	_ =	sdelay $0x3  }
0x33: {  	p0 =	seq.s32 s10, $0x1;
	s10 =	sld [smem:$0x3FB4];
	_ =	sdelay $0x3  }
0x34: {  	[smem:$0x3FB4] =	sst s10  }
0x35: {  	s10 =	sld [smem:$0x3FB3];
	_ =	sdelay $0x3  }
0x36: {  	p1 =	seq.s32 s10, $0x1;
	s10 =	sld [smem:$0x3FB4];
	_ =	sdelay $0x3  }
0x37: {  	[smem:$0x3FB4] =	sst s10  }
0x38: {  	s10 =	sld [smem:$0x3FB5]  }
0x39: {  	_ = 	snop;
	(pc) =	sbr.ind lr, $3  }
0x3a: {  	_ = 	snop  }
0x3b: {  	_ = 	snop  }
0x3c: {  	p2 =	seq.s32 s10, $0x1;
	s10 =	sld [smem:$0x3FB4]  }
0x3d: {  	_ =	shalt  }
0x3e: {  	_ =	shalt  }
0x3f: {  	_ =	shalt  }
0x40: {  	_ =	shalt  }
0x41: {  	_ =	shalt  }
0x42: {  	_ =	shalt  }
0x43: {  	_ =	shalt  }
0x44: {  	_ =	shalt  }
0x45: {  	_ =	shalt  }
0x46: {  	_ =	shalt  }
0x47: {  	_ =	shalt  }
0x48: {  	_ =	shalt  }
0x49: {  	_ =	shalt  }
0x4a: {  	_ =	shalt  }
0x4b: {  	_ =	shalt  }
0x4c: {  	_ =	shalt  }
0x4d: {  	_ =	shalt  }
0x4e: {  	_ =	shalt  }
0x4f: {  	_ =	shalt  }
0x50: {  	_ =	shalt  }
0x51: {  	_ =	shalt  }
0x52: {  	_ =	shalt  }
0x53: {  	_ =	shalt  }
0x54: {  	_ =	shalt  }
0x55: {  	_ =	shalt  }
0x56: {  	_ =	shalt  }
0x57: {  	_ =	shalt  }
0x58: {  	_ =	shalt  }
0x59: {  	_ =	shalt  }
0x5a: {  	_ =	shalt  }
0x5b: {  	_ =	shalt  }
0x5c: {  	_ =	shalt  }
0x5d: {  	_ =	shalt  }
0x5e: {  	_ =	shalt  }
0x5f: {  	_ =	shalt  }
0x60: {  	_ =	shalt  }
0x61: {  	_ =	shalt  }
0x62: {  	_ =	shalt  }
0x63: {  	_ =	shalt  }
0x64: {  	_ =	shalt  }
0x65: {  	_ =	shalt  }
0x66: {  	_ =	shalt  }
0x67: {  	_ =	shalt  }
0x68: {  	_ =	shalt  }
0x69: {  	_ =	shalt  }
0x6a: {  	_ =	shalt  }
0x6b: {  	_ =	shalt  }
0x6c: {  	_ =	shalt  }
0x6d: {  	_ =	shalt  }
0x6e: {  	_ =	shalt  }
0x6f: {  	_ =	shalt  }
0x70: {  	_ =	shalt  }
0x71: {  	_ =	shalt  }
0x72: {  	_ =	shalt  }
0x73: {  	_ =	shalt  }
0x74: {  	_ =	shalt  }
0x75: {  	_ =	shalt  }
0x76: {  	_ =	shalt  }
0x77: {  	_ =	shalt  }
0x78: {  	_ =	shalt  }
0x79: {  	_ =	shalt  }
0x7a: {  	_ =	shalt  }
0x7b: {  	_ =	shalt  }
0x7c: {  	_ =	shalt  }
0x7d: {  	_ =	shalt  }
0x7e: {  	_ =	shalt  }
0x7f: {  	_ =	shalt  }
0x80: {  	_ =	shalt  }
0x81: {  	_ =	shalt  }
0x82: {  	_ =	shalt  }
0x83: {  	_ =	shalt  }
0x84: {  	_ =	shalt  }
0x85: {  	_ =	shalt  }
0x86: {  	_ =	shalt  }
0x87: {  	_ =	shalt  }
.Lfunc_end0:
.L_simem_size_0:
called_computation.3_lowered:
.L_overlay_start_0:
0x88: {  	s2 =	sld [smem:$0x3FD9]  }
0x89: {  	s3 =	sld [smem:$0x3FFE];
	_ =	sdelay $0x1  }
0x8a: {  	s1 =	srdreg.scid  }
0x8b: {  	s0 =	sand.u32 $0x1, s1  }
0x8c: {  	s17 =	sshll.u32 s0, $0xA;
	s2 =	sadd.s32 s3, s2  }
0x8d: {  	s2 =	sadd.s32 s2, s17  }
0x8e: {  	[smem:$0x3FC0] =	sst s2  }
0x8f: {  	_ = 	snop  }
0x90: {  	s2 =	sld [smem:$0x3FD0];
	(tm) =	ssettm $0x1  }
0x91: {  	s18 =	sld [smem:$0x3FFB];
	_ =	sdelay $0x3  }
0x92: {  	_ =	strace s18  }
0x93: {  	s3 =	sld [smem:$0x3FFC];
	_ =	sdelay $0x3  }
0x94: {  	_ =	strace s3  }
0x95: {  	s3 =	sld [smem:$0x3FFD];
	_ =	sdelay $0x3  }
0x96: {  	_ =	strace s3  }
0x97: {  	_ =	strace $0x8FFFFFFF  }
0x98: {  	s19 =	sld [smem:$0x3FDB];
	_ =	sdelay $0x1  }
0x99: {  	s4 =	simm.s32 $_scs_section_size  }
0x9a: {  	s5 =	simm.s32 $_size__tile_overlayer_lowered;
	s6 =	simm.s32 $_tile_overlayer_lowered  }
0x9b: {  	s22 =	simm.s32 $0x1BFF;
	s21 =	sshll.u32 s6, $0x1;
	s3 =	sadd.s32 s4, s19  }
0x9c: {  	s7 =	simm.s32 $0x0;
	s20 =	sshll.u32 s5, $0x1;
	s5 =	sadd.s32 s21, s3  }
0x9d: {  	[timem:s7], [sflag:s22] =	dma.local [hbm:s5], s20  }
0x9e: {  	_ =	swait.ge [sflag:s22], s20  }
0x9f: {  	s4 =	ssub.s32 $0x0, s20;
	[sflag:s22] =	ssyncset.done $0x0  }
0xa0: {  	[sflag:s22] =	ssyncadd.s32 s4;
	_ =	sdelay $0x1  }
0xa1: {  	s23 =	simm.s32 $0x1B8B  }
0xa2: {  	_ =	swait.ge [sflag:s23], $0x1  }
0xa3: {  	[sflag:s23] =	ssyncset.done $0x0  }
0xa4: {  	s25 =	simm.s32 $0x1B8E;
	s24 =	sld [smem:$0x3FFE];
	[sflag:s23] =	ssyncadd.s32 $0xFFFFFFFF  }
0xa5: {  	s26 =	simm.s32 $execute0_lowered;
	[smem:$0x3FD2] =	sst s25  }
0xa6: {  	s5 =	sshll.u32 s26, $0x1;
	_ =	strace $0x8000004F;
	[dreg:$0x1] =	wrdreg $0xFFFFFFFF  }
0xa7: {  	s28 =	simm.s32 $_size_execute0_lowered;
	s3 =	sadd.s32 s3, s5;
	[dreg:$0x0] =	wrdreg $0x0  }
0xa8: {  	s5 =	sshll.u32 s28, $0x1;
	[dreg:$0x2] =	wrdreg s3  }
0xa9: {  	[dreg:$0x3] =	wrdreg s5  }
0xaa: {  	[dreg:$0x4] =	wrdreg $0xC0  }
0xab: {  	_ =	task [dreg:s7], $0x5FFFF  }
0xac: {  	[dreg:$0x1] =	wrdreg $0xFFFFFFFF  }
0xad: {  	[dreg:$0x0] =	wrdreg $0x60  }
0xae: {  	[dreg:$0x2] =	wrdreg s2  }
0xaf: {  	[dreg:$0x3] =	wrdreg s24  }
0xb0: {  	[dreg:$0x4] =	wrdreg $0x90000  }
0xb1: {  	[dreg:$0x5] =	wrdreg $0xB8000  }
0xb2: {  	[dreg:$0x6] =	wrdreg $0x9  }
0xb3: {  	_ =	task.clear_ibuf [dreg:s7], $0x7FFFF;
	_ =	strace $0x9000004F  }
0xb4: {  	s29 =	simm.s32 $0x9;
	_ =	strace $0x80000051  }
0xb5: {  	_ =	swait.ge [sflag:s29], $0x1  }
0xb6: {  	[sflag:s29] =	ssyncadd.s32 $0xFFFFFFFF  }
0xb7: {  	_ =	strace $0x90000051  }
0xb8: {  	_ =	sfence  }
0xb9: {  	s30 =	sld [smem:$0x0];
	_ =	sdelay $0x2  }
0xba: {  	s31 =	sshll.u32 s1, $0xD;
	s1 =	sshrl.u32 s1, $0x2  }
0xbb: {  	s3 =	sand.u32 $0x4000, s31;
	s1 =	sadd.s32 s1, s30  }
0xbc: {  	s0 =	sor.u32 s3, s0;
	s1 =	sshll.u32 s1, $0x11  }
0xbd: {  	s0 =	sor.u32 s1, s0  }
0xbe: {  	s0 =	sadd.s32 $0x8F2B, s0  }
0xbf: {  	[sflag:s0] =	ssyncadd.remote.s32 $0x1  }
0xc0: {  	_ =	sfence.sel $0xFFFF  }
0xc1: {  	[dreg:$0x0] =	wrdreg $0xFFFFFFFF;
	(pc) =	sbr.abs _section_cstart, $3  }
0xc2: {  	[dreg:$0x1] =	wrdreg $0xFFFFFFFF  }
0xc3: {  	_ =	task.clear_ibuf [dreg:s7], $0x2FFFF;
	_ =	strace $0x9FFFFFFF  }
0xc4: {  	(tm) =	ssettm $0x7FFFFFFF  }
0xc5: {  	_ =	shalt  }
tec
execute0_lowered:
.L_overlay_start_1:
0x0: {  	(tag) =	ssettag $0x1  }
0x1: {  	s5 =	rddreg [dreg:$0x0]  }
0x2: {  	s10 =	rddreg [dreg:$0x1]  }
0x3: {  	s2 =	rddreg [dreg:$0x2];
	s1 =	srdreg.scid  }
0x4: {  	s3 =	rddreg [dreg:$0x3];
	s4 =	simm.s32 $0x0;
	s31 =	sand.u32 $0x1, s1  }
0x5: {  	s0 =	stileid.u32;
	[smem:$0x7FF] =	sst s4;
	s1 =	sshll.u32 s31, $0x4  }
0x6: {  	s8 =	smul.u32 $0x2710, s0;
	s7 =	sadd.s32 $0xD400, s10;
	s1 =	sor.u32 s0, s1  }
0x7: {  	_ =	strace $0x80000050;
	[dreg:$0x5] =	wrdreg s7;
	s6 =	smul.u32 $0x500, s1  }
0x8: {  	s22 =	sshll.u32 s0, $0x6;
	s9 =	sshrl.u32 s8, $0x3;
	s24 =	rddreg [dreg:$0x5]  }
0x9: {  	s1 =	smul.u32 $0x2800, s0;
	s5 =	sadd.s32 s5, s9;
	s6 =	sadd.s32 s6, s10  }
0xa: {  	[dreg:$0x6] =	wrdreg s5;
	s5 =	sor.u32 $0x1C02, s22;
	s23 =	sadd.s32 $0x12600, s6  }
0xb: {  	s21 =	sadd.s32 s1, s2;
	s6 =	sadd.s32 $0x3200, s6;
	[dreg:$0x7] =	wrdreg s23  }
0xc: {  	s7 =	sshrl.u32 s21, $0x3;
	[dreg:$0x8] =	wrdreg s6;
	s6 =	simm.s32 $0x2  }
0xd: {  	[spmem:s7], [sflag:s5] =	dma.local [hbm:s24], $0x500  }
0xe: {  	_ =	swait.ge [sflag:s6], $0x500  }
0xf: {  	s8 =	sadd.s32 s8, s3;
	[sflag:s6] =	ssyncset.done $0x0  }
0x10: {  	s8 =	sshrl.u32 s8, $0x3;
	s25 =	rddreg [dreg:$0x6];
	[sflag:s6] =	ssyncadd.s32 $0xFFFFFB00  }
0x11: {  	[spmem:s8], [sflag:s5] =	dma.local [hbm:s25], $0x4E2  }
0x12: {  	_ =	swait.ge [sflag:s6], $0x4E2  }
0x13: {  	[sflag:s6] =	ssyncset.done $0x0  }
0x14: {  	[sflag:s6] =	ssyncadd.s32 $0xFFFFFB1E  }
0x15: {  	[bflag:$0x0] =	sbarrier.arrive $0xFFFF  }
0x16: {  	s26 =	rddreg [dreg:$0x7]  }
0x17: {  	[tilespmem:s4], [sflag:$0x2] =	stream.linear.gather [hbm4b:s26+s4], $0x2800, $0x38;
	[tilespmem:$0xDF10] =	vst v63  }
0x18: {  	_ =	swait.ge [sflag:s6], $0x2800  }
0x19: {  	[sflag:s6] =	ssyncset.done $0x0  }
0x1a: {  	s9 =	simm.s32 $0x2800;
	s0 =	rddreg [dreg:$0x8];
	[sflag:s6] =	ssyncadd.s32 $0xFFFFD800  }
0x1b: {  	[tilespmem:s9], [sflag:$0x2] =	stream.linear.gather [hbm4b:s0+s4], $0x2800, $0x38;
	[tilespmem:$0xDF10] =	vst v63  }
0x1c: {  	_ =	swait.ge [sflag:s6], $0x2800  }
0x1d: {  	s11 =	simm.s32 $0x5000;
	[sflag:s6] =	ssyncset.done $0x0  }
0x1e: {  	s12 =	simm.s32 $0x1;
	s10 =	simm.s32 $0x400;
	[sflag:s6] =	ssyncadd.s32 $0xFFFFD800  }
0x1f: {  	[tilespmem:s11], [sflag:$0x1] =	stream.indirect.gather [spmem:s3], $0x10, s4, s10, $0xb8;
	[tilespmem:$0xDF10] =	vst v63  }
0x20: {  	_ =	swait.ge [sflag:s12], $0x4000  }
0x21: {  	[sflag:s12] =	ssyncset.done $0x0  }
0x22: {  	[sflag:s12] =	ssyncadd.s32 $0xFFFFC000  }
0x23: {  	[spmem:s2] =	stream.indirect.scatter.add.f32 [tilespmem:s11], [sflag:$0x2], $0x10, s9, s10, $0xb8;
	[tilespmem:$0xDF10] =	vst v63  }
0x24: {  	_ =	swait.ge [sflag:s6], $0x4000  }
0x25: {  	[sflag:s6] =	ssyncset.done $0x0  }
0x26: {  	[sflag:s6] =	ssyncadd.s32 $0xFFFFC000  }
0x27: {  	[tilespmem:s11], [sflag:$0x1] =	stream.indirect.gather [spmem:s3], $0x10, s10, s10, $0xb8;
	[tilespmem:$0xDF10] =	vst v63  }
0x28: {  	_ =	swait.ge [sflag:s12], $0x4000  }
0x29: {  	[sflag:s12] =	ssyncset.done $0x0  }
0x2a: {  	s13 =	simm.s32 $0x2C00;
	[sflag:s12] =	ssyncadd.s32 $0xFFFFC000  }
0x2b: {  	[spmem:s2] =	stream.indirect.scatter.add.f32 [tilespmem:s11], [sflag:$0x2], $0x10, s13, s10, $0xb8;
	[tilespmem:$0xDF10] =	vst v63  }
0x2c: {  	_ =	swait.ge [sflag:s6], $0x4000  }
0x2d: {  	[sflag:s6] =	ssyncset.done $0x0  }
0x2e: {  	s14 =	simm.s32 $0x800;
	[sflag:s6] =	ssyncadd.s32 $0xFFFFC000  }
0x2f: {  	[tilespmem:s11], [sflag:$0x1] =	stream.indirect.gather [spmem:s3], $0x10, s14, s10, $0xb8;
	[tilespmem:$0xDF10] =	vst v63  }
0x30: {  	_ =	swait.ge [sflag:s12], $0x4000  }
0x31: {  	[sflag:s12] =	ssyncset.done $0x0  }
0x32: {  	s15 =	simm.s32 $0x3000;
	[sflag:s12] =	ssyncadd.s32 $0xFFFFC000  }
0x33: {  	[spmem:s2] =	stream.indirect.scatter.add.f32 [tilespmem:s11], [sflag:$0x2], $0x10, s15, s10, $0xb8;
	[tilespmem:$0xDF10] =	vst v63  }
0x34: {  	_ =	swait.ge [sflag:s6], $0x4000  }
0x35: {  	[sflag:s6] =	ssyncset.done $0x0  }
0x36: {  	s16 =	simm.s32 $0xC00;
	[sflag:s6] =	ssyncadd.s32 $0xFFFFC000  }
0x37: {  	[tilespmem:s11], [sflag:$0x1] =	stream.indirect.gather [spmem:s3], $0x10, s16, s10, $0xb8;
	[tilespmem:$0xDF10] =	vst v63  }
0x38: {  	_ =	swait.ge [sflag:s12], $0x4000  }
0x39: {  	[sflag:s12] =	ssyncset.done $0x0  }
0x3a: {  	s17 =	simm.s32 $0x3400;
	[sflag:s12] =	ssyncadd.s32 $0xFFFFC000  }
0x3b: {  	[spmem:s2] =	stream.indirect.scatter.add.f32 [tilespmem:s11], [sflag:$0x2], $0x10, s17, s10, $0xb8;
	[tilespmem:$0xDF10] =	vst v63  }
0x3c: {  	_ =	swait.ge [sflag:s6], $0x4000  }
0x3d: {  	[sflag:s6] =	ssyncset.done $0x0  }
0x3e: {  	s18 =	simm.s32 $0x1000;
	[sflag:s6] =	ssyncadd.s32 $0xFFFFC000  }
0x3f: {  	[tilespmem:s11], [sflag:$0x1] =	stream.indirect.gather [spmem:s3], $0x10, s18, s10, $0xb8;
	[tilespmem:$0xDF10] =	vst v63  }
0x40: {  	_ =	swait.ge [sflag:s12], $0x4000  }
0x41: {  	[sflag:s12] =	ssyncset.done $0x0  }
0x42: {  	s19 =	simm.s32 $0x3800;
	[sflag:s12] =	ssyncadd.s32 $0xFFFFC000  }
0x43: {  	[spmem:s2] =	stream.indirect.scatter.add.f32 [tilespmem:s11], [sflag:$0x2], $0x10, s19, s10, $0xb8;
	[tilespmem:$0xDF10] =	vst v63  }
0x44: {  	_ =	swait.ge [sflag:s6], $0x4000  }
0x45: {  	[sflag:s6] =	ssyncset.done $0x0  }
0x46: {  	s20 =	simm.s32 $0x1400;
	[sflag:s6] =	ssyncadd.s32 $0xFFFFC000  }
0x47: {  	[tilespmem:s11], [sflag:$0x1] =	stream.indirect.gather [spmem:s3], $0x10, s20, s10, $0xb8;
	[tilespmem:$0xDF10] =	vst v63  }
0x48: {  	_ =	swait.ge [sflag:s12], $0x4000  }
0x49: {  	[sflag:s12] =	ssyncset.done $0x0  }
0x4a: {  	s21 =	simm.s32 $0x3C00;
	[sflag:s12] =	ssyncadd.s32 $0xFFFFC000  }
0x4b: {  	[spmem:s2] =	stream.indirect.scatter.add.f32 [tilespmem:s11], [sflag:$0x2], $0x10, s21, s10, $0xb8;
	[tilespmem:$0xDF10] =	vst v63  }
0x4c: {  	_ =	swait.ge [sflag:s6], $0x4000  }
0x4d: {  	[sflag:s6] =	ssyncset.done $0x0  }
0x4e: {  	s22 =	simm.s32 $0x1800;
	[sflag:s6] =	ssyncadd.s32 $0xFFFFC000  }
0x4f: {  	[tilespmem:s11], [sflag:$0x1] =	stream.indirect.gather [spmem:s3], $0x10, s22, s10, $0xb8;
	[tilespmem:$0xDF10] =	vst v63  }
0x50: {  	_ =	swait.ge [sflag:s12], $0x4000  }
0x51: {  	[sflag:s12] =	ssyncset.done $0x0  }
0x52: {  	s23 =	simm.s32 $0x4000;
	[sflag:s12] =	ssyncadd.s32 $0xFFFFC000  }
0x53: {  	[spmem:s2] =	stream.indirect.scatter.add.f32 [tilespmem:s11], [sflag:$0x2], $0x10, s23, s10, $0xb8;
	[tilespmem:$0xDF10] =	vst v63  }
0x54: {  	_ =	swait.ge [sflag:s6], $0x4000  }
0x55: {  	[sflag:s6] =	ssyncset.done $0x0  }
0x56: {  	s24 =	simm.s32 $0x1C00;
	[sflag:s6] =	ssyncadd.s32 $0xFFFFC000  }
0x57: {  	[tilespmem:s11], [sflag:$0x1] =	stream.indirect.gather [spmem:s3], $0x10, s24, s10, $0xb8;
	[tilespmem:$0xDF10] =	vst v63  }
0x58: {  	_ =	swait.ge [sflag:s12], $0x4000  }
0x59: {  	[sflag:s12] =	ssyncset.done $0x0  }
0x5a: {  	s25 =	simm.s32 $0x4400;
	[sflag:s12] =	ssyncadd.s32 $0xFFFFC000  }
0x5b: {  	[spmem:s2] =	stream.indirect.scatter.add.f32 [tilespmem:s11], [sflag:$0x2], $0x10, s25, s10, $0xb8;
	[tilespmem:$0xDF10] =	vst v63  }
0x5c: {  	_ =	swait.ge [sflag:s6], $0x4000  }
0x5d: {  	[sflag:s6] =	ssyncset.done $0x0  }
0x5e: {  	s26 =	simm.s32 $0x2000;
	[sflag:s6] =	ssyncadd.s32 $0xFFFFC000  }
0x5f: {  	[tilespmem:s11], [sflag:$0x1] =	stream.indirect.gather [spmem:s3], $0x10, s26, s10, $0xb8;
	[tilespmem:$0xDF10] =	vst v63  }
0x60: {  	_ =	swait.ge [sflag:s12], $0x4000  }
0x61: {  	[sflag:s12] =	ssyncset.done $0x0  }
0x62: {  	s28 =	simm.s32 $0x4800;
	[sflag:s12] =	ssyncadd.s32 $0xFFFFC000  }
0x63: {  	[spmem:s2] =	stream.indirect.scatter.add.f32 [tilespmem:s11], [sflag:$0x2], $0x10, s28, s10, $0xb8;
	[tilespmem:$0xDF10] =	vst v63  }
0x64: {  	_ =	swait.ge [sflag:s6], $0x4000  }
0x65: {  	[sflag:s6] =	ssyncset.done $0x0  }
0x66: {  	s29 =	simm.s32 $0x2400;
	s0 =	smul.u32 $0x28000, s31;
	[sflag:s6] =	ssyncadd.s32 $0xFFFFC000  }
0x67: {  	[tilespmem:s11], [sflag:$0x1] =	stream.indirect.gather [spmem:s3], $0x10, s29, s10, $0xb8;
	[tilespmem:$0xDF10] =	vst v63  }
0x68: {  	_ =	swait.ge [sflag:s12], $0x4000  }
0x69: {  	s30 =	simm.s32 $0x4C00;
	s0 =	sadd.s32 s1, s0;
	[sflag:s12] =	ssyncset.done $0x0  }
0x6a: {  	s1 =	ssub.s32 $0x2, s31;
	s0 =	sshrl.u32 s0, $0x3;
	[sflag:s12] =	ssyncadd.s32 $0xFFFFC000  }
0x6b: {  	[spmem:s2] =	stream.indirect.scatter.add.f32 [tilespmem:s11], [sflag:$0x2], $0x10, s30, s10, $0xb8;
	[tilespmem:$0xDF10] =	vst v63  }
0x6c: {  	_ =	swait.ge [sflag:s6], $0x4000;
	[dreg:$0x9] =	wrdreg s0;
	s0 =	sshrl.u32 s1, $0x1  }
0x6d: {  	[dreg:$0xa] =	wrdreg s0  }
0x6e: {  	[sflag:s6] =	ssyncset.done $0x0;
	s31 =	rddreg [dreg:$0x9]  }
0x6f: {  	s0 =	rddreg [dreg:$0x1]  }
0x70: {  	s0 =	sadd.s32 s31, s0;
	s31 =	rddreg [dreg:$0xa]  }
0x71: {  	s1 =	ssub.s32 s1, s31  }
0x72: {  	s1 =	smax.u32 s1, $0x1  }
0x73: {  	p0 =	sne.s32 s1, $0x1  }
.Ltmp0:
0x74: {  	_ = 	snop;
	(pc) =	sbr.rel @!p0 .LBB2_2-.Ltmp0, $4  }
0x75: {  	[sflag:s6] =	ssyncadd.s32 $0xFFFFC000  }
0x76: {  	[bflag:$0x0] =	sbarrier.arrive $0xFFFF;
	s31 =	sadd.s32 $0x1C600, s0  }
0x77: {  	[hbm:s31], [sflag:s5] =	dma.local [spmem:s7], $0x500  }
0x78: {  	s0 =	sadd.s32 $0xFFFFFFFF, s1;
	_ =	swait.ge [sflag:s6], $0x500  }
.LBB2_1:
0x79: {  	[sflag:s6] =	ssyncset.done $0x0  }
0x7a: {  	s1 =	rddreg [dreg:$0x5];
	[sflag:s6] =	ssyncadd.s32 $0xFFFFFB00  }
0x7b: {  	[spmem:s7], [sflag:s5] =	dma.local [hbm:s1], $0x500  }
0x7c: {  	_ =	swait.ge [sflag:s6], $0x500  }
0x7d: {  	[sflag:s6] =	ssyncset.done $0x0  }
0x7e: {  	s1 =	rddreg [dreg:$0x6];
	[sflag:s6] =	ssyncadd.s32 $0xFFFFFB00  }
0x7f: {  	[spmem:s8], [sflag:s5] =	dma.local [hbm:s1], $0x4E2  }
0x80: {  	_ =	swait.ge [sflag:s6], $0x4E2  }
0x81: {  	[sflag:s6] =	ssyncset.done $0x0  }
0x82: {  	[sflag:s6] =	ssyncadd.s32 $0xFFFFFB1E  }
0x83: {  	[bflag:$0x0] =	sbarrier.arrive $0xFFFF  }
0x84: {  	s1 =	rddreg [dreg:$0x7]  }
0x85: {  	[tilespmem:s4], [sflag:$0x2] =	stream.linear.gather [hbm4b:s1+s4], $0x2800, $0x38;
	[tilespmem:$0xDF10] =	vst v63  }
0x86: {  	_ =	swait.ge [sflag:s6], $0x2800  }
0x87: {  	[sflag:s6] =	ssyncset.done $0x0  }
0x88: {  	s1 =	rddreg [dreg:$0x8];
	[sflag:s6] =	ssyncadd.s32 $0xFFFFD800  }
0x89: {  	[tilespmem:s9], [sflag:$0x2] =	stream.linear.gather [hbm4b:s1+s4], $0x2800, $0x38;
	[tilespmem:$0xDF10] =	vst v63  }
0x8a: {  	_ =	swait.ge [sflag:s6], $0x2800  }
0x8b: {  	[sflag:s6] =	ssyncset.done $0x0  }
0x8c: {  	[sflag:s6] =	ssyncadd.s32 $0xFFFFD800  }
0x8d: {  	[tilespmem:s11], [sflag:$0x1] =	stream.indirect.gather [spmem:s3], $0x10, s4, s10, $0xb8;
	[tilespmem:$0xDF10] =	vst v63  }
0x8e: {  	_ =	swait.ge [sflag:s12], $0x4000  }
0x8f: {  	[sflag:s12] =	ssyncset.done $0x0  }
0x90: {  	[sflag:s12] =	ssyncadd.s32 $0xFFFFC000  }
0x91: {  	[spmem:s2] =	stream.indirect.scatter.add.f32 [tilespmem:s11], [sflag:$0x2], $0x10, s9, s10, $0xb8;
	[tilespmem:$0xDF10] =	vst v63  }
0x92: {  	_ =	swait.ge [sflag:s6], $0x4000  }
0x93: {  	[sflag:s6] =	ssyncset.done $0x0  }
0x94: {  	[sflag:s6] =	ssyncadd.s32 $0xFFFFC000  }
0x95: {  	[tilespmem:s11], [sflag:$0x1] =	stream.indirect.gather [spmem:s3], $0x10, s10, s10, $0xb8;
	[tilespmem:$0xDF10] =	vst v63  }
0x96: {  	_ =	swait.ge [sflag:s12], $0x4000  }
0x97: {  	[sflag:s12] =	ssyncset.done $0x0  }
0x98: {  	[sflag:s12] =	ssyncadd.s32 $0xFFFFC000  }
0x99: {  	[spmem:s2] =	stream.indirect.scatter.add.f32 [tilespmem:s11], [sflag:$0x2], $0x10, s13, s10, $0xb8;
	[tilespmem:$0xDF10] =	vst v63  }
0x9a: {  	_ =	swait.ge [sflag:s6], $0x4000  }
0x9b: {  	[sflag:s6] =	ssyncset.done $0x0  }
0x9c: {  	[sflag:s6] =	ssyncadd.s32 $0xFFFFC000  }
0x9d: {  	[tilespmem:s11], [sflag:$0x1] =	stream.indirect.gather [spmem:s3], $0x10, s14, s10, $0xb8;
	[tilespmem:$0xDF10] =	vst v63  }
0x9e: {  	_ =	swait.ge [sflag:s12], $0x4000  }
0x9f: {  	[sflag:s12] =	ssyncset.done $0x0  }
0xa0: {  	[sflag:s12] =	ssyncadd.s32 $0xFFFFC000  }
0xa1: {  	[spmem:s2] =	stream.indirect.scatter.add.f32 [tilespmem:s11], [sflag:$0x2], $0x10, s15, s10, $0xb8;
	[tilespmem:$0xDF10] =	vst v63  }
0xa2: {  	_ =	swait.ge [sflag:s6], $0x4000  }
0xa3: {  	[sflag:s6] =	ssyncset.done $0x0  }
0xa4: {  	[sflag:s6] =	ssyncadd.s32 $0xFFFFC000  }
0xa5: {  	[tilespmem:s11], [sflag:$0x1] =	stream.indirect.gather [spmem:s3], $0x10, s16, s10, $0xb8;
	[tilespmem:$0xDF10] =	vst v63  }
0xa6: {  	_ =	swait.ge [sflag:s12], $0x4000  }
0xa7: {  	[sflag:s12] =	ssyncset.done $0x0  }
0xa8: {  	[sflag:s12] =	ssyncadd.s32 $0xFFFFC000  }
0xa9: {  	[spmem:s2] =	stream.indirect.scatter.add.f32 [tilespmem:s11], [sflag:$0x2], $0x10, s17, s10, $0xb8;
	[tilespmem:$0xDF10] =	vst v63  }
0xaa: {  	_ =	swait.ge [sflag:s6], $0x4000  }
0xab: {  	[sflag:s6] =	ssyncset.done $0x0  }
0xac: {  	[sflag:s6] =	ssyncadd.s32 $0xFFFFC000  }
0xad: {  	[tilespmem:s11], [sflag:$0x1] =	stream.indirect.gather [spmem:s3], $0x10, s18, s10, $0xb8;
	[tilespmem:$0xDF10] =	vst v63  }
0xae: {  	_ =	swait.ge [sflag:s12], $0x4000  }
0xaf: {  	[sflag:s12] =	ssyncset.done $0x0  }
0xb0: {  	[sflag:s12] =	ssyncadd.s32 $0xFFFFC000  }
0xb1: {  	[spmem:s2] =	stream.indirect.scatter.add.f32 [tilespmem:s11], [sflag:$0x2], $0x10, s19, s10, $0xb8;
	[tilespmem:$0xDF10] =	vst v63  }
0xb2: {  	_ =	swait.ge [sflag:s6], $0x4000  }
0xb3: {  	[sflag:s6] =	ssyncset.done $0x0  }
0xb4: {  	[sflag:s6] =	ssyncadd.s32 $0xFFFFC000  }
0xb5: {  	[tilespmem:s11], [sflag:$0x1] =	stream.indirect.gather [spmem:s3], $0x10, s20, s10, $0xb8;
	[tilespmem:$0xDF10] =	vst v63  }
0xb6: {  	_ =	swait.ge [sflag:s12], $0x4000  }
0xb7: {  	[sflag:s12] =	ssyncset.done $0x0  }
0xb8: {  	[sflag:s12] =	ssyncadd.s32 $0xFFFFC000  }
0xb9: {  	[spmem:s2] =	stream.indirect.scatter.add.f32 [tilespmem:s11], [sflag:$0x2], $0x10, s21, s10, $0xb8;
	[tilespmem:$0xDF10] =	vst v63  }
0xba: {  	_ =	swait.ge [sflag:s6], $0x4000  }
0xbb: {  	[sflag:s6] =	ssyncset.done $0x0  }
0xbc: {  	[sflag:s6] =	ssyncadd.s32 $0xFFFFC000  }
0xbd: {  	[tilespmem:s11], [sflag:$0x1] =	stream.indirect.gather [spmem:s3], $0x10, s22, s10, $0xb8;
	[tilespmem:$0xDF10] =	vst v63  }
0xbe: {  	_ =	swait.ge [sflag:s12], $0x4000  }
0xbf: {  	[sflag:s12] =	ssyncset.done $0x0  }
0xc0: {  	[sflag:s12] =	ssyncadd.s32 $0xFFFFC000  }
0xc1: {  	[spmem:s2] =	stream.indirect.scatter.add.f32 [tilespmem:s11], [sflag:$0x2], $0x10, s23, s10, $0xb8;
	[tilespmem:$0xDF10] =	vst v63  }
0xc2: {  	_ =	swait.ge [sflag:s6], $0x4000  }
0xc3: {  	[sflag:s6] =	ssyncset.done $0x0  }
0xc4: {  	[sflag:s6] =	ssyncadd.s32 $0xFFFFC000  }
0xc5: {  	[tilespmem:s11], [sflag:$0x1] =	stream.indirect.gather [spmem:s3], $0x10, s24, s10, $0xb8;
	[tilespmem:$0xDF10] =	vst v63  }
0xc6: {  	_ =	swait.ge [sflag:s12], $0x4000  }
0xc7: {  	[sflag:s12] =	ssyncset.done $0x0  }
0xc8: {  	[sflag:s12] =	ssyncadd.s32 $0xFFFFC000  }
0xc9: {  	[spmem:s2] =	stream.indirect.scatter.add.f32 [tilespmem:s11], [sflag:$0x2], $0x10, s25, s10, $0xb8;
	[tilespmem:$0xDF10] =	vst v63  }
0xca: {  	_ =	swait.ge [sflag:s6], $0x4000  }
0xcb: {  	[sflag:s6] =	ssyncset.done $0x0  }
0xcc: {  	[sflag:s6] =	ssyncadd.s32 $0xFFFFC000  }
0xcd: {  	[tilespmem:s11], [sflag:$0x1] =	stream.indirect.gather [spmem:s3], $0x10, s26, s10, $0xb8;
	[tilespmem:$0xDF10] =	vst v63  }
0xce: {  	_ =	swait.ge [sflag:s12], $0x4000  }
0xcf: {  	[sflag:s12] =	ssyncset.done $0x0  }
0xd0: {  	[sflag:s12] =	ssyncadd.s32 $0xFFFFC000  }
0xd1: {  	[spmem:s2] =	stream.indirect.scatter.add.f32 [tilespmem:s11], [sflag:$0x2], $0x10, s28, s10, $0xb8;
	[tilespmem:$0xDF10] =	vst v63  }
0xd2: {  	_ =	swait.ge [sflag:s6], $0x4000  }
0xd3: {  	[sflag:s6] =	ssyncset.done $0x0  }
0xd4: {  	[sflag:s6] =	ssyncadd.s32 $0xFFFFC000  }
0xd5: {  	[tilespmem:s11], [sflag:$0x1] =	stream.indirect.gather [spmem:s3], $0x10, s29, s10, $0xb8;
	[tilespmem:$0xDF10] =	vst v63  }
0xd6: {  	_ =	swait.ge [sflag:s12], $0x4000  }
0xd7: {  	[sflag:s12] =	ssyncset.done $0x0  }
0xd8: {  	[sflag:s12] =	ssyncadd.s32 $0xFFFFC000  }
0xd9: {  	[spmem:s2] =	stream.indirect.scatter.add.f32 [tilespmem:s11], [sflag:$0x2], $0x10, s30, s10, $0xb8;
	[tilespmem:$0xDF10] =	vst v63  }
0xda: {  	p0 =	sne.s32 s0, $0x1;
	_ =	swait.ge [sflag:s6], $0x4000  }
.Ltmp1:
0xdb: {  	[sflag:s6] =	ssyncset.done $0x0;
	(pc) =	sbr.rel @p0 .LBB2_1-.Ltmp1, $4  }
0xdc: {  	[sflag:s6] =	ssyncadd.s32 $0xFFFFC000  }
0xdd: {  	[bflag:$0x0] =	sbarrier.arrive $0xFFFF  }
0xde: {  	[hbm:s31], [sflag:s5] =	dma.local [spmem:s7], $0x500  }
0xdf: {  	s0 =	sadd.s32 $0xFFFFFFFF, s0;
	_ =	swait.ge [sflag:s6], $0x500  }
.LBB2_2:
0xe0: {  	[sflag:s6] =	ssyncset.done $0x0  }
0xe1: {  	[sflag:s6] =	ssyncadd.s32 $0xFFFFFB00  }
0xe2: {  	_ =	sfence.sel $0x180000  }
0xe3: {  	[bflag:$0x0] =	sbarrier.arrive $0xFFFF  }
0xe4: {  	_ =	strace $0x90000050  }
0xe5: {  	s0 =	stileid.u32;
	[bflag:$0x2] =	sbarrier.arrive $0xFFFF  }
0xe6: {  	p0 =	sne.s32 s0, $0x0;
	s0 =	rddreg [dreg:$0x4]  }
0xe7: {  	s0 =	sadd.s32 @!p0 $0x100000, s0  }
0xe8: {  	[sflag:s0] =	ssyncadd.tile.s32 @!p0 $0x1;
	_ =	shalt  }
.Lfunc_end2:
_tile_overlayer_lowered:
.L_overlay_start_2:
0xe9: {  	(tag) =	ssettag $0x2  }
0xea: {  	s0 =	rddreg [dreg:$0x0];
	s2 =	stileid.u32  }
0xeb: {  	s1 =	rddreg [dreg:$0x1];
	p0 =	sne.s32 s2, $0x0  }
0xec: {  	s3 =	rddreg [dreg:$0x2];
	[bflag:$0x3] =	sbarrier.arrive $0xFFFF;
	s2 =	simm.s32 @!p0 $0x1C02  }
0xed: {  	[timem:s3], [sflag:s2] =	dma.local @!p0 [hbm:s0], s1  }
0xee: {  	s0 =	simm.s32 @!p0 $0x2  }
0xef: {  	_ =	swait.ge @!p0 [sflag:s0], s1  }
0xf0: {  	s1 =	ssub.s32 @!p0 $0x0, s1;
	[sflag:s0] =	ssyncset.done @!p0 $0x0  }
0xf1: {  	[sflag:s0] =	ssyncadd.s32 @!p0 s1  }
0xf2: {  	[bflag:$0x3] =	sbarrier.arrive $0xFFFF  }
0xf3: {  	_ =	shalt  }

// kernel: kernel.24.cloned.1.call-start
scs
__scs_entry_jumppad:
0x0: {  	(pc) =	sbr.rel $0x88, $3  }
0x1: {  	(tag) =	ssettag $0x0;
	lr =	simm.s32 $0x1  }
0x2: {  	[smem:$0x3F99] =	sst lr;
	_ =	strace $0xD0000000  }
0x3: {  	_ = 	snop  }
0x4: {  	_ = 	snop  }
0x5: {  	_ = 	snop  }
0x6: {  	_ = 	snop  }
0x7: {  	_ = 	snop  }
__scs_overlays_trampoline_lowered:
0x8: {  	[smem:$0x3FA8] =	sst s0  }
0x9: {  	[smem:$0x3FA9] =	sst s1  }
0xa: {  	[smem:$0x3FAA] =	sst s2  }
0xb: {  	[smem:$0x3FAB] =	sst s3  }
0xc: {  	[smem:$0x3FAC] =	sst s4  }
0xd: {  	[smem:$0x3FAD] =	sst s5  }
0xe: {  	[smem:$0x3FAE] =	sst s6  }
0xf: {  	[smem:$0x3FAF] =	sst s7  }
0x10: {  	[smem:$0x3FB0] =	sst s8  }
0x11: {  	[smem:$0x3FB1] =	sst s9;
	s0 =	simm.s32 @!p0 $0x0  }
0x12: {  	s1 =	sld [smem:$0x3F97];
	s0 =	simm.s32 @p0 $0x1  }
0x13: {  	[smem:$0x3FB2] =	sst s0;
	s0 =	simm.s32 @!p1 $0x0  }
0x14: {  	s2 =	sld [smem:$0x3F96];
	s0 =	simm.s32 @p1 $0x1  }
0x15: {  	[smem:$0x3FB3] =	sst s0;
	s0 =	simm.s32 @!p2 $0x0  }
0x16: {  	s3 =	sld [smem:$0x3FDB];
	s0 =	simm.s32 @p2 $0x1  }
0x17: {  	s4 =	simm.s32 $0x1BF5;
	[smem:$0x3FB5] =	sst s0  }
0x18: {  	s0 =	sld [smem:$0x3F98];
	_ =	swait.ge [sflag:s4], $0x0  }
0x19: {  	s7 =	sld [smem:$0x3F99]  }
0x1a: {  	s8 =	sadd.s32 $0xFFFFE003, lr  }
0x1b: {  	s9 =	sadd.s32 $0xFFFFFEF7, lr;
	s5 =	simm.s32 $0xFFFFFFFF;
	p2 =	slt.u32 s8, $0xFFFFF086  }
0x1c: {  	p1 =	slt.u32 s9, $0xF7A;
	s5 =	simm.s32 @!p2 $0x0  }
0x1d: {  	s5 =	simm.s32 @p1 $0x1;
	p0 =	seq.s32 s7, s2  }
0x1e: {  	s7 =	smul.u32 @!p0 $0xF7A, s2;
	p2 =	seq.s32 @!p0 s5, $0x0  }
0x1f: {  	s9 =	smul.u32 $0xF7A, s1;
	s8 =	simm.s32 @!p0 $0x1BF5;
	p2 =	por !p2, p0  }
0x20: {  	[sflag:s8] =	ssyncset.s32 @!p0 $0xFFFFF086;
	s6 =	sadd.s32 @!p0 s3, s7;
	s7 =	simm.s32 @!p0 $0x108  }
0x21: {  	s3 =	sadd.s32 s3, s9;
	s6 =	sadd.s32 @!p0 $0x88, s6;
	s7 =	simm.s32 @p2 $0x1082  }
0x22: {  	[simem:s7], [sflag:s8] =	dma.local @!p0 [hbm:s6], $0xF7A  }
0x23: {  	s9 =	sor.u32 $0xD0000000, s2;
	s6 =	simm.s32 $0x108;
	_ =	swait.ge @!p0 [sflag:s8], $0x0  }
0x24: {  	s3 =	sadd.s32 $0x88, s3;
	s6 =	simm.s32 @!p1 $0x1082;
	[sflag:s4] =	ssyncset.s32 $0xFFFFF086  }
0x25: {  	[simem:s6], [sflag:s4] =	dma.local [hbm:s3], $0xF7A  }
0x26: {  	[smem:$0x3F99] =	sst s1;
	(tag) =	ssettag s2;
	_ =	strace s9  }
0x27: {  	s1 =	sld [smem:$0x3FA9]  }
0x28: {  	s2 =	sld [smem:$0x3FAA]  }
0x29: {  	s4 =	sld [smem:$0x3FAC]  }
0x2a: {  	p0 =	seq.s32 s5, $0x0;
	s5 =	sld [smem:$0x3FAD]  }
0x2b: {  	s6 =	sld [smem:$0x3FAE]  }
0x2c: {  	s7 =	sld [smem:$0x3FAF]  }
0x2d: {  	s3 =	simm.s32 $0x108;
	s8 =	sld [smem:$0x3FB0]  }
0x2e: {  	s3 =	simm.s32 @!p0 $0x1082;
	s9 =	sld [smem:$0x3FB1]  }
0x2f: {  	lr =	sadd.s32 s0, s3;
	s0 =	sld [smem:$0x3FA8]  }
0x30: {  	s3 =	sld [smem:$0x3FAB]  }
0x31: {  	[smem:$0x3FB4] =	sst s10  }
0x32: {  	s10 =	sld [smem:$0x3FB2];
	_ =	sdelay $0x3  }
0x33: {  	p0 =	seq.s32 s10, $0x1;
	s10 =	sld [smem:$0x3FB4];
	_ =	sdelay $0x3  }
0x34: {  	[smem:$0x3FB4] =	sst s10  }
0x35: {  	s10 =	sld [smem:$0x3FB3];
	_ =	sdelay $0x3  }
0x36: {  	p1 =	seq.s32 s10, $0x1;
	s10 =	sld [smem:$0x3FB4];
	_ =	sdelay $0x3  }
0x37: {  	[smem:$0x3FB4] =	sst s10  }
0x38: {  	s10 =	sld [smem:$0x3FB5]  }
0x39: {  	_ = 	snop;
	(pc) =	sbr.ind lr, $3  }
0x3a: {  	_ = 	snop  }
0x3b: {  	_ = 	snop  }
0x3c: {  	p2 =	seq.s32 s10, $0x1;
	s10 =	sld [smem:$0x3FB4]  }
0x3d: {  	_ =	shalt  }
0x3e: {  	_ =	shalt  }
0x3f: {  	_ =	shalt  }
0x40: {  	_ =	shalt  }
0x41: {  	_ =	shalt  }
0x42: {  	_ =	shalt  }
0x43: {  	_ =	shalt  }
0x44: {  	_ =	shalt  }
0x45: {  	_ =	shalt  }
0x46: {  	_ =	shalt  }
0x47: {  	_ =	shalt  }
0x48: {  	_ =	shalt  }
0x49: {  	_ =	shalt  }
0x4a: {  	_ =	shalt  }
0x4b: {  	_ =	shalt  }
0x4c: {  	_ =	shalt  }
0x4d: {  	_ =	shalt  }
0x4e: {  	_ =	shalt  }
0x4f: {  	_ =	shalt  }
0x50: {  	_ =	shalt  }
0x51: {  	_ =	shalt  }
0x52: {  	_ =	shalt  }
0x53: {  	_ =	shalt  }
0x54: {  	_ =	shalt  }
0x55: {  	_ =	shalt  }
0x56: {  	_ =	shalt  }
0x57: {  	_ =	shalt  }
0x58: {  	_ =	shalt  }
0x59: {  	_ =	shalt  }
0x5a: {  	_ =	shalt  }
0x5b: {  	_ =	shalt  }
0x5c: {  	_ =	shalt  }
0x5d: {  	_ =	shalt  }
0x5e: {  	_ =	shalt  }
0x5f: {  	_ =	shalt  }
0x60: {  	_ =	shalt  }
0x61: {  	_ =	shalt  }
0x62: {  	_ =	shalt  }
0x63: {  	_ =	shalt  }
0x64: {  	_ =	shalt  }
0x65: {  	_ =	shalt  }
0x66: {  	_ =	shalt  }
0x67: {  	_ =	shalt  }
0x68: {  	_ =	shalt  }
0x69: {  	_ =	shalt  }
0x6a: {  	_ =	shalt  }
0x6b: {  	_ =	shalt  }
0x6c: {  	_ =	shalt  }
0x6d: {  	_ =	shalt  }
0x6e: {  	_ =	shalt  }
0x6f: {  	_ =	shalt  }
0x70: {  	_ =	shalt  }
0x71: {  	_ =	shalt  }
0x72: {  	_ =	shalt  }
0x73: {  	_ =	shalt  }
0x74: {  	_ =	shalt  }
0x75: {  	_ =	shalt  }
0x76: {  	_ =	shalt  }
0x77: {  	_ =	shalt  }
0x78: {  	_ =	shalt  }
0x79: {  	_ =	shalt  }
0x7a: {  	_ =	shalt  }
0x7b: {  	_ =	shalt  }
0x7c: {  	_ =	shalt  }
0x7d: {  	_ =	shalt  }
0x7e: {  	_ =	shalt  }
0x7f: {  	_ =	shalt  }
0x80: {  	_ =	shalt  }
0x81: {  	_ =	shalt  }
0x82: {  	_ =	shalt  }
0x83: {  	_ =	shalt  }
0x84: {  	_ =	shalt  }
0x85: {  	_ =	shalt  }
0x86: {  	_ =	shalt  }
0x87: {  	_ =	shalt  }
.Lfunc_end0:
.L_simem_size_0:
called_computation.4_lowered:
.L_overlay_start_0:
0x88: {  	s2 =	sld [smem:$0x3FD9]  }
0x89: {  	s3 =	sld [smem:$0x3FFE];
	_ =	sdelay $0x1  }
0x8a: {  	s1 =	srdreg.scid  }
0x8b: {  	s0 =	sand.u32 $0x1, s1  }
0x8c: {  	s17 =	sshll.u32 s0, $0xA;
	s2 =	sadd.s32 s3, s2  }
0x8d: {  	s2 =	sadd.s32 s2, s17  }
0x8e: {  	[smem:$0x3FC0] =	sst s2  }
0x8f: {  	_ = 	snop  }
0x90: {  	s2 =	sld [smem:$0x3FD0];
	(tm) =	ssettm $0x1  }
0x91: {  	s18 =	sld [smem:$0x3FFB];
	_ =	sdelay $0x3  }
0x92: {  	_ =	strace s18  }
0x93: {  	s3 =	sld [smem:$0x3FFC];
	_ =	sdelay $0x3  }
0x94: {  	_ =	strace s3  }
0x95: {  	s3 =	sld [smem:$0x3FFD];
	_ =	sdelay $0x3  }
0x96: {  	_ =	strace s3  }
0x97: {  	_ =	strace $0x8FFFFFFF  }
0x98: {  	s19 =	sld [smem:$0x3FDB];
	_ =	sdelay $0x1  }
0x99: {  	s4 =	simm.s32 $_scs_section_size  }
0x9a: {  	s5 =	simm.s32 $_size__tile_overlayer_lowered;
	s6 =	simm.s32 $_tile_overlayer_lowered  }
0x9b: {  	s22 =	simm.s32 $0x1BFF;
	s21 =	sshll.u32 s6, $0x1;
	s3 =	sadd.s32 s4, s19  }
0x9c: {  	s7 =	simm.s32 $0x0;
	s20 =	sshll.u32 s5, $0x1;
	s5 =	sadd.s32 s21, s3  }
0x9d: {  	[timem:s7], [sflag:s22] =	dma.local [hbm:s5], s20  }
0x9e: {  	_ =	swait.ge [sflag:s22], s20  }
0x9f: {  	s4 =	ssub.s32 $0x0, s20;
	[sflag:s22] =	ssyncset.done $0x0  }
0xa0: {  	[sflag:s22] =	ssyncadd.s32 s4;
	_ =	sdelay $0x1  }
0xa1: {  	s23 =	simm.s32 $0x1B8B  }
0xa2: {  	_ =	swait.ge [sflag:s23], $0x1  }
0xa3: {  	[sflag:s23] =	ssyncset.done $0x0  }
0xa4: {  	s25 =	simm.s32 $0x1B8E;
	s24 =	sld [smem:$0x3FFE];
	[sflag:s23] =	ssyncadd.s32 $0xFFFFFFFF  }
0xa5: {  	s26 =	simm.s32 $execute0_lowered;
	[smem:$0x3FD2] =	sst s25  }
0xa6: {  	s5 =	sshll.u32 s26, $0x1;
	_ =	strace $0x80000052;
	[dreg:$0x1] =	wrdreg $0xFFFFFFFF  }
0xa7: {  	s28 =	simm.s32 $_size_execute0_lowered;
	s3 =	sadd.s32 s3, s5;
	[dreg:$0x0] =	wrdreg $0x0  }
0xa8: {  	s5 =	sshll.u32 s28, $0x1;
	[dreg:$0x2] =	wrdreg s3  }
0xa9: {  	[dreg:$0x3] =	wrdreg s5  }
0xaa: {  	[dreg:$0x4] =	wrdreg $0xC0  }
0xab: {  	_ =	task [dreg:s7], $0x5FFFF  }
0xac: {  	[dreg:$0x1] =	wrdreg $0xFFFFFFFF  }
0xad: {  	[dreg:$0x0] =	wrdreg $0x60  }
0xae: {  	[dreg:$0x2] =	wrdreg s2  }
0xaf: {  	[dreg:$0x3] =	wrdreg s24  }
0xb0: {  	[dreg:$0x4] =	wrdreg $0x90000  }
0xb1: {  	[dreg:$0x5] =	wrdreg $0xB8000  }
0xb2: {  	[dreg:$0x6] =	wrdreg $0x9  }
0xb3: {  	_ =	task.clear_ibuf [dreg:s7], $0x7FFFF;
	_ =	strace $0x90000052  }
0xb4: {  	s29 =	simm.s32 $0x9;
	_ =	strace $0x80000054  }
0xb5: {  	_ =	swait.ge [sflag:s29], $0x1  }
0xb6: {  	[sflag:s29] =	ssyncadd.s32 $0xFFFFFFFF  }
0xb7: {  	_ =	strace $0x90000054  }
0xb8: {  	_ =	sfence  }
0xb9: {  	s30 =	sld [smem:$0x0];
	_ =	sdelay $0x2  }
0xba: {  	s31 =	sshll.u32 s1, $0xD;
	s1 =	sshrl.u32 s1, $0x2  }
0xbb: {  	s3 =	sand.u32 $0x4000, s31;
	s1 =	sadd.s32 s1, s30  }
0xbc: {  	s0 =	sor.u32 s3, s0;
	s1 =	sshll.u32 s1, $0x11  }
0xbd: {  	s0 =	sor.u32 s1, s0  }
0xbe: {  	s0 =	sadd.s32 $0x8F2B, s0  }
0xbf: {  	[sflag:s0] =	ssyncadd.remote.s32 $0x1  }
0xc0: {  	_ =	sfence.sel $0xFFFF  }
0xc1: {  	[dreg:$0x0] =	wrdreg $0xFFFFFFFF;
	(pc) =	sbr.abs _section_cstart, $3  }
0xc2: {  	[dreg:$0x1] =	wrdreg $0xFFFFFFFF  }
0xc3: {  	_ =	task.clear_ibuf [dreg:s7], $0x2FFFF;
	_ =	strace $0x9FFFFFFF  }
0xc4: {  	(tm) =	ssettm $0x7FFFFFFF  }
0xc5: {  	_ =	shalt  }
tec
execute0_lowered:
.L_overlay_start_1:
0x0: {  	(tag) =	ssettag $0x1  }
0x1: {  	s5 =	rddreg [dreg:$0x0]  }
0x2: {  	s10 =	rddreg [dreg:$0x1]  }
0x3: {  	s2 =	rddreg [dreg:$0x2];
	s1 =	srdreg.scid  }
0x4: {  	s3 =	rddreg [dreg:$0x3];
	s4 =	simm.s32 $0x0;
	s31 =	sand.u32 $0x1, s1  }
0x5: {  	s0 =	stileid.u32;
	[smem:$0x7FF] =	sst s4;
	s1 =	sshll.u32 s31, $0x4  }
0x6: {  	s8 =	smul.u32 $0x2710, s0;
	s7 =	sadd.s32 $0xD400, s10;
	s1 =	sor.u32 s0, s1  }
0x7: {  	_ =	strace $0x80000053;
	[dreg:$0x5] =	wrdreg s7;
	s6 =	smul.u32 $0x500, s1  }
0x8: {  	s22 =	sshll.u32 s0, $0x6;
	s9 =	sshrl.u32 s8, $0x3;
	s24 =	rddreg [dreg:$0x5]  }
0x9: {  	s1 =	smul.u32 $0x2800, s0;
	s5 =	sadd.s32 s5, s9;
	s6 =	sadd.s32 s6, s10  }
0xa: {  	[dreg:$0x6] =	wrdreg s5;
	s5 =	sor.u32 $0x1C02, s22;
	s23 =	sadd.s32 $0x12600, s6  }
0xb: {  	s21 =	sadd.s32 s1, s2;
	s6 =	sadd.s32 $0x3200, s6;
	[dreg:$0x7] =	wrdreg s23  }
0xc: {  	s7 =	sshrl.u32 s21, $0x3;
	[dreg:$0x8] =	wrdreg s6;
	s6 =	simm.s32 $0x2  }
0xd: {  	[spmem:s7], [sflag:s5] =	dma.local [hbm:s24], $0x500  }
0xe: {  	_ =	swait.ge [sflag:s6], $0x500  }
0xf: {  	s8 =	sadd.s32 s8, s3;
	[sflag:s6] =	ssyncset.done $0x0  }
0x10: {  	s8 =	sshrl.u32 s8, $0x3;
	s25 =	rddreg [dreg:$0x6];
	[sflag:s6] =	ssyncadd.s32 $0xFFFFFB00  }
0x11: {  	[spmem:s8], [sflag:s5] =	dma.local [hbm:s25], $0x4E2  }
0x12: {  	_ =	swait.ge [sflag:s6], $0x4E2  }
0x13: {  	[sflag:s6] =	ssyncset.done $0x0  }
0x14: {  	[sflag:s6] =	ssyncadd.s32 $0xFFFFFB1E  }
0x15: {  	[bflag:$0x0] =	sbarrier.arrive $0xFFFF  }
0x16: {  	s26 =	rddreg [dreg:$0x7]  }
0x17: {  	[tilespmem:s4], [sflag:$0x2] =	stream.linear.gather [hbm4b:s26+s4], $0x2800, $0x38;
	[tilespmem:$0xDF10] =	vst v63  }
0x18: {  	_ =	swait.ge [sflag:s6], $0x2800  }
0x19: {  	[sflag:s6] =	ssyncset.done $0x0  }
0x1a: {  	s9 =	simm.s32 $0x2800;
	s0 =	rddreg [dreg:$0x8];
	[sflag:s6] =	ssyncadd.s32 $0xFFFFD800  }
0x1b: {  	[tilespmem:s9], [sflag:$0x2] =	stream.linear.gather [hbm4b:s0+s4], $0x2800, $0x38;
	[tilespmem:$0xDF10] =	vst v63  }
0x1c: {  	_ =	swait.ge [sflag:s6], $0x2800  }
0x1d: {  	s11 =	simm.s32 $0x5000;
	[sflag:s6] =	ssyncset.done $0x0  }
0x1e: {  	s12 =	simm.s32 $0x1;
	s10 =	simm.s32 $0x400;
	[sflag:s6] =	ssyncadd.s32 $0xFFFFD800  }
0x1f: {  	[tilespmem:s11], [sflag:$0x1] =	stream.indirect.gather [spmem:s3], $0x10, s4, s10, $0xb8;
	[tilespmem:$0xDF10] =	vst v63  }
0x20: {  	_ =	swait.ge [sflag:s12], $0x4000  }
0x21: {  	[sflag:s12] =	ssyncset.done $0x0  }
0x22: {  	[sflag:s12] =	ssyncadd.s32 $0xFFFFC000  }
0x23: {  	[spmem:s2] =	stream.indirect.scatter.add.f32 [tilespmem:s11], [sflag:$0x2], $0x10, s9, s10, $0xb8;
	[tilespmem:$0xDF10] =	vst v63  }
0x24: {  	_ =	swait.ge [sflag:s6], $0x4000  }
0x25: {  	[sflag:s6] =	ssyncset.done $0x0  }
0x26: {  	[sflag:s6] =	ssyncadd.s32 $0xFFFFC000  }
0x27: {  	[tilespmem:s11], [sflag:$0x1] =	stream.indirect.gather [spmem:s3], $0x10, s10, s10, $0xb8;
	[tilespmem:$0xDF10] =	vst v63  }
0x28: {  	_ =	swait.ge [sflag:s12], $0x4000  }
0x29: {  	[sflag:s12] =	ssyncset.done $0x0  }
0x2a: {  	s13 =	simm.s32 $0x2C00;
	[sflag:s12] =	ssyncadd.s32 $0xFFFFC000  }
0x2b: {  	[spmem:s2] =	stream.indirect.scatter.add.f32 [tilespmem:s11], [sflag:$0x2], $0x10, s13, s10, $0xb8;
	[tilespmem:$0xDF10] =	vst v63  }
0x2c: {  	_ =	swait.ge [sflag:s6], $0x4000  }
0x2d: {  	[sflag:s6] =	ssyncset.done $0x0  }
0x2e: {  	s14 =	simm.s32 $0x800;
	[sflag:s6] =	ssyncadd.s32 $0xFFFFC000  }
0x2f: {  	[tilespmem:s11], [sflag:$0x1] =	stream.indirect.gather [spmem:s3], $0x10, s14, s10, $0xb8;
	[tilespmem:$0xDF10] =	vst v63  }
0x30: {  	_ =	swait.ge [sflag:s12], $0x4000  }
0x31: {  	[sflag:s12] =	ssyncset.done $0x0  }
0x32: {  	s15 =	simm.s32 $0x3000;
	[sflag:s12] =	ssyncadd.s32 $0xFFFFC000  }
0x33: {  	[spmem:s2] =	stream.indirect.scatter.add.f32 [tilespmem:s11], [sflag:$0x2], $0x10, s15, s10, $0xb8;
	[tilespmem:$0xDF10] =	vst v63  }
0x34: {  	_ =	swait.ge [sflag:s6], $0x4000  }
0x35: {  	[sflag:s6] =	ssyncset.done $0x0  }
0x36: {  	s16 =	simm.s32 $0xC00;
	[sflag:s6] =	ssyncadd.s32 $0xFFFFC000  }
0x37: {  	[tilespmem:s11], [sflag:$0x1] =	stream.indirect.gather [spmem:s3], $0x10, s16, s10, $0xb8;
	[tilespmem:$0xDF10] =	vst v63  }
0x38: {  	_ =	swait.ge [sflag:s12], $0x4000  }
0x39: {  	[sflag:s12] =	ssyncset.done $0x0  }
0x3a: {  	s17 =	simm.s32 $0x3400;
	[sflag:s12] =	ssyncadd.s32 $0xFFFFC000  }
0x3b: {  	[spmem:s2] =	stream.indirect.scatter.add.f32 [tilespmem:s11], [sflag:$0x2], $0x10, s17, s10, $0xb8;
	[tilespmem:$0xDF10] =	vst v63  }
0x3c: {  	_ =	swait.ge [sflag:s6], $0x4000  }
0x3d: {  	[sflag:s6] =	ssyncset.done $0x0  }
0x3e: {  	s18 =	simm.s32 $0x1000;
	[sflag:s6] =	ssyncadd.s32 $0xFFFFC000  }
0x3f: {  	[tilespmem:s11], [sflag:$0x1] =	stream.indirect.gather [spmem:s3], $0x10, s18, s10, $0xb8;
	[tilespmem:$0xDF10] =	vst v63  }
0x40: {  	_ =	swait.ge [sflag:s12], $0x4000  }
0x41: {  	[sflag:s12] =	ssyncset.done $0x0  }
0x42: {  	s19 =	simm.s32 $0x3800;
	[sflag:s12] =	ssyncadd.s32 $0xFFFFC000  }
0x43: {  	[spmem:s2] =	stream.indirect.scatter.add.f32 [tilespmem:s11], [sflag:$0x2], $0x10, s19, s10, $0xb8;
	[tilespmem:$0xDF10] =	vst v63  }
0x44: {  	_ =	swait.ge [sflag:s6], $0x4000  }
0x45: {  	[sflag:s6] =	ssyncset.done $0x0  }
0x46: {  	s20 =	simm.s32 $0x1400;
	[sflag:s6] =	ssyncadd.s32 $0xFFFFC000  }
0x47: {  	[tilespmem:s11], [sflag:$0x1] =	stream.indirect.gather [spmem:s3], $0x10, s20, s10, $0xb8;
	[tilespmem:$0xDF10] =	vst v63  }
0x48: {  	_ =	swait.ge [sflag:s12], $0x4000  }
0x49: {  	[sflag:s12] =	ssyncset.done $0x0  }
0x4a: {  	s21 =	simm.s32 $0x3C00;
	[sflag:s12] =	ssyncadd.s32 $0xFFFFC000  }
0x4b: {  	[spmem:s2] =	stream.indirect.scatter.add.f32 [tilespmem:s11], [sflag:$0x2], $0x10, s21, s10, $0xb8;
	[tilespmem:$0xDF10] =	vst v63  }
0x4c: {  	_ =	swait.ge [sflag:s6], $0x4000  }
0x4d: {  	[sflag:s6] =	ssyncset.done $0x0  }
0x4e: {  	s22 =	simm.s32 $0x1800;
	[sflag:s6] =	ssyncadd.s32 $0xFFFFC000  }
0x4f: {  	[tilespmem:s11], [sflag:$0x1] =	stream.indirect.gather [spmem:s3], $0x10, s22, s10, $0xb8;
	[tilespmem:$0xDF10] =	vst v63  }
0x50: {  	_ =	swait.ge [sflag:s12], $0x4000  }
0x51: {  	[sflag:s12] =	ssyncset.done $0x0  }
0x52: {  	s23 =	simm.s32 $0x4000;
	[sflag:s12] =	ssyncadd.s32 $0xFFFFC000  }
0x53: {  	[spmem:s2] =	stream.indirect.scatter.add.f32 [tilespmem:s11], [sflag:$0x2], $0x10, s23, s10, $0xb8;
	[tilespmem:$0xDF10] =	vst v63  }
0x54: {  	_ =	swait.ge [sflag:s6], $0x4000  }
0x55: {  	[sflag:s6] =	ssyncset.done $0x0  }
0x56: {  	s24 =	simm.s32 $0x1C00;
	[sflag:s6] =	ssyncadd.s32 $0xFFFFC000  }
0x57: {  	[tilespmem:s11], [sflag:$0x1] =	stream.indirect.gather [spmem:s3], $0x10, s24, s10, $0xb8;
	[tilespmem:$0xDF10] =	vst v63  }
0x58: {  	_ =	swait.ge [sflag:s12], $0x4000  }
0x59: {  	[sflag:s12] =	ssyncset.done $0x0  }
0x5a: {  	s25 =	simm.s32 $0x4400;
	[sflag:s12] =	ssyncadd.s32 $0xFFFFC000  }
0x5b: {  	[spmem:s2] =	stream.indirect.scatter.add.f32 [tilespmem:s11], [sflag:$0x2], $0x10, s25, s10, $0xb8;
	[tilespmem:$0xDF10] =	vst v63  }
0x5c: {  	_ =	swait.ge [sflag:s6], $0x4000  }
0x5d: {  	[sflag:s6] =	ssyncset.done $0x0  }
0x5e: {  	s26 =	simm.s32 $0x2000;
	[sflag:s6] =	ssyncadd.s32 $0xFFFFC000  }
0x5f: {  	[tilespmem:s11], [sflag:$0x1] =	stream.indirect.gather [spmem:s3], $0x10, s26, s10, $0xb8;
	[tilespmem:$0xDF10] =	vst v63  }
0x60: {  	_ =	swait.ge [sflag:s12], $0x4000  }
0x61: {  	[sflag:s12] =	ssyncset.done $0x0  }
0x62: {  	s28 =	simm.s32 $0x4800;
	[sflag:s12] =	ssyncadd.s32 $0xFFFFC000  }
0x63: {  	[spmem:s2] =	stream.indirect.scatter.add.f32 [tilespmem:s11], [sflag:$0x2], $0x10, s28, s10, $0xb8;
	[tilespmem:$0xDF10] =	vst v63  }
0x64: {  	_ =	swait.ge [sflag:s6], $0x4000  }
0x65: {  	[sflag:s6] =	ssyncset.done $0x0  }
0x66: {  	s29 =	simm.s32 $0x2400;
	s0 =	smul.u32 $0x28000, s31;
	[sflag:s6] =	ssyncadd.s32 $0xFFFFC000  }
0x67: {  	[tilespmem:s11], [sflag:$0x1] =	stream.indirect.gather [spmem:s3], $0x10, s29, s10, $0xb8;
	[tilespmem:$0xDF10] =	vst v63  }
0x68: {  	_ =	swait.ge [sflag:s12], $0x4000  }
0x69: {  	s30 =	simm.s32 $0x4C00;
	s0 =	sadd.s32 s1, s0;
	[sflag:s12] =	ssyncset.done $0x0  }
0x6a: {  	s1 =	ssub.s32 $0x2, s31;
	s0 =	sshrl.u32 s0, $0x3;
	[sflag:s12] =	ssyncadd.s32 $0xFFFFC000  }
0x6b: {  	[spmem:s2] =	stream.indirect.scatter.add.f32 [tilespmem:s11], [sflag:$0x2], $0x10, s30, s10, $0xb8;
	[tilespmem:$0xDF10] =	vst v63  }
0x6c: {  	_ =	swait.ge [sflag:s6], $0x4000;
	[dreg:$0x9] =	wrdreg s0;
	s0 =	sshrl.u32 s1, $0x1  }
0x6d: {  	[dreg:$0xa] =	wrdreg s0  }
0x6e: {  	[sflag:s6] =	ssyncset.done $0x0;
	s31 =	rddreg [dreg:$0x9]  }
0x6f: {  	s0 =	rddreg [dreg:$0x1]  }
0x70: {  	s0 =	sadd.s32 s31, s0;
	s31 =	rddreg [dreg:$0xa]  }
0x71: {  	s1 =	ssub.s32 s1, s31  }
0x72: {  	s1 =	smax.u32 s1, $0x1  }
0x73: {  	p0 =	sne.s32 s1, $0x1  }
.Ltmp0:
0x74: {  	_ = 	snop;
	(pc) =	sbr.rel @!p0 .LBB2_2-.Ltmp0, $4  }
0x75: {  	[sflag:s6] =	ssyncadd.s32 $0xFFFFC000  }
0x76: {  	[bflag:$0x0] =	sbarrier.arrive $0xFFFF;
	s31 =	sadd.s32 $0x1C600, s0  }
0x77: {  	[hbm:s31], [sflag:s5] =	dma.local [spmem:s7], $0x500  }
0x78: {  	s0 =	sadd.s32 $0xFFFFFFFF, s1;
	_ =	swait.ge [sflag:s6], $0x500  }
.LBB2_1:
0x79: {  	[sflag:s6] =	ssyncset.done $0x0  }
0x7a: {  	s1 =	rddreg [dreg:$0x5];
	[sflag:s6] =	ssyncadd.s32 $0xFFFFFB00  }
0x7b: {  	[spmem:s7], [sflag:s5] =	dma.local [hbm:s1], $0x500  }
0x7c: {  	_ =	swait.ge [sflag:s6], $0x500  }
0x7d: {  	[sflag:s6] =	ssyncset.done $0x0  }
0x7e: {  	s1 =	rddreg [dreg:$0x6];
	[sflag:s6] =	ssyncadd.s32 $0xFFFFFB00  }
0x7f: {  	[spmem:s8], [sflag:s5] =	dma.local [hbm:s1], $0x4E2  }
0x80: {  	_ =	swait.ge [sflag:s6], $0x4E2  }
0x81: {  	[sflag:s6] =	ssyncset.done $0x0  }
0x82: {  	[sflag:s6] =	ssyncadd.s32 $0xFFFFFB1E  }
0x83: {  	[bflag:$0x0] =	sbarrier.arrive $0xFFFF  }
0x84: {  	s1 =	rddreg [dreg:$0x7]  }
0x85: {  	[tilespmem:s4], [sflag:$0x2] =	stream.linear.gather [hbm4b:s1+s4], $0x2800, $0x38;
	[tilespmem:$0xDF10] =	vst v63  }
0x86: {  	_ =	swait.ge [sflag:s6], $0x2800  }
0x87: {  	[sflag:s6] =	ssyncset.done $0x0  }
0x88: {  	s1 =	rddreg [dreg:$0x8];
	[sflag:s6] =	ssyncadd.s32 $0xFFFFD800  }
0x89: {  	[tilespmem:s9], [sflag:$0x2] =	stream.linear.gather [hbm4b:s1+s4], $0x2800, $0x38;
	[tilespmem:$0xDF10] =	vst v63  }
0x8a: {  	_ =	swait.ge [sflag:s6], $0x2800  }
0x8b: {  	[sflag:s6] =	ssyncset.done $0x0  }
0x8c: {  	[sflag:s6] =	ssyncadd.s32 $0xFFFFD800  }
0x8d: {  	[tilespmem:s11], [sflag:$0x1] =	stream.indirect.gather [spmem:s3], $0x10, s4, s10, $0xb8;
	[tilespmem:$0xDF10] =	vst v63  }
0x8e: {  	_ =	swait.ge [sflag:s12], $0x4000  }
0x8f: {  	[sflag:s12] =	ssyncset.done $0x0  }
0x90: {  	[sflag:s12] =	ssyncadd.s32 $0xFFFFC000  }
0x91: {  	[spmem:s2] =	stream.indirect.scatter.add.f32 [tilespmem:s11], [sflag:$0x2], $0x10, s9, s10, $0xb8;
	[tilespmem:$0xDF10] =	vst v63  }
0x92: {  	_ =	swait.ge [sflag:s6], $0x4000  }
0x93: {  	[sflag:s6] =	ssyncset.done $0x0  }
0x94: {  	[sflag:s6] =	ssyncadd.s32 $0xFFFFC000  }
0x95: {  	[tilespmem:s11], [sflag:$0x1] =	stream.indirect.gather [spmem:s3], $0x10, s10, s10, $0xb8;
	[tilespmem:$0xDF10] =	vst v63  }
0x96: {  	_ =	swait.ge [sflag:s12], $0x4000  }
0x97: {  	[sflag:s12] =	ssyncset.done $0x0  }
0x98: {  	[sflag:s12] =	ssyncadd.s32 $0xFFFFC000  }
0x99: {  	[spmem:s2] =	stream.indirect.scatter.add.f32 [tilespmem:s11], [sflag:$0x2], $0x10, s13, s10, $0xb8;
	[tilespmem:$0xDF10] =	vst v63  }
0x9a: {  	_ =	swait.ge [sflag:s6], $0x4000  }
0x9b: {  	[sflag:s6] =	ssyncset.done $0x0  }
0x9c: {  	[sflag:s6] =	ssyncadd.s32 $0xFFFFC000  }
0x9d: {  	[tilespmem:s11], [sflag:$0x1] =	stream.indirect.gather [spmem:s3], $0x10, s14, s10, $0xb8;
	[tilespmem:$0xDF10] =	vst v63  }
0x9e: {  	_ =	swait.ge [sflag:s12], $0x4000  }
0x9f: {  	[sflag:s12] =	ssyncset.done $0x0  }
0xa0: {  	[sflag:s12] =	ssyncadd.s32 $0xFFFFC000  }
0xa1: {  	[spmem:s2] =	stream.indirect.scatter.add.f32 [tilespmem:s11], [sflag:$0x2], $0x10, s15, s10, $0xb8;
	[tilespmem:$0xDF10] =	vst v63  }
0xa2: {  	_ =	swait.ge [sflag:s6], $0x4000  }
0xa3: {  	[sflag:s6] =	ssyncset.done $0x0  }
0xa4: {  	[sflag:s6] =	ssyncadd.s32 $0xFFFFC000  }
0xa5: {  	[tilespmem:s11], [sflag:$0x1] =	stream.indirect.gather [spmem:s3], $0x10, s16, s10, $0xb8;
	[tilespmem:$0xDF10] =	vst v63  }
0xa6: {  	_ =	swait.ge [sflag:s12], $0x4000  }
0xa7: {  	[sflag:s12] =	ssyncset.done $0x0  }
0xa8: {  	[sflag:s12] =	ssyncadd.s32 $0xFFFFC000  }
0xa9: {  	[spmem:s2] =	stream.indirect.scatter.add.f32 [tilespmem:s11], [sflag:$0x2], $0x10, s17, s10, $0xb8;
	[tilespmem:$0xDF10] =	vst v63  }
0xaa: {  	_ =	swait.ge [sflag:s6], $0x4000  }
0xab: {  	[sflag:s6] =	ssyncset.done $0x0  }
0xac: {  	[sflag:s6] =	ssyncadd.s32 $0xFFFFC000  }
0xad: {  	[tilespmem:s11], [sflag:$0x1] =	stream.indirect.gather [spmem:s3], $0x10, s18, s10, $0xb8;
	[tilespmem:$0xDF10] =	vst v63  }
0xae: {  	_ =	swait.ge [sflag:s12], $0x4000  }
0xaf: {  	[sflag:s12] =	ssyncset.done $0x0  }
0xb0: {  	[sflag:s12] =	ssyncadd.s32 $0xFFFFC000  }
0xb1: {  	[spmem:s2] =	stream.indirect.scatter.add.f32 [tilespmem:s11], [sflag:$0x2], $0x10, s19, s10, $0xb8;
	[tilespmem:$0xDF10] =	vst v63  }
0xb2: {  	_ =	swait.ge [sflag:s6], $0x4000  }
0xb3: {  	[sflag:s6] =	ssyncset.done $0x0  }
0xb4: {  	[sflag:s6] =	ssyncadd.s32 $0xFFFFC000  }
0xb5: {  	[tilespmem:s11], [sflag:$0x1] =	stream.indirect.gather [spmem:s3], $0x10, s20, s10, $0xb8;
	[tilespmem:$0xDF10] =	vst v63  }
0xb6: {  	_ =	swait.ge [sflag:s12], $0x4000  }
0xb7: {  	[sflag:s12] =	ssyncset.done $0x0  }
0xb8: {  	[sflag:s12] =	ssyncadd.s32 $0xFFFFC000  }
0xb9: {  	[spmem:s2] =	stream.indirect.scatter.add.f32 [tilespmem:s11], [sflag:$0x2], $0x10, s21, s10, $0xb8;
	[tilespmem:$0xDF10] =	vst v63  }
0xba: {  	_ =	swait.ge [sflag:s6], $0x4000  }
0xbb: {  	[sflag:s6] =	ssyncset.done $0x0  }
0xbc: {  	[sflag:s6] =	ssyncadd.s32 $0xFFFFC000  }
0xbd: {  	[tilespmem:s11], [sflag:$0x1] =	stream.indirect.gather [spmem:s3], $0x10, s22, s10, $0xb8;
	[tilespmem:$0xDF10] =	vst v63  }
0xbe: {  	_ =	swait.ge [sflag:s12], $0x4000  }
0xbf: {  	[sflag:s12] =	ssyncset.done $0x0  }
0xc0: {  	[sflag:s12] =	ssyncadd.s32 $0xFFFFC000  }
0xc1: {  	[spmem:s2] =	stream.indirect.scatter.add.f32 [tilespmem:s11], [sflag:$0x2], $0x10, s23, s10, $0xb8;
	[tilespmem:$0xDF10] =	vst v63  }
0xc2: {  	_ =	swait.ge [sflag:s6], $0x4000  }
0xc3: {  	[sflag:s6] =	ssyncset.done $0x0  }
0xc4: {  	[sflag:s6] =	ssyncadd.s32 $0xFFFFC000  }
0xc5: {  	[tilespmem:s11], [sflag:$0x1] =	stream.indirect.gather [spmem:s3], $0x10, s24, s10, $0xb8;
	[tilespmem:$0xDF10] =	vst v63  }
0xc6: {  	_ =	swait.ge [sflag:s12], $0x4000  }
0xc7: {  	[sflag:s12] =	ssyncset.done $0x0  }
0xc8: {  	[sflag:s12] =	ssyncadd.s32 $0xFFFFC000  }
0xc9: {  	[spmem:s2] =	stream.indirect.scatter.add.f32 [tilespmem:s11], [sflag:$0x2], $0x10, s25, s10, $0xb8;
	[tilespmem:$0xDF10] =	vst v63  }
0xca: {  	_ =	swait.ge [sflag:s6], $0x4000  }
0xcb: {  	[sflag:s6] =	ssyncset.done $0x0  }
0xcc: {  	[sflag:s6] =	ssyncadd.s32 $0xFFFFC000  }
0xcd: {  	[tilespmem:s11], [sflag:$0x1] =	stream.indirect.gather [spmem:s3], $0x10, s26, s10, $0xb8;
	[tilespmem:$0xDF10] =	vst v63  }
0xce: {  	_ =	swait.ge [sflag:s12], $0x4000  }
0xcf: {  	[sflag:s12] =	ssyncset.done $0x0  }
0xd0: {  	[sflag:s12] =	ssyncadd.s32 $0xFFFFC000  }
0xd1: {  	[spmem:s2] =	stream.indirect.scatter.add.f32 [tilespmem:s11], [sflag:$0x2], $0x10, s28, s10, $0xb8;
	[tilespmem:$0xDF10] =	vst v63  }
0xd2: {  	_ =	swait.ge [sflag:s6], $0x4000  }
0xd3: {  	[sflag:s6] =	ssyncset.done $0x0  }
0xd4: {  	[sflag:s6] =	ssyncadd.s32 $0xFFFFC000  }
0xd5: {  	[tilespmem:s11], [sflag:$0x1] =	stream.indirect.gather [spmem:s3], $0x10, s29, s10, $0xb8;
	[tilespmem:$0xDF10] =	vst v63  }
0xd6: {  	_ =	swait.ge [sflag:s12], $0x4000  }
0xd7: {  	[sflag:s12] =	ssyncset.done $0x0  }
0xd8: {  	[sflag:s12] =	ssyncadd.s32 $0xFFFFC000  }
0xd9: {  	[spmem:s2] =	stream.indirect.scatter.add.f32 [tilespmem:s11], [sflag:$0x2], $0x10, s30, s10, $0xb8;
	[tilespmem:$0xDF10] =	vst v63  }
0xda: {  	p0 =	sne.s32 s0, $0x1;
	_ =	swait.ge [sflag:s6], $0x4000  }
.Ltmp1:
0xdb: {  	[sflag:s6] =	ssyncset.done $0x0;
	(pc) =	sbr.rel @p0 .LBB2_1-.Ltmp1, $4  }
0xdc: {  	[sflag:s6] =	ssyncadd.s32 $0xFFFFC000  }
0xdd: {  	[bflag:$0x0] =	sbarrier.arrive $0xFFFF  }
0xde: {  	[hbm:s31], [sflag:s5] =	dma.local [spmem:s7], $0x500  }
0xdf: {  	s0 =	sadd.s32 $0xFFFFFFFF, s0;
	_ =	swait.ge [sflag:s6], $0x500  }
.LBB2_2:
0xe0: {  	[sflag:s6] =	ssyncset.done $0x0  }
0xe1: {  	[sflag:s6] =	ssyncadd.s32 $0xFFFFFB00  }
0xe2: {  	_ =	sfence.sel $0x180000  }
0xe3: {  	[bflag:$0x0] =	sbarrier.arrive $0xFFFF  }
0xe4: {  	_ =	strace $0x90000053  }
0xe5: {  	s0 =	stileid.u32;
	[bflag:$0x2] =	sbarrier.arrive $0xFFFF  }
0xe6: {  	p0 =	sne.s32 s0, $0x0;
	s0 =	rddreg [dreg:$0x4]  }
0xe7: {  	s0 =	sadd.s32 @!p0 $0x100000, s0  }
0xe8: {  	[sflag:s0] =	ssyncadd.tile.s32 @!p0 $0x1;
	_ =	shalt  }
.Lfunc_end2:
_tile_overlayer_lowered:
.L_overlay_start_2:
0xe9: {  	(tag) =	ssettag $0x2  }
0xea: {  	s0 =	rddreg [dreg:$0x0];
	s2 =	stileid.u32  }
0xeb: {  	s1 =	rddreg [dreg:$0x1];
	p0 =	sne.s32 s2, $0x0  }
0xec: {  	s3 =	rddreg [dreg:$0x2];
	[bflag:$0x3] =	sbarrier.arrive $0xFFFF;
	s2 =	simm.s32 @!p0 $0x1C02  }
0xed: {  	[timem:s3], [sflag:s2] =	dma.local @!p0 [hbm:s0], s1  }
0xee: {  	s0 =	simm.s32 @!p0 $0x2  }
0xef: {  	_ =	swait.ge @!p0 [sflag:s0], s1  }
0xf0: {  	s1 =	ssub.s32 @!p0 $0x0, s1;
	[sflag:s0] =	ssyncset.done @!p0 $0x0  }
0xf1: {  	[sflag:s0] =	ssyncadd.s32 @!p0 s1  }
0xf2: {  	[bflag:$0x3] =	sbarrier.arrive $0xFFFF  }
0xf3: {  	_ =	shalt  }

</sc_bundles>
